<compile_context>
chip_gen: v7x
topology: tpu7x:2x2x1
jax: 0.10.2.dev20260603
libtpu: 0.0.44.dev20260713+nightly
codegen_flags: <defaults>
</compile_context>

<pallas_src>
import functools

import jax
import jax.numpy as jnp
from jax import lax
from jax.experimental import pallas as pl
from jax.experimental.pallas import tpu as pltpu
from jax.experimental.pallas import tpu_sc as plsc

B = 16384
N_NUM = 13
N_CAT = 26
CARD1 = 100001
D = 32
N_FEAT = N_NUM + N_CAT

NC = 2
NS = 16
NWORK = NC * NS
L = 16

CH = 1024
NSLAB = 97
SFULL = NSLAB * CH
TAILN = CARD1 - SFULL
NITEM = N_CAT * NSLAB

BPT = B // NWORK
G = 32
NCHUNK = BPT // G
R = G * N_CAT
RP = 33


def _detile_body(tbl_hbm, xct_hbm, tailflat_hbm, tflat_hbm, xcf_hbm,
                 lanes_a, packed_a, xrow_v, xcbuf_v, sem_a):
    c = lax.axis_index("c")
    s = lax.axis_index("s")
    wid = s * NC + c

    iota = lax.iota(jnp.int32, L)

    def _xc(f, _):
        pltpu.sync_copy(xct_hbm.at[f, pl.ds(wid * BPT, BPT)], xrow_v)

        def _pack(v, _):
            off = (v >> 1) * (N_CAT * G) + f * G + (v & 1) * L
            xcbuf_v[pl.ds(off, L)] = xrow_v[pl.ds(v * L, L)]
            return 0
        lax.fori_loop(0, BPT // L, _pack, 0, unroll=4)
        return 0
    lax.fori_loop(0, N_CAT, _xc, 0)
    pltpu.sync_copy(xcbuf_v, xcf_hbm.at[pl.ds(wid * BPT * N_CAT, BPT * N_CAT)])

    def _diag_transpose(lanes_v, packed_v):
        def _c0(c0, _):
            cd = lax.rem(c0 + iota, D)
            srcb = cd * CH
            dstb = iota * D + cd

            def _i0(v, _):
                vals = plsc.load_gather(lanes_v, [srcb + v * L + iota])
                plsc.store_scatter(packed_v, [dstb + v * (L * D)], vals)
                return 0
            lax.fori_loop(0, CH // L, _i0, 0, unroll=4)
            return 0
        lax.fori_loop(0, D, _c0, 0)

    def _item(k, _):
        it = wid + k * NWORK

        @pl.when(it < NITEM)
        def _():
            f = it // NSLAB
            i0 = (it % NSLAB) * CH
            descs = []
            for cc in range(D):
                descs.append(pltpu.async_copy(
                    tbl_hbm.at[f, cc, pl.ds(i0, CH)],
                    lanes_a.at[pl.ds(cc * CH, CH)], sem_a))
            for d in descs:
                d.wait()
            _diag_transpose(lanes_a, packed_a)
            pltpu.sync_copy(
                packed_a, tflat_hbm.at[pl.ds((f * CARD1 + i0) * D, CH * D)])
        return 0

    lax.fori_loop(0, (NITEM + NWORK - 1) // NWORK, _item, 0)

    @pl.when(wid < N_CAT)
    def _():
        f = wid
        nt = TAILN * D
        pltpu.sync_copy(tailflat_hbm.at[pl.ds(f * nt, nt)],
                        lanes_a.at[pl.ds(0, nt)])
        pltpu.sync_copy(lanes_a.at[pl.ds(0, nt)],
                        tflat_hbm.at[pl.ds((f * CARD1 + SFULL) * D, nt)])


_detile = functools.partial(
    pl.kernel,
    out_type=(jax.ShapeDtypeStruct((N_CAT * CARD1 * D,), jnp.float32),
              jax.ShapeDtypeStruct((B * N_CAT,), jnp.int32)),
    mesh=plsc.VectorSubcoreMesh(core_axis_name="c", subcore_axis_name="s"),
    scratch_types=[
        pltpu.VMEM((D * CH,), jnp.float32),
        pltpu.VMEM((CH * D,), jnp.float32),
        pltpu.VMEM((BPT,), jnp.int32),
        pltpu.VMEM((BPT * N_CAT,), jnp.int32),
        pltpu.SemaphoreType.DMA,
    ],
    compiler_params=pltpu.CompilerParams(use_tc_tiling_on_sc=True,
                                         needs_layout_passes=False),
)(_detile_body)


def _gather_body(tflat_hbm, xcf_hbm, lnb_hbm, numw_hbm, numb_hbm,
                 femb_hbm, out_hbm,
                 ids_v, idx_v, rows_v, obuf_v,
                 lnb_v, nw_v, nb_v, fe_v, numc_v, sem):
    c = lax.axis_index("c")
    s = lax.axis_index("s")
    wid = s * NC + c

    pltpu.sync_copy(lnb_hbm, lnb_v)
    pltpu.sync_copy(numw_hbm, nw_v)
    pltpu.sync_copy(numb_hbm, nb_v)
    pltpu.sync_copy(femb_hbm, fe_v)

    iota = lax.iota(jnp.int32, L)

    def _numc(v, _):
        pos = v * L + iota
        sl = pl.ds(v * L, L)
        lnb16 = plsc.load_gather(lnb_v, [pos >> 5])
        numc_v[sl] = lnb16 * nw_v[sl] + nb_v[sl] + fe_v[sl]
        return 0
    lax.fori_loop(0, (N_NUM * D) // L, _numc, 0)

    def _numfill(j, _):
        for h in range(2):
            cvec = h * L + iota
            tc16 = cvec >> 3
            cr16 = cvec & 7
            val = numc_v[pl.ds(j * D + h * L, L)]

            def _g(g, _):
                plsc.store_scatter(
                    obuf_v,
                    [jnp.full((L,), j, jnp.int32), tc16, cr16,
                     jnp.full((L,), g, jnp.int32)], val)
                return 0
            lax.fori_loop(0, G, _g, 0, unroll=4)
        return 0
    lax.fori_loop(0, N_NUM, _numfill, 0)

    def _chunk(ci, _):
        b0 = wid * BPT + ci * G
        tb = b0 // 128
        brh = (b0 % 128) // G

        pltpu.sync_copy(xcf_hbm.at[pl.ds(wid * BPT * N_CAT + ci * R, R)],
                        ids_v)

        def _idx(v, _):
            pos = v * L + iota
            sl = pl.ds(v * L, L)
            idx_v[sl] = ids_v[sl] + (pos >> 5) * CARD1
            return 0
        lax.fori_loop(0, R // L, _idx, 0, unroll=4)

        pltpu.async_copy(tflat_hbm.at[idx_v], rows_v, sem).wait()

        def _perm(f, _):
            j16 = jnp.full((L,), N_NUM + f, jnp.int32)
            for h in range(2):
                cvec = h * L + iota
                tc16 = cvec >> 3
                cr16 = cvec & 7
                fev = fe_v[pl.ds((N_NUM + f) * D + h * L, L)]

                def _g(g, _):
                    val = rows_v[f * G + g, pl.ds(h * L, L)] + fev
                    plsc.store_scatter(
                        obuf_v,
                        [j16, tc16, cr16, jnp.full((L,), g, jnp.int32)],
                        val)
                    return 0
                lax.fori_loop(0, G, _g, 0, unroll=4)
            return 0
        lax.fori_loop(0, N_CAT, _perm, 0)

        pltpu.sync_copy(obuf_v.at[:, :, :, pl.ds(0, G)],
                        out_hbm.at[:, :, tb, :, brh, :])
        return 0

    lax.fori_loop(0, NCHUNK, _chunk, 0)


_gather = functools.partial(
    pl.kernel,
    out_type=jax.ShapeDtypeStruct((N_FEAT, 4, B // 128, 8, 128 // G, G),
                                  jnp.float32),
    mesh=plsc.VectorSubcoreMesh(core_axis_name="c", subcore_axis_name="s"),
    scratch_types=[
        pltpu.VMEM((R,), jnp.int32),
        pltpu.VMEM((R,), jnp.int32),
        pltpu.VMEM((R, D), jnp.float32),
        pltpu.VMEM((N_FEAT, 4, 8, RP), jnp.float32),
        pltpu.VMEM((16,), jnp.float32),
        pltpu.VMEM((N_NUM * D,), jnp.float32),
        pltpu.VMEM((N_NUM * D,), jnp.float32),
        pltpu.VMEM((N_FEAT * D,), jnp.float32),
        pltpu.VMEM((N_NUM * D,), jnp.float32),
        pltpu.SemaphoreType.DMA,
    ],
    compiler_params=pltpu.CompilerParams(use_tc_tiling_on_sc=False,
                                         needs_layout_passes=False),
)(_gather_body)


def kernel(x_num, x_cat, ln_g, ln_b, num_w, num_b, cat_tables, feat_emb):
    del x_num, ln_g
    tbl_t = cat_tables.transpose(0, 2, 1)
    xct = x_cat.T
    tailflat = cat_tables[:, SFULL:, :].reshape(N_CAT * TAILN * D)
    tflat, xcf = _detile(tbl_t, xct, tailflat)
    lnb16 = jnp.pad(ln_b.reshape(N_NUM), (0, 16 - N_NUM))
    out6 = _gather(tflat.reshape(N_CAT * CARD1, D), xcf, lnb16,
                   num_w.reshape(N_NUM * D), num_b.reshape(N_NUM * D),
                   feat_emb.reshape(N_FEAT * D))
    return out6.transpose(2, 4, 5, 0, 1, 3).reshape(B, N_FEAT, D)

# --- scband reference (transcript-rebuilt; emitter-appended) ---
"""Pipeline reference for scband-feature-tokenizer-2181843387009 (READ-ONLY COPY).

The authoritative reference and input builder live on the scoring server;
editing this copy changes nothing except your own understanding.
"""

import jax, jax.numpy as jnp
import numpy as np

B = 16384
N_NUM = 13
N_CAT = 26
CARD = 100000
D = 32
N_FEAT = N_NUM + N_CAT


def setup_inputs(seed: int = 0) -> dict:
    key = jax.random.key(seed)
    ks = jax.random.split(key, 6)
    x_num = jax.random.normal(ks[0], (B, N_NUM), dtype=jnp.float32)
    x_cat = jax.random.randint(ks[1], (B, N_CAT), 0, CARD, dtype=jnp.int32)
    # LayerNorm(1) params per numeric feature (gamma init 1, beta init 0)
    ln_g = jnp.ones((N_NUM, 1), dtype=jnp.float32)
    ln_b = jnp.zeros((N_NUM, 1), dtype=jnp.float32)
    # Linear(1, d_model) per numeric feature: weight [n_num, D], bias [n_num, D]
    num_w = jax.random.normal(ks[2], (N_NUM, D), dtype=jnp.float32) * 0.02
    num_b = jnp.zeros((N_NUM, D), dtype=jnp.float32)
    # Stacked categorical embedding tables (card+1 rows each for <unk>)
    cat_tables = jax.random.normal(ks[3], (N_CAT, CARD + 1, D), dtype=jnp.float32) * 0.02
    # Feature-identity embedding
    feat_emb = jax.random.normal(ks[4], (N_FEAT, D), dtype=jnp.float32) * 0.02
    return {
        'x_num': x_num,
        'x_cat': x_cat,
        'ln_g': ln_g,
        'ln_b': ln_b,
        'num_w': num_w,
        'num_b': num_b,
        'cat_tables': cat_tables,
        'feat_emb': feat_emb,
    }


def reference(x_num, x_cat, ln_g, ln_b, num_w, num_b, cat_tables, feat_emb):
    # numeric: per-feature LayerNorm over a size-1 dim, then Linear(1, D)
    xr = x_num[:, :, None]  # [B, n_num, 1]
    mu = jnp.mean(xr, axis=-1, keepdims=True)
    var = jnp.var(xr, axis=-1, keepdims=True)
    normed = (xr - mu) / jnp.sqrt(var + 1e-5) * ln_g[None] + ln_b[None]  # [B, n_num, 1]
    tok_num = normed * num_w[None] + num_b[None]  # [B, n_num, D]
    # categorical: per-field embedding lookup (gather)
    fids = jnp.arange(N_CAT)
    tok_cat = cat_tables[fids[None, :], x_cat]  # [B, n_cat, D]
    x = jnp.concatenate([tok_num, tok_cat], axis=1)  # [B, n_feat, D]
    ids = jnp.arange(N_FEAT)
    x = x + feat_emb[ids][None]
    return x

if __name__ == "__main__":
    import jax
    _d = setup_inputs()
    print(jax.jit(kernel)(*tuple(_d.values())))

</pallas_src>

<mosaic_0001>
#map = affine_map<(d0, d1) -> (0, 0)>
#map1 = affine_map<(d0, d1) -> (0)>
#map2 = affine_map<(d0, d1) -> (0, 0, 0, 0, 0, 0)>
module attributes {stable_mosaic.version = 14 : i64} {
  func.func @_gather_body(%arg0: i32, %arg1: i32, %arg2: memref<2600026x32xf32, #tpu.memory_space<hbm>>, %arg3: memref<425984xi32, #tpu.memory_space<hbm>>, %arg4: memref<16xf32, #tpu.memory_space<hbm>>, %arg5: memref<416xf32, #tpu.memory_space<hbm>>, %arg6: memref<416xf32, #tpu.memory_space<hbm>>, %arg7: memref<1248xf32, #tpu.memory_space<hbm>>, %arg8: memref<39x4x128x8x4x32xf32, #tpu.memory_space<hbm>>, %arg9: memref<832xi32, #tpu.memory_space<vmem>>, %arg10: memref<832xi32, #tpu.memory_space<vmem>>, %arg11: memref<832x32xf32, #tpu.memory_space<vmem>>, %arg12: memref<39x4x8x33xf32, #tpu.memory_space<vmem>>, %arg13: memref<16xf32, #tpu.memory_space<vmem>>, %arg14: memref<416xf32, #tpu.memory_space<vmem>>, %arg15: memref<416xf32, #tpu.memory_space<vmem>>, %arg16: memref<1248xf32, #tpu.memory_space<vmem>>, %arg17: memref<416xf32, #tpu.memory_space<vmem>>, %arg18: memref<!tpu.dma_semaphore, #tpu.memory_space<semaphore_mem>>) attributes {dimension_semantics = [#tpu.dimension_semantics<core_parallel>, #tpu.dimension_semantics<subcore_parallel>], iteration_bounds = array<i64: 2, 16>, scalar_prefetch = 0 : i64, scratch_operands = 10 : i64, tpu.core_type = #tpu.core_type<sc_vector_subcore>, window_params = [{transform_indices = #map}, {transform_indices = #map1}, {transform_indices = #map1}, {transform_indices = #map1}, {transform_indices = #map1}, {transform_indices = #map1}, {transform_indices = #map2}]} {
    %mul3A = arith.constant 2 : i32
    %mul3A_0 = arith.muli %arg1, %mul3A : i32
    %add3A = arith.addi %mul3A_0, %arg0 : i32
    "tpu.region"() ({
      %run_scoped3A = tpu.sem_alloc : memref<!tpu.dma_semaphore, #tpu.memory_space<semaphore_mem>>
      tpu.enqueue_dma source(%arg4 : memref<16xf32, #tpu.memory_space<hbm>>) target(%arg13 : memref<16xf32, #tpu.memory_space<vmem>>) target_semaphore(%run_scoped3A : memref<!tpu.dma_semaphore, #tpu.memory_space<semaphore_mem>>)
      tpu.wait_dma2 semaphore(%run_scoped3A : memref<!tpu.dma_semaphore, #tpu.memory_space<semaphore_mem>>) src(%arg4 : memref<16xf32, #tpu.memory_space<hbm>>) dst(%arg13 : memref<16xf32, #tpu.memory_space<vmem>>)
      tpu.yield
    }) : () -> ()
    "tpu.region"() ({
      %run_scoped3A = tpu.sem_alloc : memref<!tpu.dma_semaphore, #tpu.memory_space<semaphore_mem>>
      tpu.enqueue_dma source(%arg5 : memref<416xf32, #tpu.memory_space<hbm>>) target(%arg14 : memref<416xf32, #tpu.memory_space<vmem>>) target_semaphore(%run_scoped3A : memref<!tpu.dma_semaphore, #tpu.memory_space<semaphore_mem>>)
      tpu.wait_dma2 semaphore(%run_scoped3A : memref<!tpu.dma_semaphore, #tpu.memory_space<semaphore_mem>>) src(%arg5 : memref<416xf32, #tpu.memory_space<hbm>>) dst(%arg14 : memref<416xf32, #tpu.memory_space<vmem>>)
      tpu.yield
    }) : () -> ()
    "tpu.region"() ({
      %run_scoped3A = tpu.sem_alloc : memref<!tpu.dma_semaphore, #tpu.memory_space<semaphore_mem>>
      tpu.enqueue_dma source(%arg6 : memref<416xf32, #tpu.memory_space<hbm>>) target(%arg15 : memref<416xf32, #tpu.memory_space<vmem>>) target_semaphore(%run_scoped3A : memref<!tpu.dma_semaphore, #tpu.memory_space<semaphore_mem>>)
      tpu.wait_dma2 semaphore(%run_scoped3A : memref<!tpu.dma_semaphore, #tpu.memory_space<semaphore_mem>>) src(%arg6 : memref<416xf32, #tpu.memory_space<hbm>>) dst(%arg15 : memref<416xf32, #tpu.memory_space<vmem>>)
      tpu.yield
    }) : () -> ()
    "tpu.region"() ({
      %run_scoped3A = tpu.sem_alloc : memref<!tpu.dma_semaphore, #tpu.memory_space<semaphore_mem>>
      tpu.enqueue_dma source(%arg7 : memref<1248xf32, #tpu.memory_space<hbm>>) target(%arg16 : memref<1248xf32, #tpu.memory_space<vmem>>) target_semaphore(%run_scoped3A : memref<!tpu.dma_semaphore, #tpu.memory_space<semaphore_mem>>)
      tpu.wait_dma2 semaphore(%run_scoped3A : memref<!tpu.dma_semaphore, #tpu.memory_space<semaphore_mem>>) src(%arg7 : memref<1248xf32, #tpu.memory_space<hbm>>) dst(%arg16 : memref<1248xf32, #tpu.memory_space<vmem>>)
      tpu.yield
    }) : () -> ()
    %iota3A = tpu.iota {dimensions = array<i32: 0>} : vector<16xi32>
    %scan3A = arith.constant 0 : i32
    %scan3A_1 = arith.constant 0 : i32
    %scan3A_2 = arith.constant 26 : i32
    %scan3A_3 = arith.addi %scan3A_1, %scan3A_2 : i32
    %scan3A_4 = arith.constant 1 : i32
    %scan3A_5 = scf.for %scan3A_21 = %scan3A_1 to %scan3A_3 step %scan3A_4 iter_args(%scan3A_22 = %scan3A) -> (i32)  : i32 {
      %mul3A_23 = arith.constant 16 : i32
      %mul3A_24 = arith.muli %scan3A_21, %mul3A_23 : i32
      %add3A_25 = vector.broadcast %mul3A_24 : i32 to vector<16xi32>
      %add3A_26 = arith.addi %add3A_25, %iota3A : vector<16xi32>
      %mul3A_27 = arith.constant 16 : i32
      %mul3A_28 = arith.muli %scan3A_21, %mul3A_27 : i32
      %shift_right_arithmetic3A = arith.constant 5 : i32
      %shift_right_arithmetic3A_29 = vector.broadcast %shift_right_arithmetic3A : i32 to vector<16xi32>
      %shift_right_arithmetic3A_30 = arith.shrsi %add3A_26, %shift_right_arithmetic3A_29 : vector<16xi32>
      %gather3A = tpu.vector_load_idx %arg13[%shift_right_arithmetic3A_30] : memref<16xf32, #tpu.memory_space<vmem>>[vector<16xi32>], vector<16xf32>,
      %get3A = arith.index_cast %mul3A_28 : i32 to index
      %get3A_31 = tpu.vector_load %arg14[%get3A] {strides = array<i32>} : memref<416xf32, #tpu.memory_space<vmem>>, vector<16xf32>,
      %mul3A_32 = arith.mulf %gather3A, %get3A_31 : vector<16xf32>
      %get3A_33 = arith.index_cast %mul3A_28 : i32 to index
      %get3A_34 = tpu.vector_load %arg15[%get3A_33] {strides = array<i32>} : memref<416xf32, #tpu.memory_space<vmem>>, vector<16xf32>,
      %add3A_35 = arith.addf %mul3A_32, %get3A_34 : vector<16xf32>
      %get3A_36 = arith.index_cast %mul3A_28 : i32 to index
      %get3A_37 = tpu.vector_load %arg16[%get3A_36] {strides = array<i32>} : memref<1248xf32, #tpu.memory_space<vmem>>, vector<16xf32>,
      %add3A_38 = arith.addf %add3A_35, %get3A_37 : vector<16xf32>
      %swap3A = arith.index_cast %mul3A_28 : i32 to index
      %swap3A_39 = tpu.vector_load %arg17[%swap3A] {strides = array<i32>} : memref<416xf32, #tpu.memory_space<vmem>>, vector<16xf32>,
      tpu.vector_store %arg17[%swap3A], %add3A_38 {strides = array<i32>} : memref<416xf32, #tpu.memory_space<vmem>>, vector<16xf32>,
      %scan3A_40 = arith.constant 0 : i32
      scf.yield %scan3A_40 : i32
    }
    %scan3A_6 = arith.constant 26 : i32
    %scan3A_7 = arith.constant 0 : i32
    %scan3A_8 = arith.constant 0 : i32
    %scan3A_9 = arith.constant 13 : i32
    %scan3A_10 = arith.addi %scan3A_8, %scan3A_9 : i32
    %scan3A_11 = arith.constant 1 : i32
    %scan3A_12 = scf.for %scan3A_21 = %scan3A_8 to %scan3A_10 step %scan3A_11 iter_args(%scan3A_22 = %scan3A_7) -> (i32)  : i32 {
      %add3A_23 = arith.constant 0 : i32
      %add3A_24 = vector.broadcast %add3A_23 : i32 to vector<16xi32>
      %add3A_25 = arith.addi %add3A_24, %iota3A : vector<16xi32>
      %shift_right_arithmetic3A = arith.constant 3 : i32
      %shift_right_arithmetic3A_26 = vector.broadcast %shift_right_arithmetic3A : i32 to vector<16xi32>
      %shift_right_arithmetic3A_27 = arith.shrsi %add3A_25, %shift_right_arithmetic3A_26 : vector<16xi32>
      %and3A = arith.constant 7 : i32
      %and3A_28 = vector.broadcast %and3A : i32 to vector<16xi32>
      %and3A_29 = arith.andi %add3A_25, %and3A_28 : vector<16xi32>
      %mul3A_30 = arith.constant 32 : i32
      %mul3A_31 = arith.muli %scan3A_21, %mul3A_30 : i32
      %add3A_32 = arith.constant 0 : i32
      %add3A_33 = arith.addi %mul3A_31, %add3A_32 : i32
      %get3A = arith.index_cast %add3A_33 : i32 to index
      %get3A_34 = tpu.vector_load %arg17[%get3A] {strides = array<i32>} : memref<416xf32, #tpu.memory_space<vmem>>, vector<16xf32>,
      %scan3A_35 = arith.constant 0 : i32
      %scan3A_36 = arith.constant 0 : i32
      %scan3A_37 = arith.constant 32 : i32
      %scan3A_38 = arith.addi %scan3A_36, %scan3A_37 : i32
      %scan3A_39 = arith.constant 4 : i32
      %scan3A_40 = scf.for %scan3A_65 = %scan3A_36 to %scan3A_38 step %scan3A_39 iter_args(%scan3A_66 = %scan3A_35) -> (i32)  : i32 {
        %broadcast_in_dim3A = vector.broadcast %scan3A_21 : i32 to vector<16xi32>
        %broadcast_in_dim3A_67 = vector.broadcast %scan3A_65 : i32 to vector<16xi32>
        tpu.vector_store_idx %arg12[%broadcast_in_dim3A, %shift_right_arithmetic3A_27, %and3A_29, %broadcast_in_dim3A_67], %get3A_34 : memref<39x4x8x33xf32, #tpu.memory_space<vmem>>[vector<16xi32>, vector<16xi32>, vector<16xi32>, vector<16xi32>], vector<16xf32>,
        %scan3A_68 = arith.constant 0 : i32
        %scan3A_69 = arith.constant 1 : i32
        %scan3A_70 = arith.addi %scan3A_65, %scan3A_69 : i32
        %broadcast_in_dim3A_71 = vector.broadcast %scan3A_21 : i32 to vector<16xi32>
        %broadcast_in_dim3A_72 = vector.broadcast %scan3A_70 : i32 to vector<16xi32>
        tpu.vector_store_idx %arg12[%broadcast_in_dim3A_71, %shift_right_arithmetic3A_27, %and3A_29, %broadcast_in_dim3A_72], %get3A_34 : memref<39x4x8x33xf32, #tpu.memory_space<vmem>>[vector<16xi32>, vector<16xi32>, vector<16xi32>, vector<16xi32>], vector<16xf32>,
        %scan3A_73 = arith.constant 0 : i32
        %scan3A_74 = arith.constant 2 : i32
        %scan3A_75 = arith.addi %scan3A_65, %scan3A_74 : i32
        %broadcast_in_dim3A_76 = vector.broadcast %scan3A_21 : i32 to vector<16xi32>
        %broadcast_in_dim3A_77 = vector.broadcast %scan3A_75 : i32 to vector<16xi32>
        tpu.vector_store_idx %arg12[%broadcast_in_dim3A_76, %shift_right_arithmetic3A_27, %and3A_29, %broadcast_in_dim3A_77], %get3A_34 : memref<39x4x8x33xf32, #tpu.memory_space<vmem>>[vector<16xi32>, vector<16xi32>, vector<16xi32>, vector<16xi32>], vector<16xf32>,
        %scan3A_78 = arith.constant 0 : i32
        %scan3A_79 = arith.constant 3 : i32
        %scan3A_80 = arith.addi %scan3A_65, %scan3A_79 : i32
        %broadcast_in_dim3A_81 = vector.broadcast %scan3A_21 : i32 to vector<16xi32>
        %broadcast_in_dim3A_82 = vector.broadcast %scan3A_80 : i32 to vector<16xi32>
        tpu.vector_store_idx %arg12[%broadcast_in_dim3A_81, %shift_right_arithmetic3A_27, %and3A_29, %broadcast_in_dim3A_82], %get3A_34 : memref<39x4x8x33xf32, #tpu.memory_space<vmem>>[vector<16xi32>, vector<16xi32>, vector<16xi32>, vector<16xi32>], vector<16xf32>,
        %scan3A_83 = arith.constant 0 : i32
        scf.yield %scan3A_83 : i32
      }
      %scan3A_41 = arith.constant 32 : i32
      %add3A_42 = arith.constant 16 : i32
      %add3A_43 = vector.broadcast %add3A_42 : i32 to vector<16xi32>
      %add3A_44 = arith.addi %add3A_43, %iota3A : vector<16xi32>
      %shift_right_arithmetic3A_45 = arith.constant 3 : i32
      %shift_right_arithmetic3A_46 = vector.broadcast %shift_right_arithmetic3A_45 : i32 to vector<16xi32>
      %shift_right_arithmetic3A_47 = arith.shrsi %add3A_44, %shift_right_arithmetic3A_46 : vector<16xi32>
      %and3A_48 = arith.constant 7 : i32
      %and3A_49 = vector.broadcast %and3A_48 : i32 to vector<16xi32>
      %and3A_50 = arith.andi %add3A_44, %and3A_49 : vector<16xi32>
      %mul3A_51 = arith.constant 32 : i32
      %mul3A_52 = arith.muli %scan3A_21, %mul3A_51 : i32
      %add3A_53 = arith.constant 16 : i32
      %add3A_54 = arith.addi %mul3A_52, %add3A_53 : i32
      %get3A_55 = arith.index_cast %add3A_54 : i32 to index
      %get3A_56 = tpu.vector_load %arg17[%get3A_55] {strides = array<i32>} : memref<416xf32, #tpu.memory_space<vmem>>, vector<16xf32>,
      %scan3A_57 = arith.constant 0 : i32
      %scan3A_58 = arith.constant 0 : i32
      %scan3A_59 = arith.constant 32 : i32
      %scan3A_60 = arith.addi %scan3A_58, %scan3A_59 : i32
      %scan3A_61 = arith.constant 4 : i32
      %scan3A_62 = scf.for %scan3A_65 = %scan3A_58 to %scan3A_60 step %scan3A_61 iter_args(%scan3A_66 = %scan3A_57) -> (i32)  : i32 {
        %broadcast_in_dim3A = vector.broadcast %scan3A_21 : i32 to vector<16xi32>
        %broadcast_in_dim3A_67 = vector.broadcast %scan3A_65 : i32 to vector<16xi32>
        tpu.vector_store_idx %arg12[%broadcast_in_dim3A, %shift_right_arithmetic3A_47, %and3A_50, %broadcast_in_dim3A_67], %get3A_56 : memref<39x4x8x33xf32, #tpu.memory_space<vmem>>[vector<16xi32>, vector<16xi32>, vector<16xi32>, vector<16xi32>], vector<16xf32>,
        %scan3A_68 = arith.constant 0 : i32
        %scan3A_69 = arith.constant 1 : i32
        %scan3A_70 = arith.addi %scan3A_65, %scan3A_69 : i32
        %broadcast_in_dim3A_71 = vector.broadcast %scan3A_21 : i32 to vector<16xi32>
        %broadcast_in_dim3A_72 = vector.broadcast %scan3A_70 : i32 to vector<16xi32>
        tpu.vector_store_idx %arg12[%broadcast_in_dim3A_71, %shift_right_arithmetic3A_47, %and3A_50, %broadcast_in_dim3A_72], %get3A_56 : memref<39x4x8x33xf32, #tpu.memory_space<vmem>>[vector<16xi32>, vector<16xi32>, vector<16xi32>, vector<16xi32>], vector<16xf32>,
        %scan3A_73 = arith.constant 0 : i32
        %scan3A_74 = arith.constant 2 : i32
        %scan3A_75 = arith.addi %scan3A_65, %scan3A_74 : i32
        %broadcast_in_dim3A_76 = vector.broadcast %scan3A_21 : i32 to vector<16xi32>
        %broadcast_in_dim3A_77 = vector.broadcast %scan3A_75 : i32 to vector<16xi32>
        tpu.vector_store_idx %arg12[%broadcast_in_dim3A_76, %shift_right_arithmetic3A_47, %and3A_50, %broadcast_in_dim3A_77], %get3A_56 : memref<39x4x8x33xf32, #tpu.memory_space<vmem>>[vector<16xi32>, vector<16xi32>, vector<16xi32>, vector<16xi32>], vector<16xf32>,
        %scan3A_78 = arith.constant 0 : i32
        %scan3A_79 = arith.constant 3 : i32
        %scan3A_80 = arith.addi %scan3A_65, %scan3A_79 : i32
        %broadcast_in_dim3A_81 = vector.broadcast %scan3A_21 : i32 to vector<16xi32>
        %broadcast_in_dim3A_82 = vector.broadcast %scan3A_80 : i32 to vector<16xi32>
        tpu.vector_store_idx %arg12[%broadcast_in_dim3A_81, %shift_right_arithmetic3A_47, %and3A_50, %broadcast_in_dim3A_82], %get3A_56 : memref<39x4x8x33xf32, #tpu.memory_space<vmem>>[vector<16xi32>, vector<16xi32>, vector<16xi32>, vector<16xi32>], vector<16xf32>,
        %scan3A_83 = arith.constant 0 : i32
        scf.yield %scan3A_83 : i32
      }
      %scan3A_63 = arith.constant 32 : i32
      %scan3A_64 = arith.constant 0 : i32
      scf.yield %scan3A_64 : i32
    }
    %scan3A_13 = arith.constant 13 : i32
    %scan3A_14 = arith.constant 0 : i32
    %scan3A_15 = arith.constant 0 : i32
    %scan3A_16 = arith.constant 16 : i32
    %scan3A_17 = arith.addi %scan3A_15, %scan3A_16 : i32
    %scan3A_18 = arith.constant 1 : i32
    %scan3A_19 = scf.for %scan3A_21 = %scan3A_15 to %scan3A_17 step %scan3A_18 iter_args(%scan3A_22 = %scan3A_14) -> (i32)  : i32 {
      %mul3A_23 = arith.constant 512 : i32
      %mul3A_24 = arith.muli %add3A, %mul3A_23 : i32
      %mul3A_25 = arith.constant 32 : i32
      %mul3A_26 = arith.muli %scan3A_21, %mul3A_25 : i32
      %add3A_27 = arith.addi %mul3A_24, %mul3A_26 : i32
      %jit3A = arith.constant 128 : i32
      %div3A = arith.divsi %add3A_27, %jit3A : i32
      %sign3A = arith.constant 0 : i32
      %sign3A_28 = arith.cmpi sgt, %add3A_27, %sign3A : i32
      %sign3A_29 = arith.extui %sign3A_28 : i1 to i32
      %sign3A_30 = arith.constant 0 : i32
      %sign3A_31 = arith.cmpi slt, %add3A_27, %sign3A_30 : i32
      %sign3A_32 = arith.extui %sign3A_31 : i1 to i32
      %sign3A_33 = arith.subi %sign3A_29, %sign3A_32 : i32
      %sign3A_34 = arith.constant 0 : i32
      %sign3A_35 = arith.cmpi sgt, %jit3A, %sign3A_34 : i32
      %sign3A_36 = arith.extui %sign3A_35 : i1 to i32
      %sign3A_37 = arith.constant 0 : i32
      %sign3A_38 = arith.cmpi slt, %jit3A, %sign3A_37 : i32
      %sign3A_39 = arith.extui %sign3A_38 : i1 to i32
      %sign3A_40 = arith.subi %sign3A_36, %sign3A_39 : i32
      %ne3A = arith.cmpi ne, %sign3A_33, %sign3A_40 : i32
      %rem3A = arith.remsi %add3A_27, %jit3A : i32
      %ne3A_41 = arith.constant 0 : i32
      %ne3A_42 = arith.cmpi ne, %rem3A, %ne3A_41 : i32
      %and3A = arith.andi %ne3A, %ne3A_42 : i1
      %sub3A = arith.constant 1 : i32
      %sub3A_43 = arith.subi %div3A, %sub3A : i32
      %select_n3A = arith.select %and3A, %sub3A_43, %div3A : i32
      %jit3A_44 = arith.constant 128 : i32
      %eq3A = arith.constant 0 : i32
      %eq3A_45 = arith.cmpi eq, %jit3A_44, %eq3A : i32
      %jit3A_46 = arith.constant 1 : i32
      %select_n3A_47 = arith.select %eq3A_45, %jit3A_46, %jit3A_44 : i32
      %rem3A_48 = arith.remsi %add3A_27, %select_n3A_47 : i32
      %ne3A_49 = arith.constant 0 : i32
      %ne3A_50 = arith.cmpi ne, %rem3A_48, %ne3A_49 : i32
      %lt3A = arith.constant 0 : i32
      %lt3A_51 = arith.cmpi slt, %rem3A_48, %lt3A : i32
      %lt3A_52 = arith.constant 0 : i32
      %lt3A_53 = arith.cmpi slt, %select_n3A_47, %lt3A_52 : i32
      %ne3A_54 = arith.xori %lt3A_51, %lt3A_53 : i1
      %and3A_55 = arith.andi %ne3A_54, %ne3A_50 : i1
      %add3A_56 = arith.addi %rem3A_48, %select_n3A_47 : i32
      %select_n3A_57 = arith.select %and3A_55, %add3A_56, %rem3A_48 : i32
      %jit3A_58 = arith.constant 32 : i32
      %div3A_59 = arith.divsi %select_n3A_57, %jit3A_58 : i32
      %sign3A_60 = arith.constant 0 : i32
      %sign3A_61 = arith.cmpi sgt, %select_n3A_57, %sign3A_60 : i32
      %sign3A_62 = arith.extui %sign3A_61 : i1 to i32
      %sign3A_63 = arith.constant 0 : i32
      %sign3A_64 = arith.cmpi slt, %select_n3A_57, %sign3A_63 : i32
      %sign3A_65 = arith.extui %sign3A_64 : i1 to i32
      %sign3A_66 = arith.subi %sign3A_62, %sign3A_65 : i32
      %sign3A_67 = arith.constant 0 : i32
      %sign3A_68 = arith.cmpi sgt, %jit3A_58, %sign3A_67 : i32
      %sign3A_69 = arith.extui %sign3A_68 : i1 to i32
      %sign3A_70 = arith.constant 0 : i32
      %sign3A_71 = arith.cmpi slt, %jit3A_58, %sign3A_70 : i32
      %sign3A_72 = arith.extui %sign3A_71 : i1 to i32
      %sign3A_73 = arith.subi %sign3A_69, %sign3A_72 : i32
      %ne3A_74 = arith.cmpi ne, %sign3A_66, %sign3A_73 : i32
      %rem3A_75 = arith.remsi %select_n3A_57, %jit3A_58 : i32
      %ne3A_76 = arith.constant 0 : i32
      %ne3A_77 = arith.cmpi ne, %rem3A_75, %ne3A_76 : i32
      %and3A_78 = arith.andi %ne3A_74, %ne3A_77 : i1
      %sub3A_79 = arith.constant 1 : i32
      %sub3A_80 = arith.subi %div3A_59, %sub3A_79 : i32
      %select_n3A_81 = arith.select %and3A_78, %sub3A_80, %div3A_59 : i32
      %mul3A_82 = arith.constant 512 : i32
      %mul3A_83 = arith.muli %add3A, %mul3A_82 : i32
      %mul3A_84 = arith.constant 26 : i32
      %mul3A_85 = arith.muli %mul3A_83, %mul3A_84 : i32
      %mul3A_86 = arith.constant 832 : i32
      %mul3A_87 = arith.muli %scan3A_21, %mul3A_86 : i32
      %add3A_88 = arith.addi %mul3A_85, %mul3A_87 : i32
      "tpu.region"() ({
        %run_scoped3A = tpu.sem_alloc : memref<!tpu.dma_semaphore, #tpu.memory_space<semaphore_mem>>
        %dma_start3A_108 = tpu.memref_slice %arg3[%add3A_88] : memref<425984xi32, #tpu.memory_space<hbm>> -> memref<832xi32, #tpu.memory_space<hbm>>
        %dma_start3A_109 = tpu.memref_slice %arg3[%add3A_88] : memref<425984xi32, #tpu.memory_space<hbm>> -> memref<832xi32, #tpu.memory_space<hbm>>
        tpu.enqueue_dma source(%dma_start3A_109 : memref<832xi32, #tpu.memory_space<hbm>>) target(%arg9 : memref<832xi32, #tpu.memory_space<vmem>>) target_semaphore(%run_scoped3A : memref<!tpu.dma_semaphore, #tpu.memory_space<semaphore_mem>>)
        %dma_wait3A_110 = tpu.memref_slice %arg3[%add3A_88] : memref<425984xi32, #tpu.memory_space<hbm>> -> memref<832xi32, #tpu.memory_space<hbm>>
        %dma_wait3A_111 = tpu.memref_slice %arg3[%add3A_88] : memref<425984xi32, #tpu.memory_space<hbm>> -> memref<832xi32, #tpu.memory_space<hbm>>
        tpu.wait_dma2 semaphore(%run_scoped3A : memref<!tpu.dma_semaphore, #tpu.memory_space<semaphore_mem>>) src(%dma_wait3A_111 : memref<832xi32, #tpu.memory_space<hbm>>) dst(%arg9 : memref<832xi32, #tpu.memory_space<vmem>>)
        tpu.yield
      }) : () -> ()
      %scan3A_89 = arith.constant 0 : i32
      %scan3A_90 = arith.constant 0 : i32
      %scan3A_91 = arith.constant 52 : i32
      %scan3A_92 = arith.addi %scan3A_90, %scan3A_91 : i32
      %scan3A_93 = arith.constant 4 : i32
      %scan3A_94 = scf.for %scan3A_108 = %scan3A_90 to %scan3A_92 step %scan3A_93 iter_args(%scan3A_109 = %scan3A_89) -> (i32)  : i32 {
        %mul3A_110 = arith.constant 16 : i32
        %mul3A_111 = arith.muli %scan3A_108, %mul3A_110 : i32
        %add3A_112 = vector.broadcast %mul3A_111 : i32 to vector<16xi32>
        %add3A_113 = arith.addi %add3A_112, %iota3A : vector<16xi32>
        %mul3A_114 = arith.constant 16 : i32
        %mul3A_115 = arith.muli %scan3A_108, %mul3A_114 : i32
        %get3A = arith.index_cast %mul3A_115 : i32 to index
        %get3A_116 = tpu.vector_load %arg9[%get3A] {strides = array<i32>} : memref<832xi32, #tpu.memory_space<vmem>>, vector<16xi32>,
        %shift_right_arithmetic3A = arith.constant 5 : i32
        %shift_right_arithmetic3A_117 = vector.broadcast %shift_right_arithmetic3A : i32 to vector<16xi32>
        %shift_right_arithmetic3A_118 = arith.shrsi %add3A_113, %shift_right_arithmetic3A_117 : vector<16xi32>
        %mul3A_119 = arith.constant 100001 : i32
        %mul3A_120 = vector.broadcast %mul3A_119 : i32 to vector<16xi32>
        %mul3A_121 = arith.muli %shift_right_arithmetic3A_118, %mul3A_120 : vector<16xi32>
        %add3A_122 = arith.addi %get3A_116, %mul3A_121 : vector<16xi32>
        %swap3A = arith.index_cast %mul3A_115 : i32 to index
        %swap3A_123 = tpu.vector_load %arg10[%swap3A] {strides = array<i32>} : memref<832xi32, #tpu.memory_space<vmem>>, vector<16xi32>,
        tpu.vector_store %arg10[%swap3A], %add3A_122 {strides = array<i32>} : memref<832xi32, #tpu.memory_space<vmem>>, vector<16xi32>,
        %scan3A_124 = arith.constant 0 : i32
        %scan3A_125 = arith.constant 1 : i32
        %scan3A_126 = arith.addi %scan3A_108, %scan3A_125 : i32
        %mul3A_127 = arith.constant 16 : i32
        %mul3A_128 = arith.muli %scan3A_126, %mul3A_127 : i32
        %add3A_129 = vector.broadcast %mul3A_128 : i32 to vector<16xi32>
        %add3A_130 = arith.addi %add3A_129, %iota3A : vector<16xi32>
        %mul3A_131 = arith.constant 16 : i32
        %mul3A_132 = arith.muli %scan3A_126, %mul3A_131 : i32
        %get3A_133 = arith.index_cast %mul3A_132 : i32 to index
        %get3A_134 = tpu.vector_load %arg9[%get3A_133] {strides = array<i32>} : memref<832xi32, #tpu.memory_space<vmem>>, vector<16xi32>,
        %shift_right_arithmetic3A_135 = arith.constant 5 : i32
        %shift_right_arithmetic3A_136 = vector.broadcast %shift_right_arithmetic3A_135 : i32 to vector<16xi32>
        %shift_right_arithmetic3A_137 = arith.shrsi %add3A_130, %shift_right_arithmetic3A_136 : vector<16xi32>
        %mul3A_138 = arith.constant 100001 : i32
        %mul3A_139 = vector.broadcast %mul3A_138 : i32 to vector<16xi32>
        %mul3A_140 = arith.muli %shift_right_arithmetic3A_137, %mul3A_139 : vector<16xi32>
        %add3A_141 = arith.addi %get3A_134, %mul3A_140 : vector<16xi32>
        %swap3A_142 = arith.index_cast %mul3A_132 : i32 to index
        %swap3A_143 = tpu.vector_load %arg10[%swap3A_142] {strides = array<i32>} : memref<832xi32, #tpu.memory_space<vmem>>, vector<16xi32>,
        tpu.vector_store %arg10[%swap3A_142], %add3A_141 {strides = array<i32>} : memref<832xi32, #tpu.memory_space<vmem>>, vector<16xi32>,
        %scan3A_144 = arith.constant 0 : i32
        %scan3A_145 = arith.constant 2 : i32
        %scan3A_146 = arith.addi %scan3A_108, %scan3A_145 : i32
        %mul3A_147 = arith.constant 16 : i32
        %mul3A_148 = arith.muli %scan3A_146, %mul3A_147 : i32
        %add3A_149 = vector.broadcast %mul3A_148 : i32 to vector<16xi32>
        %add3A_150 = arith.addi %add3A_149, %iota3A : vector<16xi32>
        %mul3A_151 = arith.constant 16 : i32
        %mul3A_152 = arith.muli %scan3A_146, %mul3A_151 : i32
        %get3A_153 = arith.index_cast %mul3A_152 : i32 to index
        %get3A_154 = tpu.vector_load %arg9[%get3A_153] {strides = array<i32>} : memref<832xi32, #tpu.memory_space<vmem>>, vector<16xi32>,
        %shift_right_arithmetic3A_155 = arith.constant 5 : i32
        %shift_right_arithmetic3A_156 = vector.broadcast %shift_right_arithmetic3A_155 : i32 to vector<16xi32>
        %shift_right_arithmetic3A_157 = arith.shrsi %add3A_150, %shift_right_arithmetic3A_156 : vector<16xi32>
        %mul3A_158 = arith.constant 100001 : i32
        %mul3A_159 = vector.broadcast %mul3A_158 : i32 to vector<16xi32>
        %mul3A_160 = arith.muli %shift_right_arithmetic3A_157, %mul3A_159 : vector<16xi32>
        %add3A_161 = arith.addi %get3A_154, %mul3A_160 : vector<16xi32>
        %swap3A_162 = arith.index_cast %mul3A_152 : i32 to index
        %swap3A_163 = tpu.vector_load %arg10[%swap3A_162] {strides = array<i32>} : memref<832xi32, #tpu.memory_space<vmem>>, vector<16xi32>,
        tpu.vector_store %arg10[%swap3A_162], %add3A_161 {strides = array<i32>} : memref<832xi32, #tpu.memory_space<vmem>>, vector<16xi32>,
        %scan3A_164 = arith.constant 0 : i32
        %scan3A_165 = arith.constant 3 : i32
        %scan3A_166 = arith.addi %scan3A_108, %scan3A_165 : i32
        %mul3A_167 = arith.constant 16 : i32
        %mul3A_168 = arith.muli %scan3A_166, %mul3A_167 : i32
        %add3A_169 = vector.broadcast %mul3A_168 : i32 to vector<16xi32>
        %add3A_170 = arith.addi %add3A_169, %iota3A : vector<16xi32>
        %mul3A_171 = arith.constant 16 : i32
        %mul3A_172 = arith.muli %scan3A_166, %mul3A_171 : i32
        %get3A_173 = arith.index_cast %mul3A_172 : i32 to index
        %get3A_174 = tpu.vector_load %arg9[%get3A_173] {strides = array<i32>} : memref<832xi32, #tpu.memory_space<vmem>>, vector<16xi32>,
        %shift_right_arithmetic3A_175 = arith.constant 5 : i32
        %shift_right_arithmetic3A_176 = vector.broadcast %shift_right_arithmetic3A_175 : i32 to vector<16xi32>
        %shift_right_arithmetic3A_177 = arith.shrsi %add3A_170, %shift_right_arithmetic3A_176 : vector<16xi32>
        %mul3A_178 = arith.constant 100001 : i32
        %mul3A_179 = vector.broadcast %mul3A_178 : i32 to vector<16xi32>
        %mul3A_180 = arith.muli %shift_right_arithmetic3A_177, %mul3A_179 : vector<16xi32>
        %add3A_181 = arith.addi %get3A_174, %mul3A_180 : vector<16xi32>
        %swap3A_182 = arith.index_cast %mul3A_172 : i32 to index
        %swap3A_183 = tpu.vector_load %arg10[%swap3A_182] {strides = array<i32>} : memref<832xi32, #tpu.memory_space<vmem>>, vector<16xi32>,
        tpu.vector_store %arg10[%swap3A_182], %add3A_181 {strides = array<i32>} : memref<832xi32, #tpu.memory_space<vmem>>, vector<16xi32>,
        %scan3A_184 = arith.constant 0 : i32
        scf.yield %scan3A_184 : i32
      }
      %scan3A_95 = arith.constant 52 : i32
      %dma_start3A = arith.constant 0 : i32
      %dma_start3A_96 = arith.constant 0 : i32
      %dma_start3A_97 = tpu.memref_slice %arg2[%dma_start3A, %dma_start3A_96] : memref<2600026x32xf32, #tpu.memory_space<hbm>> -> memref<2600026x32xf32, #tpu.memory_space<hbm>>
      tpu.enqueue_indirect_dma source(%dma_start3A_97 : memref<2600026x32xf32, #tpu.memory_space<hbm>>) target(%arg11 : memref<832x32xf32, #tpu.memory_space<vmem>>) offsets(%arg10 : memref<832xi32, #tpu.memory_space<vmem>>) semaphore(%arg18 : memref<!tpu.dma_semaphore, #tpu.memory_space<semaphore_mem>>)
      %dma_wait3A = arith.constant 0 : i32
      %dma_wait3A_98 = arith.constant 0 : i32
      %dma_wait3A_99 = tpu.memref_slice %arg2[%dma_wait3A, %dma_wait3A_98] : memref<2600026x32xf32, #tpu.memory_space<hbm>> -> memref<2600026x32xf32, #tpu.memory_space<hbm>>
      tpu.wait_indirect_dma semaphore(%arg18 : memref<!tpu.dma_semaphore, #tpu.memory_space<semaphore_mem>>) src(%dma_wait3A_99 : memref<2600026x32xf32, #tpu.memory_space<hbm>>) dst(%arg11 : memref<832x32xf32, #tpu.memory_space<vmem>>)
      %scan3A_100 = arith.constant 0 : i32
      %scan3A_101 = arith.constant 0 : i32
      %scan3A_102 = arith.constant 26 : i32
      %scan3A_103 = arith.addi %scan3A_101, %scan3A_102 : i32
      %scan3A_104 = arith.constant 1 : i32
      %scan3A_105 = scf.for %scan3A_108 = %scan3A_101 to %scan3A_103 step %scan3A_104 iter_args(%scan3A_109 = %scan3A_100) -> (i32)  : i32 {
        %add3A_110 = arith.constant 13 : i32
        %add3A_111 = arith.addi %add3A_110, %scan3A_108 : i32
        %broadcast_in_dim3A = vector.broadcast %add3A_111 : i32 to vector<16xi32>
        %add3A_112 = arith.constant 0 : i32
        %add3A_113 = vector.broadcast %add3A_112 : i32 to vector<16xi32>
        %add3A_114 = arith.addi %add3A_113, %iota3A : vector<16xi32>
        %shift_right_arithmetic3A = arith.constant 3 : i32
        %shift_right_arithmetic3A_115 = vector.broadcast %shift_right_arithmetic3A : i32 to vector<16xi32>
        %shift_right_arithmetic3A_116 = arith.shrsi %add3A_114, %shift_right_arithmetic3A_115 : vector<16xi32>
        %and3A_117 = arith.constant 7 : i32
        %and3A_118 = vector.broadcast %and3A_117 : i32 to vector<16xi32>
        %and3A_119 = arith.andi %add3A_114, %and3A_118 : vector<16xi32>
        %add3A_120 = arith.constant 13 : i32
        %add3A_121 = arith.addi %add3A_120, %scan3A_108 : i32
        %mul3A_122 = arith.constant 32 : i32
        %mul3A_123 = arith.muli %add3A_121, %mul3A_122 : i32
        %add3A_124 = arith.constant 0 : i32
        %add3A_125 = arith.addi %mul3A_123, %add3A_124 : i32
        %get3A = arith.index_cast %add3A_125 : i32 to index
        %get3A_126 = tpu.vector_load %arg16[%get3A] {strides = array<i32>} : memref<1248xf32, #tpu.memory_space<vmem>>, vector<16xf32>,
        %scan3A_127 = arith.constant 0 : i32
        %scan3A_128 = arith.constant 0 : i32
        %scan3A_129 = arith.constant 32 : i32
        %scan3A_130 = arith.addi %scan3A_128, %scan3A_129 : i32
        %scan3A_131 = arith.constant 4 : i32
        %scan3A_132 = scf.for %scan3A_159 = %scan3A_128 to %scan3A_130 step %scan3A_131 iter_args(%scan3A_160 = %scan3A_127) -> (i32)  : i32 {
          %mul3A_161 = arith.constant 32 : i32
          %mul3A_162 = arith.muli %scan3A_108, %mul3A_161 : i32
          %add3A_163 = arith.addi %mul3A_162, %scan3A_159 : i32
          %get3A_164 = arith.index_cast %add3A_163 : i32 to index
          %get3A_165 = arith.constant 0 : index
          %get3A_166 = tpu.vector_load %arg11[%get3A_164, %get3A_165] {strides = array<i32>} : memref<832x32xf32, #tpu.memory_space<vmem>>, vector<16xf32>,
          %add3A_167 = arith.addf %get3A_166, %get3A_126 : vector<16xf32>
          %broadcast_in_dim3A_168 = vector.broadcast %scan3A_159 : i32 to vector<16xi32>
          tpu.vector_store_idx %arg12[%broadcast_in_dim3A, %shift_right_arithmetic3A_116, %and3A_119, %broadcast_in_dim3A_168], %add3A_167 : memref<39x4x8x33xf32, #tpu.memory_space<vmem>>[vector<16xi32>, vector<16xi32>, vector<16xi32>, vector<16xi32>], vector<16xf32>,
          %scan3A_169 = arith.constant 0 : i32
          %scan3A_170 = arith.constant 1 : i32
          %scan3A_171 = arith.addi %scan3A_159, %scan3A_170 : i32
          %mul3A_172 = arith.constant 32 : i32
          %mul3A_173 = arith.muli %scan3A_108, %mul3A_172 : i32
          %add3A_174 = arith.addi %mul3A_173, %scan3A_171 : i32
          %get3A_175 = arith.index_cast %add3A_174 : i32 to index
          %get3A_176 = arith.constant 0 : index
          %get3A_177 = tpu.vector_load %arg11[%get3A_175, %get3A_176] {strides = array<i32>} : memref<832x32xf32, #tpu.memory_space<vmem>>, vector<16xf32>,
          %add3A_178 = arith.addf %get3A_177, %get3A_126 : vector<16xf32>
          %broadcast_in_dim3A_179 = vector.broadcast %scan3A_171 : i32 to vector<16xi32>
          tpu.vector_store_idx %arg12[%broadcast_in_dim3A, %shift_right_arithmetic3A_116, %and3A_119, %broadcast_in_dim3A_179], %add3A_178 : memref<39x4x8x33xf32, #tpu.memory_space<vmem>>[vector<16xi32>, vector<16xi32>, vector<16xi32>, vector<16xi32>], vector<16xf32>,
          %scan3A_180 = arith.constant 0 : i32
          %scan3A_181 = arith.constant 2 : i32
          %scan3A_182 = arith.addi %scan3A_159, %scan3A_181 : i32
          %mul3A_183 = arith.constant 32 : i32
          %mul3A_184 = arith.muli %scan3A_108, %mul3A_183 : i32
          %add3A_185 = arith.addi %mul3A_184, %scan3A_182 : i32
          %get3A_186 = arith.index_cast %add3A_185 : i32 to index
          %get3A_187 = arith.constant 0 : index
          %get3A_188 = tpu.vector_load %arg11[%get3A_186, %get3A_187] {strides = array<i32>} : memref<832x32xf32, #tpu.memory_space<vmem>>, vector<16xf32>,
          %add3A_189 = arith.addf %get3A_188, %get3A_126 : vector<16xf32>
          %broadcast_in_dim3A_190 = vector.broadcast %scan3A_182 : i32 to vector<16xi32>
          tpu.vector_store_idx %arg12[%broadcast_in_dim3A, %shift_right_arithmetic3A_116, %and3A_119, %broadcast_in_dim3A_190], %add3A_189 : memref<39x4x8x33xf32, #tpu.memory_space<vmem>>[vector<16xi32>, vector<16xi32>, vector<16xi32>, vector<16xi32>], vector<16xf32>,
          %scan3A_191 = arith.constant 0 : i32
          %scan3A_192 = arith.constant 3 : i32
          %scan3A_193 = arith.addi %scan3A_159, %scan3A_192 : i32
          %mul3A_194 = arith.constant 32 : i32
          %mul3A_195 = arith.muli %scan3A_108, %mul3A_194 : i32
          %add3A_196 = arith.addi %mul3A_195, %scan3A_193 : i32
          %get3A_197 = arith.index_cast %add3A_196 : i32 to index
          %get3A_198 = arith.constant 0 : index
          %get3A_199 = tpu.vector_load %arg11[%get3A_197, %get3A_198] {strides = array<i32>} : memref<832x32xf32, #tpu.memory_space<vmem>>, vector<16xf32>,
          %add3A_200 = arith.addf %get3A_199, %get3A_126 : vector<16xf32>
          %broadcast_in_dim3A_201 = vector.broadcast %scan3A_193 : i32 to vector<16xi32>
          tpu.vector_store_idx %arg12[%broadcast_in_dim3A, %shift_right_arithmetic3A_116, %and3A_119, %broadcast_in_dim3A_201], %add3A_200 : memref<39x4x8x33xf32, #tpu.memory_space<vmem>>[vector<16xi32>, vector<16xi32>, vector<16xi32>, vector<16xi32>], vector<16xf32>,
          %scan3A_202 = arith.constant 0 : i32
          scf.yield %scan3A_202 : i32
        }
        %scan3A_133 = arith.constant 32 : i32
        %add3A_134 = arith.constant 16 : i32
        %add3A_135 = vector.broadcast %add3A_134 : i32 to vector<16xi32>
        %add3A_136 = arith.addi %add3A_135, %iota3A : vector<16xi32>
        %shift_right_arithmetic3A_137 = arith.constant 3 : i32
        %shift_right_arithmetic3A_138 = vector.broadcast %shift_right_arithmetic3A_137 : i32 to vector<16xi32>
        %shift_right_arithmetic3A_139 = arith.shrsi %add3A_136, %shift_right_arithmetic3A_138 : vector<16xi32>
        %and3A_140 = arith.constant 7 : i32
        %and3A_141 = vector.broadcast %and3A_140 : i32 to vector<16xi32>
        %and3A_142 = arith.andi %add3A_136, %and3A_141 : vector<16xi32>
        %add3A_143 = arith.constant 13 : i32
        %add3A_144 = arith.addi %add3A_143, %scan3A_108 : i32
        %mul3A_145 = arith.constant 32 : i32
        %mul3A_146 = arith.muli %add3A_144, %mul3A_145 : i32
        %add3A_147 = arith.constant 16 : i32
        %add3A_148 = arith.addi %mul3A_146, %add3A_147 : i32
        %get3A_149 = arith.index_cast %add3A_148 : i32 to index
        %get3A_150 = tpu.vector_load %arg16[%get3A_149] {strides = array<i32>} : memref<1248xf32, #tpu.memory_space<vmem>>, vector<16xf32>,
        %scan3A_151 = arith.constant 0 : i32
        %scan3A_152 = arith.constant 0 : i32
        %scan3A_153 = arith.constant 32 : i32
        %scan3A_154 = arith.addi %scan3A_152, %scan3A_153 : i32
        %scan3A_155 = arith.constant 4 : i32
        %scan3A_156 = scf.for %scan3A_159 = %scan3A_152 to %scan3A_154 step %scan3A_155 iter_args(%scan3A_160 = %scan3A_151) -> (i32)  : i32 {
          %mul3A_161 = arith.constant 32 : i32
          %mul3A_162 = arith.muli %scan3A_108, %mul3A_161 : i32
          %add3A_163 = arith.addi %mul3A_162, %scan3A_159 : i32
          %get3A_164 = arith.index_cast %add3A_163 : i32 to index
          %get3A_165 = arith.constant 16 : index
          %get3A_166 = tpu.vector_load %arg11[%get3A_164, %get3A_165] {strides = array<i32>} : memref<832x32xf32, #tpu.memory_space<vmem>>, vector<16xf32>,
          %add3A_167 = arith.addf %get3A_166, %get3A_150 : vector<16xf32>
          %broadcast_in_dim3A_168 = vector.broadcast %scan3A_159 : i32 to vector<16xi32>
          tpu.vector_store_idx %arg12[%broadcast_in_dim3A, %shift_right_arithmetic3A_139, %and3A_142, %broadcast_in_dim3A_168], %add3A_167 : memref<39x4x8x33xf32, #tpu.memory_space<vmem>>[vector<16xi32>, vector<16xi32>, vector<16xi32>, vector<16xi32>], vector<16xf32>,
          %scan3A_169 = arith.constant 0 : i32
          %scan3A_170 = arith.constant 1 : i32
          %scan3A_171 = arith.addi %scan3A_159, %scan3A_170 : i32
          %mul3A_172 = arith.constant 32 : i32
          %mul3A_173 = arith.muli %scan3A_108, %mul3A_172 : i32
          %add3A_174 = arith.addi %mul3A_173, %scan3A_171 : i32
          %get3A_175 = arith.index_cast %add3A_174 : i32 to index
          %get3A_176 = arith.constant 16 : index
          %get3A_177 = tpu.vector_load %arg11[%get3A_175, %get3A_176] {strides = array<i32>} : memref<832x32xf32, #tpu.memory_space<vmem>>, vector<16xf32>,
          %add3A_178 = arith.addf %get3A_177, %get3A_150 : vector<16xf32>
          %broadcast_in_dim3A_179 = vector.broadcast %scan3A_171 : i32 to vector<16xi32>
          tpu.vector_store_idx %arg12[%broadcast_in_dim3A, %shift_right_arithmetic3A_139, %and3A_142, %broadcast_in_dim3A_179], %add3A_178 : memref<39x4x8x33xf32, #tpu.memory_space<vmem>>[vector<16xi32>, vector<16xi32>, vector<16xi32>, vector<16xi32>], vector<16xf32>,
          %scan3A_180 = arith.constant 0 : i32
          %scan3A_181 = arith.constant 2 : i32
          %scan3A_182 = arith.addi %scan3A_159, %scan3A_181 : i32
          %mul3A_183 = arith.constant 32 : i32
          %mul3A_184 = arith.muli %scan3A_108, %mul3A_183 : i32
          %add3A_185 = arith.addi %mul3A_184, %scan3A_182 : i32
          %get3A_186 = arith.index_cast %add3A_185 : i32 to index
          %get3A_187 = arith.constant 16 : index
          %get3A_188 = tpu.vector_load %arg11[%get3A_186, %get3A_187] {strides = array<i32>} : memref<832x32xf32, #tpu.memory_space<vmem>>, vector<16xf32>,
          %add3A_189 = arith.addf %get3A_188, %get3A_150 : vector<16xf32>
          %broadcast_in_dim3A_190 = vector.broadcast %scan3A_182 : i32 to vector<16xi32>
          tpu.vector_store_idx %arg12[%broadcast_in_dim3A, %shift_right_arithmetic3A_139, %and3A_142, %broadcast_in_dim3A_190], %add3A_189 : memref<39x4x8x33xf32, #tpu.memory_space<vmem>>[vector<16xi32>, vector<16xi32>, vector<16xi32>, vector<16xi32>], vector<16xf32>,
          %scan3A_191 = arith.constant 0 : i32
          %scan3A_192 = arith.constant 3 : i32
          %scan3A_193 = arith.addi %scan3A_159, %scan3A_192 : i32
          %mul3A_194 = arith.constant 32 : i32
          %mul3A_195 = arith.muli %scan3A_108, %mul3A_194 : i32
          %add3A_196 = arith.addi %mul3A_195, %scan3A_193 : i32
          %get3A_197 = arith.index_cast %add3A_196 : i32 to index
          %get3A_198 = arith.constant 16 : index
          %get3A_199 = tpu.vector_load %arg11[%get3A_197, %get3A_198] {strides = array<i32>} : memref<832x32xf32, #tpu.memory_space<vmem>>, vector<16xf32>,
          %add3A_200 = arith.addf %get3A_199, %get3A_150 : vector<16xf32>
          %broadcast_in_dim3A_201 = vector.broadcast %scan3A_193 : i32 to vector<16xi32>
          tpu.vector_store_idx %arg12[%broadcast_in_dim3A, %shift_right_arithmetic3A_139, %and3A_142, %broadcast_in_dim3A_201], %add3A_200 : memref<39x4x8x33xf32, #tpu.memory_space<vmem>>[vector<16xi32>, vector<16xi32>, vector<16xi32>, vector<16xi32>], vector<16xf32>,
          %scan3A_202 = arith.constant 0 : i32
          scf.yield %scan3A_202 : i32
        }
        %scan3A_157 = arith.constant 32 : i32
        %scan3A_158 = arith.constant 0 : i32
        scf.yield %scan3A_158 : i32
      }
      %scan3A_106 = arith.constant 26 : i32
      "tpu.region"() ({
        %run_scoped3A = tpu.sem_alloc : memref<!tpu.dma_semaphore, #tpu.memory_space<semaphore_mem>>
        %dma_start3A_108 = arith.constant 0 : i32
        %dma_start3A_109 = arith.constant 0 : i32
        %dma_start3A_110 = arith.constant 0 : i32
        %dma_start3A_111 = arith.constant 0 : i32
        %dma_start3A_112 = tpu.memref_slice %arg12[%dma_start3A_108, %dma_start3A_109, %dma_start3A_110, %dma_start3A_111] : memref<39x4x8x33xf32, #tpu.memory_space<vmem>> -> memref<39x4x8x32xf32, #tpu.memory_space<vmem>>
        %dma_start3A_113 = arith.constant 0 : i32
        %dma_start3A_114 = arith.constant 0 : i32
        %dma_start3A_115 = arith.constant 0 : i32
        %dma_start3A_116 = arith.constant 0 : i32
        %dma_start3A_117 = tpu.memref_slice %arg8[%dma_start3A_113, %dma_start3A_114, %select_n3A, %dma_start3A_115, %select_n3A_81, %dma_start3A_116] : memref<39x4x128x8x4x32xf32, #tpu.memory_space<hbm>> -> memref<39x4x1x8x1x32xf32, #tpu.memory_space<hbm>>
        %dma_start3A_118 = tpu.memref_squeeze %dma_start3A_117 : memref<39x4x1x8x1x32xf32, #tpu.memory_space<hbm>> -> memref<39x4x8x32xf32, #tpu.memory_space<hbm>>
        %dma_start3A_119 = arith.constant 0 : i32
        %dma_start3A_120 = arith.constant 0 : i32
        %dma_start3A_121 = arith.constant 0 : i32
        %dma_start3A_122 = arith.constant 0 : i32
        %dma_start3A_123 = tpu.memref_slice %arg8[%dma_start3A_119, %dma_start3A_120, %select_n3A, %dma_start3A_121, %select_n3A_81, %dma_start3A_122] : memref<39x4x128x8x4x32xf32, #tpu.memory_space<hbm>> -> memref<39x4x1x8x1x32xf32, #tpu.memory_space<hbm>>
        %dma_start3A_124 = tpu.memref_squeeze %dma_start3A_123 : memref<39x4x1x8x1x32xf32, #tpu.memory_space<hbm>> -> memref<39x4x8x32xf32, #tpu.memory_space<hbm>>
        %dma_start3A_125 = arith.constant 0 : i32
        %dma_start3A_126 = arith.constant 0 : i32
        %dma_start3A_127 = arith.constant 0 : i32
        %dma_start3A_128 = arith.constant 0 : i32
        %dma_start3A_129 = tpu.memref_slice %arg12[%dma_start3A_125, %dma_start3A_126, %dma_start3A_127, %dma_start3A_128] : memref<39x4x8x33xf32, #tpu.memory_space<vmem>> -> memref<39x4x8x32xf32, #tpu.memory_space<vmem>>
        tpu.enqueue_dma source(%dma_start3A_129 : memref<39x4x8x32xf32, #tpu.memory_space<vmem>>) target(%dma_start3A_124 : memref<39x4x8x32xf32, #tpu.memory_space<hbm>>) target_semaphore(%run_scoped3A : memref<!tpu.dma_semaphore, #tpu.memory_space<semaphore_mem>>)
        %dma_wait3A_130 = arith.constant 0 : i32
        %dma_wait3A_131 = arith.constant 0 : i32
        %dma_wait3A_132 = arith.constant 0 : i32
        %dma_wait3A_133 = arith.constant 0 : i32
        %dma_wait3A_134 = tpu.memref_slice %arg12[%dma_wait3A_130, %dma_wait3A_131, %dma_wait3A_132, %dma_wait3A_133] : memref<39x4x8x33xf32, #tpu.memory_space<vmem>> -> memref<39x4x8x32xf32, #tpu.memory_space<vmem>>
        %dma_wait3A_135 = arith.constant 0 : i32
        %dma_wait3A_136 = arith.constant 0 : i32
        %dma_wait3A_137 = arith.constant 0 : i32
        %dma_wait3A_138 = arith.constant 0 : i32
        %dma_wait3A_139 = tpu.memref_slice %arg8[%dma_wait3A_135, %dma_wait3A_136, %select_n3A, %dma_wait3A_137, %select_n3A_81, %dma_wait3A_138] : memref<39x4x128x8x4x32xf32, #tpu.memory_space<hbm>> -> memref<39x4x1x8x1x32xf32, #tpu.memory_space<hbm>>
        %dma_wait3A_140 = tpu.memref_squeeze %dma_wait3A_139 : memref<39x4x1x8x1x32xf32, #tpu.memory_space<hbm>> -> memref<39x4x8x32xf32, #tpu.memory_space<hbm>>
        %dma_wait3A_141 = arith.constant 0 : i32
        %dma_wait3A_142 = arith.constant 0 : i32
        %dma_wait3A_143 = arith.constant 0 : i32
        %dma_wait3A_144 = arith.constant 0 : i32
        %dma_wait3A_145 = tpu.memref_slice %arg8[%dma_wait3A_141, %dma_wait3A_142, %select_n3A, %dma_wait3A_143, %select_n3A_81, %dma_wait3A_144] : memref<39x4x128x8x4x32xf32, #tpu.memory_space<hbm>> -> memref<39x4x1x8x1x32xf32, #tpu.memory_space<hbm>>
        %dma_wait3A_146 = tpu.memref_squeeze %dma_wait3A_145 : memref<39x4x1x8x1x32xf32, #tpu.memory_space<hbm>> -> memref<39x4x8x32xf32, #tpu.memory_space<hbm>>
        %dma_wait3A_147 = arith.constant 0 : i32
        %dma_wait3A_148 = arith.constant 0 : i32
        %dma_wait3A_149 = arith.constant 0 : i32
        %dma_wait3A_150 = arith.constant 0 : i32
        %dma_wait3A_151 = tpu.memref_slice %arg12[%dma_wait3A_147, %dma_wait3A_148, %dma_wait3A_149, %dma_wait3A_150] : memref<39x4x8x33xf32, #tpu.memory_space<vmem>> -> memref<39x4x8x32xf32, #tpu.memory_space<vmem>>
        tpu.wait_dma2 semaphore(%run_scoped3A : memref<!tpu.dma_semaphore, #tpu.memory_space<semaphore_mem>>) src(%dma_wait3A_151 : memref<39x4x8x32xf32, #tpu.memory_space<vmem>>) dst(%dma_wait3A_146 : memref<39x4x8x32xf32, #tpu.memory_space<hbm>>)
        tpu.yield
      }) : () -> ()
      %scan3A_107 = arith.constant 0 : i32
      scf.yield %scan3A_107 : i32
    }
    %scan3A_20 = arith.constant 16 : i32
    return
  }
}

#map = affine_map<(d0, d1) -> (0, 0, 0)>
#map1 = affine_map<(d0, d1) -> (0, 0)>
#map2 = affine_map<(d0, d1) -> (0)>
module attributes {stable_mosaic.version = 14 : i64} {
  func.func @_detile_body(%arg0: i32, %arg1: i32, %arg2: memref<26x32x100001xf32, #tpu.memory_space<hbm>>, %arg3: memref<26x16384xi32, #tpu.memory_space<hbm>>, %arg4: memref<559936xf32, #tpu.memory_space<hbm>>, %arg5: memref<83200832xf32, #tpu.memory_space<hbm>>, %arg6: memref<425984xi32, #tpu.memory_space<hbm>>, %arg7: memref<32768xf32, #tpu.memory_space<vmem>>, %arg8: memref<32768xf32, #tpu.memory_space<vmem>>, %arg9: memref<512xi32, #tpu.memory_space<vmem>>, %arg10: memref<13312xi32, #tpu.memory_space<vmem>>, %arg11: memref<!tpu.dma_semaphore, #tpu.memory_space<semaphore_mem>>) attributes {dimension_semantics = [#tpu.dimension_semantics<core_parallel>, #tpu.dimension_semantics<subcore_parallel>], iteration_bounds = array<i64: 2, 16>, scalar_prefetch = 0 : i64, scratch_operands = 5 : i64, tpu.core_type = #tpu.core_type<sc_vector_subcore>, window_params = [{transform_indices = #map}, {transform_indices = #map1}, {transform_indices = #map2}, {transform_indices = #map2}, {transform_indices = #map2}]} {
    %mul3A = arith.constant 2 : i32
    %mul3A_0 = arith.muli %arg1, %mul3A : i32
    %add3A = arith.addi %mul3A_0, %arg0 : i32
    %iota3A = tpu.iota {dimensions = array<i32: 0>} : vector<16xi32>
    %scan3A = arith.constant 0 : i32
    %scan3A_1 = arith.constant 0 : i32
    %scan3A_2 = arith.constant 26 : i32
    %scan3A_3 = arith.addi %scan3A_1, %scan3A_2 : i32
    %scan3A_4 = arith.constant 1 : i32
    %scan3A_5 = scf.for %scan3A_20 = %scan3A_1 to %scan3A_3 step %scan3A_4 iter_args(%scan3A_21 = %scan3A) -> (i32)  : i32 {
      %mul3A_22 = arith.constant 512 : i32
      %mul3A_23 = arith.muli %add3A, %mul3A_22 : i32
      "tpu.region"() ({
        %run_scoped3A = tpu.sem_alloc : memref<!tpu.dma_semaphore, #tpu.memory_space<semaphore_mem>>
        %dma_start3A = tpu.memref_slice %arg3[%scan3A_20, %mul3A_23] : memref<26x16384xi32, #tpu.memory_space<hbm>> -> memref<1x512xi32, #tpu.memory_space<hbm>>
        %dma_start3A_32 = tpu.memref_squeeze %dma_start3A : memref<1x512xi32, #tpu.memory_space<hbm>> -> memref<512xi32, #tpu.memory_space<hbm>>
        %dma_start3A_33 = tpu.memref_slice %arg3[%scan3A_20, %mul3A_23] : memref<26x16384xi32, #tpu.memory_space<hbm>> -> memref<1x512xi32, #tpu.memory_space<hbm>>
        %dma_start3A_34 = tpu.memref_squeeze %dma_start3A_33 : memref<1x512xi32, #tpu.memory_space<hbm>> -> memref<512xi32, #tpu.memory_space<hbm>>
        tpu.enqueue_dma source(%dma_start3A_34 : memref<512xi32, #tpu.memory_space<hbm>>) target(%arg9 : memref<512xi32, #tpu.memory_space<vmem>>) target_semaphore(%run_scoped3A : memref<!tpu.dma_semaphore, #tpu.memory_space<semaphore_mem>>)
        %dma_wait3A = tpu.memref_slice %arg3[%scan3A_20, %mul3A_23] : memref<26x16384xi32, #tpu.memory_space<hbm>> -> memref<1x512xi32, #tpu.memory_space<hbm>>
        %dma_wait3A_35 = tpu.memref_squeeze %dma_wait3A : memref<1x512xi32, #tpu.memory_space<hbm>> -> memref<512xi32, #tpu.memory_space<hbm>>
        %dma_wait3A_36 = tpu.memref_slice %arg3[%scan3A_20, %mul3A_23] : memref<26x16384xi32, #tpu.memory_space<hbm>> -> memref<1x512xi32, #tpu.memory_space<hbm>>
        %dma_wait3A_37 = tpu.memref_squeeze %dma_wait3A_36 : memref<1x512xi32, #tpu.memory_space<hbm>> -> memref<512xi32, #tpu.memory_space<hbm>>
        tpu.wait_dma2 semaphore(%run_scoped3A : memref<!tpu.dma_semaphore, #tpu.memory_space<semaphore_mem>>) src(%dma_wait3A_37 : memref<512xi32, #tpu.memory_space<hbm>>) dst(%arg9 : memref<512xi32, #tpu.memory_space<vmem>>)
        tpu.yield
      }) : () -> ()
      %scan3A_24 = arith.constant 0 : i32
      %scan3A_25 = arith.constant 0 : i32
      %scan3A_26 = arith.constant 32 : i32
      %scan3A_27 = arith.addi %scan3A_25, %scan3A_26 : i32
      %scan3A_28 = arith.constant 4 : i32
      %scan3A_29 = scf.for %scan3A_32 = %scan3A_25 to %scan3A_27 step %scan3A_28 iter_args(%scan3A_33 = %scan3A_24) -> (i32)  : i32 {
        %shift_right_arithmetic3A = arith.constant 1 : i32
        %shift_right_arithmetic3A_34 = arith.shrsi %scan3A_32, %shift_right_arithmetic3A : i32
        %mul3A_35 = arith.constant 832 : i32
        %mul3A_36 = arith.muli %shift_right_arithmetic3A_34, %mul3A_35 : i32
        %mul3A_37 = arith.constant 32 : i32
        %mul3A_38 = arith.muli %scan3A_20, %mul3A_37 : i32
        %add3A_39 = arith.addi %mul3A_36, %mul3A_38 : i32
        %and3A = arith.constant 1 : i32
        %and3A_40 = arith.andi %scan3A_32, %and3A : i32
        %mul3A_41 = arith.constant 16 : i32
        %mul3A_42 = arith.muli %and3A_40, %mul3A_41 : i32
        %add3A_43 = arith.addi %add3A_39, %mul3A_42 : i32
        %mul3A_44 = arith.constant 16 : i32
        %mul3A_45 = arith.muli %scan3A_32, %mul3A_44 : i32
        %get3A = arith.index_cast %mul3A_45 : i32 to index
        %get3A_46 = tpu.vector_load %arg9[%get3A] {strides = array<i32>} : memref<512xi32, #tpu.memory_space<vmem>>, vector<16xi32>,
        %swap3A = arith.index_cast %add3A_43 : i32 to index
        %swap3A_47 = tpu.vector_load %arg10[%swap3A] {strides = array<i32>} : memref<13312xi32, #tpu.memory_space<vmem>>, vector<16xi32>,
        tpu.vector_store %arg10[%swap3A], %get3A_46 {strides = array<i32>} : memref<13312xi32, #tpu.memory_space<vmem>>, vector<16xi32>,
        %scan3A_48 = arith.constant 0 : i32
        %scan3A_49 = arith.constant 1 : i32
        %scan3A_50 = arith.addi %scan3A_32, %scan3A_49 : i32
        %shift_right_arithmetic3A_51 = arith.constant 1 : i32
        %shift_right_arithmetic3A_52 = arith.shrsi %scan3A_50, %shift_right_arithmetic3A_51 : i32
        %mul3A_53 = arith.constant 832 : i32
        %mul3A_54 = arith.muli %shift_right_arithmetic3A_52, %mul3A_53 : i32
        %mul3A_55 = arith.constant 32 : i32
        %mul3A_56 = arith.muli %scan3A_20, %mul3A_55 : i32
        %add3A_57 = arith.addi %mul3A_54, %mul3A_56 : i32
        %and3A_58 = arith.constant 1 : i32
        %and3A_59 = arith.andi %scan3A_50, %and3A_58 : i32
        %mul3A_60 = arith.constant 16 : i32
        %mul3A_61 = arith.muli %and3A_59, %mul3A_60 : i32
        %add3A_62 = arith.addi %add3A_57, %mul3A_61 : i32
        %mul3A_63 = arith.constant 16 : i32
        %mul3A_64 = arith.muli %scan3A_50, %mul3A_63 : i32
        %get3A_65 = arith.index_cast %mul3A_64 : i32 to index
        %get3A_66 = tpu.vector_load %arg9[%get3A_65] {strides = array<i32>} : memref<512xi32, #tpu.memory_space<vmem>>, vector<16xi32>,
        %swap3A_67 = arith.index_cast %add3A_62 : i32 to index
        %swap3A_68 = tpu.vector_load %arg10[%swap3A_67] {strides = array<i32>} : memref<13312xi32, #tpu.memory_space<vmem>>, vector<16xi32>,
        tpu.vector_store %arg10[%swap3A_67], %get3A_66 {strides = array<i32>} : memref<13312xi32, #tpu.memory_space<vmem>>, vector<16xi32>,
        %scan3A_69 = arith.constant 0 : i32
        %scan3A_70 = arith.constant 2 : i32
        %scan3A_71 = arith.addi %scan3A_32, %scan3A_70 : i32
        %shift_right_arithmetic3A_72 = arith.constant 1 : i32
        %shift_right_arithmetic3A_73 = arith.shrsi %scan3A_71, %shift_right_arithmetic3A_72 : i32
        %mul3A_74 = arith.constant 832 : i32
        %mul3A_75 = arith.muli %shift_right_arithmetic3A_73, %mul3A_74 : i32
        %mul3A_76 = arith.constant 32 : i32
        %mul3A_77 = arith.muli %scan3A_20, %mul3A_76 : i32
        %add3A_78 = arith.addi %mul3A_75, %mul3A_77 : i32
        %and3A_79 = arith.constant 1 : i32
        %and3A_80 = arith.andi %scan3A_71, %and3A_79 : i32
        %mul3A_81 = arith.constant 16 : i32
        %mul3A_82 = arith.muli %and3A_80, %mul3A_81 : i32
        %add3A_83 = arith.addi %add3A_78, %mul3A_82 : i32
        %mul3A_84 = arith.constant 16 : i32
        %mul3A_85 = arith.muli %scan3A_71, %mul3A_84 : i32
        %get3A_86 = arith.index_cast %mul3A_85 : i32 to index
        %get3A_87 = tpu.vector_load %arg9[%get3A_86] {strides = array<i32>} : memref<512xi32, #tpu.memory_space<vmem>>, vector<16xi32>,
        %swap3A_88 = arith.index_cast %add3A_83 : i32 to index
        %swap3A_89 = tpu.vector_load %arg10[%swap3A_88] {strides = array<i32>} : memref<13312xi32, #tpu.memory_space<vmem>>, vector<16xi32>,
        tpu.vector_store %arg10[%swap3A_88], %get3A_87 {strides = array<i32>} : memref<13312xi32, #tpu.memory_space<vmem>>, vector<16xi32>,
        %scan3A_90 = arith.constant 0 : i32
        %scan3A_91 = arith.constant 3 : i32
        %scan3A_92 = arith.addi %scan3A_32, %scan3A_91 : i32
        %shift_right_arithmetic3A_93 = arith.constant 1 : i32
        %shift_right_arithmetic3A_94 = arith.shrsi %scan3A_92, %shift_right_arithmetic3A_93 : i32
        %mul3A_95 = arith.constant 832 : i32
        %mul3A_96 = arith.muli %shift_right_arithmetic3A_94, %mul3A_95 : i32
        %mul3A_97 = arith.constant 32 : i32
        %mul3A_98 = arith.muli %scan3A_20, %mul3A_97 : i32
        %add3A_99 = arith.addi %mul3A_96, %mul3A_98 : i32
        %and3A_100 = arith.constant 1 : i32
        %and3A_101 = arith.andi %scan3A_92, %and3A_100 : i32
        %mul3A_102 = arith.constant 16 : i32
        %mul3A_103 = arith.muli %and3A_101, %mul3A_102 : i32
        %add3A_104 = arith.addi %add3A_99, %mul3A_103 : i32
        %mul3A_105 = arith.constant 16 : i32
        %mul3A_106 = arith.muli %scan3A_92, %mul3A_105 : i32
        %get3A_107 = arith.index_cast %mul3A_106 : i32 to index
        %get3A_108 = tpu.vector_load %arg9[%get3A_107] {strides = array<i32>} : memref<512xi32, #tpu.memory_space<vmem>>, vector<16xi32>,
        %swap3A_109 = arith.index_cast %add3A_104 : i32 to index
        %swap3A_110 = tpu.vector_load %arg10[%swap3A_109] {strides = array<i32>} : memref<13312xi32, #tpu.memory_space<vmem>>, vector<16xi32>,
        tpu.vector_store %arg10[%swap3A_109], %get3A_108 {strides = array<i32>} : memref<13312xi32, #tpu.memory_space<vmem>>, vector<16xi32>,
        %scan3A_111 = arith.constant 0 : i32
        scf.yield %scan3A_111 : i32
      }
      %scan3A_30 = arith.constant 32 : i32
      %scan3A_31 = arith.constant 0 : i32
      scf.yield %scan3A_31 : i32
    }
    %scan3A_6 = arith.constant 26 : i32
    %mul3A_7 = arith.constant 512 : i32
    %mul3A_8 = arith.muli %add3A, %mul3A_7 : i32
    %mul3A_9 = arith.constant 26 : i32
    %mul3A_10 = arith.muli %mul3A_8, %mul3A_9 : i32
    "tpu.region"() ({
      %run_scoped3A = tpu.sem_alloc : memref<!tpu.dma_semaphore, #tpu.memory_space<semaphore_mem>>
      %dma_start3A = tpu.memref_slice %arg6[%mul3A_10] : memref<425984xi32, #tpu.memory_space<hbm>> -> memref<13312xi32, #tpu.memory_space<hbm>>
      %dma_start3A_20 = tpu.memref_slice %arg6[%mul3A_10] : memref<425984xi32, #tpu.memory_space<hbm>> -> memref<13312xi32, #tpu.memory_space<hbm>>
      tpu.enqueue_dma source(%arg10 : memref<13312xi32, #tpu.memory_space<vmem>>) target(%dma_start3A_20 : memref<13312xi32, #tpu.memory_space<hbm>>) target_semaphore(%run_scoped3A : memref<!tpu.dma_semaphore, #tpu.memory_space<semaphore_mem>>)
      %dma_wait3A = tpu.memref_slice %arg6[%mul3A_10] : memref<425984xi32, #tpu.memory_space<hbm>> -> memref<13312xi32, #tpu.memory_space<hbm>>
      %dma_wait3A_21 = tpu.memref_slice %arg6[%mul3A_10] : memref<425984xi32, #tpu.memory_space<hbm>> -> memref<13312xi32, #tpu.memory_space<hbm>>
      tpu.wait_dma2 semaphore(%run_scoped3A : memref<!tpu.dma_semaphore, #tpu.memory_space<semaphore_mem>>) src(%arg10 : memref<13312xi32, #tpu.memory_space<vmem>>) dst(%dma_wait3A_21 : memref<13312xi32, #tpu.memory_space<hbm>>)
      tpu.yield
    }) : () -> ()
    %scan3A_11 = arith.constant 0 : i32
    %scan3A_12 = arith.constant 0 : i32
    %scan3A_13 = arith.constant 79 : i32
    %scan3A_14 = arith.addi %scan3A_12, %scan3A_13 : i32
    %scan3A_15 = arith.constant 1 : i32
    %scan3A_16 = scf.for %scan3A_20 = %scan3A_12 to %scan3A_14 step %scan3A_15 iter_args(%scan3A_21 = %scan3A_11) -> (i32)  : i32 {
      %mul3A_22 = arith.constant 32 : i32
      %mul3A_23 = arith.muli %scan3A_20, %mul3A_22 : i32
      %add3A_24 = arith.addi %add3A, %mul3A_23 : i32
      %lt3A_25 = arith.constant 2522 : i32
      %lt3A_26 = arith.cmpi slt, %add3A_24, %lt3A_25 : i32
      %convert_element_type3A_27 = arith.extui %lt3A_26 : i1 to i32
      %cond3A_28 = arith.constant 0 : i32
      %cond3A_29 = arith.cmpi ne, %convert_element_type3A_27, %cond3A_28 : i32
      scf.if %cond3A_29 {
        %jit3A = arith.constant 97 : i32
        %div3A = arith.divsi %add3A_24, %jit3A : i32
        %sign3A = arith.constant 0 : i32
        %sign3A_31 = arith.cmpi sgt, %add3A_24, %sign3A : i32
        %sign3A_32 = arith.extui %sign3A_31 : i1 to i32
        %sign3A_33 = arith.constant 0 : i32
        %sign3A_34 = arith.cmpi slt, %add3A_24, %sign3A_33 : i32
        %sign3A_35 = arith.extui %sign3A_34 : i1 to i32
        %sign3A_36 = arith.subi %sign3A_32, %sign3A_35 : i32
        %sign3A_37 = arith.constant 0 : i32
        %sign3A_38 = arith.cmpi sgt, %jit3A, %sign3A_37 : i32
        %sign3A_39 = arith.extui %sign3A_38 : i1 to i32
        %sign3A_40 = arith.constant 0 : i32
        %sign3A_41 = arith.cmpi slt, %jit3A, %sign3A_40 : i32
        %sign3A_42 = arith.extui %sign3A_41 : i1 to i32
        %sign3A_43 = arith.subi %sign3A_39, %sign3A_42 : i32
        %ne3A = arith.cmpi ne, %sign3A_36, %sign3A_43 : i32
        %rem3A = arith.remsi %add3A_24, %jit3A : i32
        %ne3A_44 = arith.constant 0 : i32
        %ne3A_45 = arith.cmpi ne, %rem3A, %ne3A_44 : i32
        %and3A = arith.andi %ne3A, %ne3A_45 : i1
        %sub3A = arith.constant 1 : i32
        %sub3A_46 = arith.subi %div3A, %sub3A : i32
        %select_n3A = arith.select %and3A, %sub3A_46, %div3A : i32
        %jit3A_47 = arith.constant 97 : i32
        %eq3A = arith.constant 0 : i32
        %eq3A_48 = arith.cmpi eq, %jit3A_47, %eq3A : i32
        %jit3A_49 = arith.constant 1 : i32
        %select_n3A_50 = arith.select %eq3A_48, %jit3A_49, %jit3A_47 : i32
        %rem3A_51 = arith.remsi %add3A_24, %select_n3A_50 : i32
        %ne3A_52 = arith.constant 0 : i32
        %ne3A_53 = arith.cmpi ne, %rem3A_51, %ne3A_52 : i32
        %lt3A_54 = arith.constant 0 : i32
        %lt3A_55 = arith.cmpi slt, %rem3A_51, %lt3A_54 : i32
        %lt3A_56 = arith.constant 0 : i32
        %lt3A_57 = arith.cmpi slt, %select_n3A_50, %lt3A_56 : i32
        %ne3A_58 = arith.xori %lt3A_55, %lt3A_57 : i1
        %and3A_59 = arith.andi %ne3A_58, %ne3A_53 : i1
        %add3A_60 = arith.addi %rem3A_51, %select_n3A_50 : i32
        %select_n3A_61 = arith.select %and3A_59, %add3A_60, %rem3A_51 : i32
        %mul3A_62 = arith.constant 1024 : i32
        %mul3A_63 = arith.muli %select_n3A_61, %mul3A_62 : i32
        %dma_start3A = arith.constant 0 : i32
        %dma_start3A_64 = arith.constant 0 : i32
        %dma_start3A_65 = tpu.memref_slice %arg7[%dma_start3A_64] : memref<32768xf32, #tpu.memory_space<vmem>> -> memref<1024xf32, #tpu.memory_space<vmem>>
        %dma_start3A_66 = tpu.memref_slice %arg2[%select_n3A, %dma_start3A, %mul3A_63] : memref<26x32x100001xf32, #tpu.memory_space<hbm>> -> memref<1x1x1024xf32, #tpu.memory_space<hbm>>
        %dma_start3A_67 = tpu.memref_squeeze %dma_start3A_66 : memref<1x1x1024xf32, #tpu.memory_space<hbm>> -> memref<1024xf32, #tpu.memory_space<hbm>>
        %dma_start3A_68 = arith.constant 0 : i32
        %dma_start3A_69 = tpu.memref_slice %arg7[%dma_start3A_68] : memref<32768xf32, #tpu.memory_space<vmem>> -> memref<1024xf32, #tpu.memory_space<vmem>>
        %dma_start3A_70 = tpu.memref_slice %arg2[%select_n3A, %dma_start3A, %mul3A_63] : memref<26x32x100001xf32, #tpu.memory_space<hbm>> -> memref<1x1x1024xf32, #tpu.memory_space<hbm>>
        %dma_start3A_71 = tpu.memref_squeeze %dma_start3A_70 : memref<1x1x1024xf32, #tpu.memory_space<hbm>> -> memref<1024xf32, #tpu.memory_space<hbm>>
        tpu.enqueue_dma source(%dma_start3A_71 : memref<1024xf32, #tpu.memory_space<hbm>>) target(%dma_start3A_69 : memref<1024xf32, #tpu.memory_space<vmem>>) target_semaphore(%arg11 : memref<!tpu.dma_semaphore, #tpu.memory_space<semaphore_mem>>)
        %dma_start3A_72 = arith.constant 1 : i32
        %dma_start3A_73 = arith.constant 1024 : i32
        %dma_start3A_74 = tpu.memref_slice %arg7[%dma_start3A_73] : memref<32768xf32, #tpu.memory_space<vmem>> -> memref<1024xf32, #tpu.memory_space<vmem>>
        %dma_start3A_75 = tpu.memref_slice %arg2[%select_n3A, %dma_start3A_72, %mul3A_63] : memref<26x32x100001xf32, #tpu.memory_space<hbm>> -> memref<1x1x1024xf32, #tpu.memory_space<hbm>>
        %dma_start3A_76 = tpu.memref_squeeze %dma_start3A_75 : memref<1x1x1024xf32, #tpu.memory_space<hbm>> -> memref<1024xf32, #tpu.memory_space<hbm>>
        %dma_start3A_77 = arith.constant 1024 : i32
        %dma_start3A_78 = tpu.memref_slice %arg7[%dma_start3A_77] : memref<32768xf32, #tpu.memory_space<vmem>> -> memref<1024xf32, #tpu.memory_space<vmem>>
        %dma_start3A_79 = tpu.memref_slice %arg2[%select_n3A, %dma_start3A_72, %mul3A_63] : memref<26x32x100001xf32, #tpu.memory_space<hbm>> -> memref<1x1x1024xf32, #tpu.memory_space<hbm>>
        %dma_start3A_80 = tpu.memref_squeeze %dma_start3A_79 : memref<1x1x1024xf32, #tpu.memory_space<hbm>> -> memref<1024xf32, #tpu.memory_space<hbm>>
        tpu.enqueue_dma source(%dma_start3A_80 : memref<1024xf32, #tpu.memory_space<hbm>>) target(%dma_start3A_78 : memref<1024xf32, #tpu.memory_space<vmem>>) target_semaphore(%arg11 : memref<!tpu.dma_semaphore, #tpu.memory_space<semaphore_mem>>)
        %dma_start3A_81 = arith.constant 2 : i32
        %dma_start3A_82 = arith.constant 2048 : i32
        %dma_start3A_83 = tpu.memref_slice %arg7[%dma_start3A_82] : memref<32768xf32, #tpu.memory_space<vmem>> -> memref<1024xf32, #tpu.memory_space<vmem>>
        %dma_start3A_84 = tpu.memref_slice %arg2[%select_n3A, %dma_start3A_81, %mul3A_63] : memref<26x32x100001xf32, #tpu.memory_space<hbm>> -> memref<1x1x1024xf32, #tpu.memory_space<hbm>>
        %dma_start3A_85 = tpu.memref_squeeze %dma_start3A_84 : memref<1x1x1024xf32, #tpu.memory_space<hbm>> -> memref<1024xf32, #tpu.memory_space<hbm>>
        %dma_start3A_86 = arith.constant 2048 : i32
        %dma_start3A_87 = tpu.memref_slice %arg7[%dma_start3A_86] : memref<32768xf32, #tpu.memory_space<vmem>> -> memref<1024xf32, #tpu.memory_space<vmem>>
        %dma_start3A_88 = tpu.memref_slice %arg2[%select_n3A, %dma_start3A_81, %mul3A_63] : memref<26x32x100001xf32, #tpu.memory_space<hbm>> -> memref<1x1x1024xf32, #tpu.memory_space<hbm>>
        %dma_start3A_89 = tpu.memref_squeeze %dma_start3A_88 : memref<1x1x1024xf32, #tpu.memory_space<hbm>> -> memref<1024xf32, #tpu.memory_space<hbm>>
        tpu.enqueue_dma source(%dma_start3A_89 : memref<1024xf32, #tpu.memory_space<hbm>>) target(%dma_start3A_87 : memref<1024xf32, #tpu.memory_space<vmem>>) target_semaphore(%arg11 : memref<!tpu.dma_semaphore, #tpu.memory_space<semaphore_mem>>)
        %dma_start3A_90 = arith.constant 3 : i32
        %dma_start3A_91 = arith.constant 3072 : i32
        %dma_start3A_92 = tpu.memref_slice %arg7[%dma_start3A_91] : memref<32768xf32, #tpu.memory_space<vmem>> -> memref<1024xf32, #tpu.memory_space<vmem>>
        %dma_start3A_93 = tpu.memref_slice %arg2[%select_n3A, %dma_start3A_90, %mul3A_63] : memref<26x32x100001xf32, #tpu.memory_space<hbm>> -> memref<1x1x1024xf32, #tpu.memory_space<hbm>>
        %dma_start3A_94 = tpu.memref_squeeze %dma_start3A_93 : memref<1x1x1024xf32, #tpu.memory_space<hbm>> -> memref<1024xf32, #tpu.memory_space<hbm>>
        %dma_start3A_95 = arith.constant 3072 : i32
        %dma_start3A_96 = tpu.memref_slice %arg7[%dma_start3A_95] : memref<32768xf32, #tpu.memory_space<vmem>> -> memref<1024xf32, #tpu.memory_space<vmem>>
        %dma_start3A_97 = tpu.memref_slice %arg2[%select_n3A, %dma_start3A_90, %mul3A_63] : memref<26x32x100001xf32, #tpu.memory_space<hbm>> -> memref<1x1x1024xf32, #tpu.memory_space<hbm>>
        %dma_start3A_98 = tpu.memref_squeeze %dma_start3A_97 : memref<1x1x1024xf32, #tpu.memory_space<hbm>> -> memref<1024xf32, #tpu.memory_space<hbm>>
        tpu.enqueue_dma source(%dma_start3A_98 : memref<1024xf32, #tpu.memory_space<hbm>>) target(%dma_start3A_96 : memref<1024xf32, #tpu.memory_space<vmem>>) target_semaphore(%arg11 : memref<!tpu.dma_semaphore, #tpu.memory_space<semaphore_mem>>)
        %dma_start3A_99 = arith.constant 4 : i32
        %dma_start3A_100 = arith.constant 4096 : i32
        %dma_start3A_101 = tpu.memref_slice %arg7[%dma_start3A_100] : memref<32768xf32, #tpu.memory_space<vmem>> -> memref<1024xf32, #tpu.memory_space<vmem>>
        %dma_start3A_102 = tpu.memref_slice %arg2[%select_n3A, %dma_start3A_99, %mul3A_63] : memref<26x32x100001xf32, #tpu.memory_space<hbm>> -> memref<1x1x1024xf32, #tpu.memory_space<hbm>>
        %dma_start3A_103 = tpu.memref_squeeze %dma_start3A_102 : memref<1x1x1024xf32, #tpu.memory_space<hbm>> -> memref<1024xf32, #tpu.memory_space<hbm>>
        %dma_start3A_104 = arith.constant 4096 : i32
        %dma_start3A_105 = tpu.memref_slice %arg7[%dma_start3A_104] : memref<32768xf32, #tpu.memory_space<vmem>> -> memref<1024xf32, #tpu.memory_space<vmem>>
        %dma_start3A_106 = tpu.memref_slice %arg2[%select_n3A, %dma_start3A_99, %mul3A_63] : memref<26x32x100001xf32, #tpu.memory_space<hbm>> -> memref<1x1x1024xf32, #tpu.memory_space<hbm>>
        %dma_start3A_107 = tpu.memref_squeeze %dma_start3A_106 : memref<1x1x1024xf32, #tpu.memory_space<hbm>> -> memref<1024xf32, #tpu.memory_space<hbm>>
        tpu.enqueue_dma source(%dma_start3A_107 : memref<1024xf32, #tpu.memory_space<hbm>>) target(%dma_start3A_105 : memref<1024xf32, #tpu.memory_space<vmem>>) target_semaphore(%arg11 : memref<!tpu.dma_semaphore, #tpu.memory_space<semaphore_mem>>)
        %dma_start3A_108 = arith.constant 5 : i32
        %dma_start3A_109 = arith.constant 5120 : i32
        %dma_start3A_110 = tpu.memref_slice %arg7[%dma_start3A_109] : memref<32768xf32, #tpu.memory_space<vmem>> -> memref<1024xf32, #tpu.memory_space<vmem>>
        %dma_start3A_111 = tpu.memref_slice %arg2[%select_n3A, %dma_start3A_108, %mul3A_63] : memref<26x32x100001xf32, #tpu.memory_space<hbm>> -> memref<1x1x1024xf32, #tpu.memory_space<hbm>>
        %dma_start3A_112 = tpu.memref_squeeze %dma_start3A_111 : memref<1x1x1024xf32, #tpu.memory_space<hbm>> -> memref<1024xf32, #tpu.memory_space<hbm>>
        %dma_start3A_113 = arith.constant 5120 : i32
        %dma_start3A_114 = tpu.memref_slice %arg7[%dma_start3A_113] : memref<32768xf32, #tpu.memory_space<vmem>> -> memref<1024xf32, #tpu.memory_space<vmem>>
        %dma_start3A_115 = tpu.memref_slice %arg2[%select_n3A, %dma_start3A_108, %mul3A_63] : memref<26x32x100001xf32, #tpu.memory_space<hbm>> -> memref<1x1x1024xf32, #tpu.memory_space<hbm>>
        %dma_start3A_116 = tpu.memref_squeeze %dma_start3A_115 : memref<1x1x1024xf32, #tpu.memory_space<hbm>> -> memref<1024xf32, #tpu.memory_space<hbm>>
        tpu.enqueue_dma source(%dma_start3A_116 : memref<1024xf32, #tpu.memory_space<hbm>>) target(%dma_start3A_114 : memref<1024xf32, #tpu.memory_space<vmem>>) target_semaphore(%arg11 : memref<!tpu.dma_semaphore, #tpu.memory_space<semaphore_mem>>)
        %dma_start3A_117 = arith.constant 6 : i32
        %dma_start3A_118 = arith.constant 6144 : i32
        %dma_start3A_119 = tpu.memref_slice %arg7[%dma_start3A_118] : memref<32768xf32, #tpu.memory_space<vmem>> -> memref<1024xf32, #tpu.memory_space<vmem>>
        %dma_start3A_120 = tpu.memref_slice %arg2[%select_n3A, %dma_start3A_117, %mul3A_63] : memref<26x32x100001xf32, #tpu.memory_space<hbm>> -> memref<1x1x1024xf32, #tpu.memory_space<hbm>>
        %dma_start3A_121 = tpu.memref_squeeze %dma_start3A_120 : memref<1x1x1024xf32, #tpu.memory_space<hbm>> -> memref<1024xf32, #tpu.memory_space<hbm>>
        %dma_start3A_122 = arith.constant 6144 : i32
        %dma_start3A_123 = tpu.memref_slice %arg7[%dma_start3A_122] : memref<32768xf32, #tpu.memory_space<vmem>> -> memref<1024xf32, #tpu.memory_space<vmem>>
        %dma_start3A_124 = tpu.memref_slice %arg2[%select_n3A, %dma_start3A_117, %mul3A_63] : memref<26x32x100001xf32, #tpu.memory_space<hbm>> -> memref<1x1x1024xf32, #tpu.memory_space<hbm>>
        %dma_start3A_125 = tpu.memref_squeeze %dma_start3A_124 : memref<1x1x1024xf32, #tpu.memory_space<hbm>> -> memref<1024xf32, #tpu.memory_space<hbm>>
        tpu.enqueue_dma source(%dma_start3A_125 : memref<1024xf32, #tpu.memory_space<hbm>>) target(%dma_start3A_123 : memref<1024xf32, #tpu.memory_space<vmem>>) target_semaphore(%arg11 : memref<!tpu.dma_semaphore, #tpu.memory_space<semaphore_mem>>)
        %dma_start3A_126 = arith.constant 7 : i32
        %dma_start3A_127 = arith.constant 7168 : i32
        %dma_start3A_128 = tpu.memref_slice %arg7[%dma_start3A_127] : memref<32768xf32, #tpu.memory_space<vmem>> -> memref<1024xf32, #tpu.memory_space<vmem>>
        %dma_start3A_129 = tpu.memref_slice %arg2[%select_n3A, %dma_start3A_126, %mul3A_63] : memref<26x32x100001xf32, #tpu.memory_space<hbm>> -> memref<1x1x1024xf32, #tpu.memory_space<hbm>>
        %dma_start3A_130 = tpu.memref_squeeze %dma_start3A_129 : memref<1x1x1024xf32, #tpu.memory_space<hbm>> -> memref<1024xf32, #tpu.memory_space<hbm>>
        %dma_start3A_131 = arith.constant 7168 : i32
        %dma_start3A_132 = tpu.memref_slice %arg7[%dma_start3A_131] : memref<32768xf32, #tpu.memory_space<vmem>> -> memref<1024xf32, #tpu.memory_space<vmem>>
        %dma_start3A_133 = tpu.memref_slice %arg2[%select_n3A, %dma_start3A_126, %mul3A_63] : memref<26x32x100001xf32, #tpu.memory_space<hbm>> -> memref<1x1x1024xf32, #tpu.memory_space<hbm>>
        %dma_start3A_134 = tpu.memref_squeeze %dma_start3A_133 : memref<1x1x1024xf32, #tpu.memory_space<hbm>> -> memref<1024xf32, #tpu.memory_space<hbm>>
        tpu.enqueue_dma source(%dma_start3A_134 : memref<1024xf32, #tpu.memory_space<hbm>>) target(%dma_start3A_132 : memref<1024xf32, #tpu.memory_space<vmem>>) target_semaphore(%arg11 : memref<!tpu.dma_semaphore, #tpu.memory_space<semaphore_mem>>)
        %dma_start3A_135 = arith.constant 8 : i32
        %dma_start3A_136 = arith.constant 8192 : i32
        %dma_start3A_137 = tpu.memref_slice %arg7[%dma_start3A_136] : memref<32768xf32, #tpu.memory_space<vmem>> -> memref<1024xf32, #tpu.memory_space<vmem>>
        %dma_start3A_138 = tpu.memref_slice %arg2[%select_n3A, %dma_start3A_135, %mul3A_63] : memref<26x32x100001xf32, #tpu.memory_space<hbm>> -> memref<1x1x1024xf32, #tpu.memory_space<hbm>>
        %dma_start3A_139 = tpu.memref_squeeze %dma_start3A_138 : memref<1x1x1024xf32, #tpu.memory_space<hbm>> -> memref<1024xf32, #tpu.memory_space<hbm>>
        %dma_start3A_140 = arith.constant 8192 : i32
        %dma_start3A_141 = tpu.memref_slice %arg7[%dma_start3A_140] : memref<32768xf32, #tpu.memory_space<vmem>> -> memref<1024xf32, #tpu.memory_space<vmem>>
        %dma_start3A_142 = tpu.memref_slice %arg2[%select_n3A, %dma_start3A_135, %mul3A_63] : memref<26x32x100001xf32, #tpu.memory_space<hbm>> -> memref<1x1x1024xf32, #tpu.memory_space<hbm>>
        %dma_start3A_143 = tpu.memref_squeeze %dma_start3A_142 : memref<1x1x1024xf32, #tpu.memory_space<hbm>> -> memref<1024xf32, #tpu.memory_space<hbm>>
        tpu.enqueue_dma source(%dma_start3A_143 : memref<1024xf32, #tpu.memory_space<hbm>>) target(%dma_start3A_141 : memref<1024xf32, #tpu.memory_space<vmem>>) target_semaphore(%arg11 : memref<!tpu.dma_semaphore, #tpu.memory_space<semaphore_mem>>)
        %dma_start3A_144 = arith.constant 9 : i32
        %dma_start3A_145 = arith.constant 9216 : i32
        %dma_start3A_146 = tpu.memref_slice %arg7[%dma_start3A_145] : memref<32768xf32, #tpu.memory_space<vmem>> -> memref<1024xf32, #tpu.memory_space<vmem>>
        %dma_start3A_147 = tpu.memref_slice %arg2[%select_n3A, %dma_start3A_144, %mul3A_63] : memref<26x32x100001xf32, #tpu.memory_space<hbm>> -> memref<1x1x1024xf32, #tpu.memory_space<hbm>>
        %dma_start3A_148 = tpu.memref_squeeze %dma_start3A_147 : memref<1x1x1024xf32, #tpu.memory_space<hbm>> -> memref<1024xf32, #tpu.memory_space<hbm>>
        %dma_start3A_149 = arith.constant 9216 : i32
        %dma_start3A_150 = tpu.memref_slice %arg7[%dma_start3A_149] : memref<32768xf32, #tpu.memory_space<vmem>> -> memref<1024xf32, #tpu.memory_space<vmem>>
        %dma_start3A_151 = tpu.memref_slice %arg2[%select_n3A, %dma_start3A_144, %mul3A_63] : memref<26x32x100001xf32, #tpu.memory_space<hbm>> -> memref<1x1x1024xf32, #tpu.memory_space<hbm>>
        %dma_start3A_152 = tpu.memref_squeeze %dma_start3A_151 : memref<1x1x1024xf32, #tpu.memory_space<hbm>> -> memref<1024xf32, #tpu.memory_space<hbm>>
        tpu.enqueue_dma source(%dma_start3A_152 : memref<1024xf32, #tpu.memory_space<hbm>>) target(%dma_start3A_150 : memref<1024xf32, #tpu.memory_space<vmem>>) target_semaphore(%arg11 : memref<!tpu.dma_semaphore, #tpu.memory_space<semaphore_mem>>)
        %dma_start3A_153 = arith.constant 10 : i32
        %dma_start3A_154 = arith.constant 10240 : i32
        %dma_start3A_155 = tpu.memref_slice %arg7[%dma_start3A_154] : memref<32768xf32, #tpu.memory_space<vmem>> -> memref<1024xf32, #tpu.memory_space<vmem>>
        %dma_start3A_156 = tpu.memref_slice %arg2[%select_n3A, %dma_start3A_153, %mul3A_63] : memref<26x32x100001xf32, #tpu.memory_space<hbm>> -> memref<1x1x1024xf32, #tpu.memory_space<hbm>>
        %dma_start3A_157 = tpu.memref_squeeze %dma_start3A_156 : memref<1x1x1024xf32, #tpu.memory_space<hbm>> -> memref<1024xf32, #tpu.memory_space<hbm>>
        %dma_start3A_158 = arith.constant 10240 : i32
        %dma_start3A_159 = tpu.memref_slice %arg7[%dma_start3A_158] : memref<32768xf32, #tpu.memory_space<vmem>> -> memref<1024xf32, #tpu.memory_space<vmem>>
        %dma_start3A_160 = tpu.memref_slice %arg2[%select_n3A, %dma_start3A_153, %mul3A_63] : memref<26x32x100001xf32, #tpu.memory_space<hbm>> -> memref<1x1x1024xf32, #tpu.memory_space<hbm>>
        %dma_start3A_161 = tpu.memref_squeeze %dma_start3A_160 : memref<1x1x1024xf32, #tpu.memory_space<hbm>> -> memref<1024xf32, #tpu.memory_space<hbm>>
        tpu.enqueue_dma source(%dma_start3A_161 : memref<1024xf32, #tpu.memory_space<hbm>>) target(%dma_start3A_159 : memref<1024xf32, #tpu.memory_space<vmem>>) target_semaphore(%arg11 : memref<!tpu.dma_semaphore, #tpu.memory_space<semaphore_mem>>)
        %dma_start3A_162 = arith.constant 11 : i32
        %dma_start3A_163 = arith.constant 11264 : i32
        %dma_start3A_164 = tpu.memref_slice %arg7[%dma_start3A_163] : memref<32768xf32, #tpu.memory_space<vmem>> -> memref<1024xf32, #tpu.memory_space<vmem>>
        %dma_start3A_165 = tpu.memref_slice %arg2[%select_n3A, %dma_start3A_162, %mul3A_63] : memref<26x32x100001xf32, #tpu.memory_space<hbm>> -> memref<1x1x1024xf32, #tpu.memory_space<hbm>>
        %dma_start3A_166 = tpu.memref_squeeze %dma_start3A_165 : memref<1x1x1024xf32, #tpu.memory_space<hbm>> -> memref<1024xf32, #tpu.memory_space<hbm>>
        %dma_start3A_167 = arith.constant 11264 : i32
        %dma_start3A_168 = tpu.memref_slice %arg7[%dma_start3A_167] : memref<32768xf32, #tpu.memory_space<vmem>> -> memref<1024xf32, #tpu.memory_space<vmem>>
        %dma_start3A_169 = tpu.memref_slice %arg2[%select_n3A, %dma_start3A_162, %mul3A_63] : memref<26x32x100001xf32, #tpu.memory_space<hbm>> -> memref<1x1x1024xf32, #tpu.memory_space<hbm>>
        %dma_start3A_170 = tpu.memref_squeeze %dma_start3A_169 : memref<1x1x1024xf32, #tpu.memory_space<hbm>> -> memref<1024xf32, #tpu.memory_space<hbm>>
        tpu.enqueue_dma source(%dma_start3A_170 : memref<1024xf32, #tpu.memory_space<hbm>>) target(%dma_start3A_168 : memref<1024xf32, #tpu.memory_space<vmem>>) target_semaphore(%arg11 : memref<!tpu.dma_semaphore, #tpu.memory_space<semaphore_mem>>)
        %dma_start3A_171 = arith.constant 12 : i32
        %dma_start3A_172 = arith.constant 12288 : i32
        %dma_start3A_173 = tpu.memref_slice %arg7[%dma_start3A_172] : memref<32768xf32, #tpu.memory_space<vmem>> -> memref<1024xf32, #tpu.memory_space<vmem>>
        %dma_start3A_174 = tpu.memref_slice %arg2[%select_n3A, %dma_start3A_171, %mul3A_63] : memref<26x32x100001xf32, #tpu.memory_space<hbm>> -> memref<1x1x1024xf32, #tpu.memory_space<hbm>>
        %dma_start3A_175 = tpu.memref_squeeze %dma_start3A_174 : memref<1x1x1024xf32, #tpu.memory_space<hbm>> -> memref<1024xf32, #tpu.memory_space<hbm>>
        %dma_start3A_176 = arith.constant 12288 : i32
        %dma_start3A_177 = tpu.memref_slice %arg7[%dma_start3A_176] : memref<32768xf32, #tpu.memory_space<vmem>> -> memref<1024xf32, #tpu.memory_space<vmem>>
        %dma_start3A_178 = tpu.memref_slice %arg2[%select_n3A, %dma_start3A_171, %mul3A_63] : memref<26x32x100001xf32, #tpu.memory_space<hbm>> -> memref<1x1x1024xf32, #tpu.memory_space<hbm>>
        %dma_start3A_179 = tpu.memref_squeeze %dma_start3A_178 : memref<1x1x1024xf32, #tpu.memory_space<hbm>> -> memref<1024xf32, #tpu.memory_space<hbm>>
        tpu.enqueue_dma source(%dma_start3A_179 : memref<1024xf32, #tpu.memory_space<hbm>>) target(%dma_start3A_177 : memref<1024xf32, #tpu.memory_space<vmem>>) target_semaphore(%arg11 : memref<!tpu.dma_semaphore, #tpu.memory_space<semaphore_mem>>)
        %dma_start3A_180 = arith.constant 13 : i32
        %dma_start3A_181 = arith.constant 13312 : i32
        %dma_start3A_182 = tpu.memref_slice %arg7[%dma_start3A_181] : memref<32768xf32, #tpu.memory_space<vmem>> -> memref<1024xf32, #tpu.memory_space<vmem>>
        %dma_start3A_183 = tpu.memref_slice %arg2[%select_n3A, %dma_start3A_180, %mul3A_63] : memref<26x32x100001xf32, #tpu.memory_space<hbm>> -> memref<1x1x1024xf32, #tpu.memory_space<hbm>>
        %dma_start3A_184 = tpu.memref_squeeze %dma_start3A_183 : memref<1x1x1024xf32, #tpu.memory_space<hbm>> -> memref<1024xf32, #tpu.memory_space<hbm>>
        %dma_start3A_185 = arith.constant 13312 : i32
        %dma_start3A_186 = tpu.memref_slice %arg7[%dma_start3A_185] : memref<32768xf32, #tpu.memory_space<vmem>> -> memref<1024xf32, #tpu.memory_space<vmem>>
        %dma_start3A_187 = tpu.memref_slice %arg2[%select_n3A, %dma_start3A_180, %mul3A_63] : memref<26x32x100001xf32, #tpu.memory_space<hbm>> -> memref<1x1x1024xf32, #tpu.memory_space<hbm>>
        %dma_start3A_188 = tpu.memref_squeeze %dma_start3A_187 : memref<1x1x1024xf32, #tpu.memory_space<hbm>> -> memref<1024xf32, #tpu.memory_space<hbm>>
        tpu.enqueue_dma source(%dma_start3A_188 : memref<1024xf32, #tpu.memory_space<hbm>>) target(%dma_start3A_186 : memref<1024xf32, #tpu.memory_space<vmem>>) target_semaphore(%arg11 : memref<!tpu.dma_semaphore, #tpu.memory_space<semaphore_mem>>)
        %dma_start3A_189 = arith.constant 14 : i32
        %dma_start3A_190 = arith.constant 14336 : i32
        %dma_start3A_191 = tpu.memref_slice %arg7[%dma_start3A_190] : memref<32768xf32, #tpu.memory_space<vmem>> -> memref<1024xf32, #tpu.memory_space<vmem>>
        %dma_start3A_192 = tpu.memref_slice %arg2[%select_n3A, %dma_start3A_189, %mul3A_63] : memref<26x32x100001xf32, #tpu.memory_space<hbm>> -> memref<1x1x1024xf32, #tpu.memory_space<hbm>>
        %dma_start3A_193 = tpu.memref_squeeze %dma_start3A_192 : memref<1x1x1024xf32, #tpu.memory_space<hbm>> -> memref<1024xf32, #tpu.memory_space<hbm>>
        %dma_start3A_194 = arith.constant 14336 : i32
        %dma_start3A_195 = tpu.memref_slice %arg7[%dma_start3A_194] : memref<32768xf32, #tpu.memory_space<vmem>> -> memref<1024xf32, #tpu.memory_space<vmem>>
        %dma_start3A_196 = tpu.memref_slice %arg2[%select_n3A, %dma_start3A_189, %mul3A_63] : memref<26x32x100001xf32, #tpu.memory_space<hbm>> -> memref<1x1x1024xf32, #tpu.memory_space<hbm>>
        %dma_start3A_197 = tpu.memref_squeeze %dma_start3A_196 : memref<1x1x1024xf32, #tpu.memory_space<hbm>> -> memref<1024xf32, #tpu.memory_space<hbm>>
        tpu.enqueue_dma source(%dma_start3A_197 : memref<1024xf32, #tpu.memory_space<hbm>>) target(%dma_start3A_195 : memref<1024xf32, #tpu.memory_space<vmem>>) target_semaphore(%arg11 : memref<!tpu.dma_semaphore, #tpu.memory_space<semaphore_mem>>)
        %dma_start3A_198 = arith.constant 15 : i32
        %dma_start3A_199 = arith.constant 15360 : i32
        %dma_start3A_200 = tpu.memref_slice %arg7[%dma_start3A_199] : memref<32768xf32, #tpu.memory_space<vmem>> -> memref<1024xf32, #tpu.memory_space<vmem>>
        %dma_start3A_201 = tpu.memref_slice %arg2[%select_n3A, %dma_start3A_198, %mul3A_63] : memref<26x32x100001xf32, #tpu.memory_space<hbm>> -> memref<1x1x1024xf32, #tpu.memory_space<hbm>>
        %dma_start3A_202 = tpu.memref_squeeze %dma_start3A_201 : memref<1x1x1024xf32, #tpu.memory_space<hbm>> -> memref<1024xf32, #tpu.memory_space<hbm>>
        %dma_start3A_203 = arith.constant 15360 : i32
        %dma_start3A_204 = tpu.memref_slice %arg7[%dma_start3A_203] : memref<32768xf32, #tpu.memory_space<vmem>> -> memref<1024xf32, #tpu.memory_space<vmem>>
        %dma_start3A_205 = tpu.memref_slice %arg2[%select_n3A, %dma_start3A_198, %mul3A_63] : memref<26x32x100001xf32, #tpu.memory_space<hbm>> -> memref<1x1x1024xf32, #tpu.memory_space<hbm>>
        %dma_start3A_206 = tpu.memref_squeeze %dma_start3A_205 : memref<1x1x1024xf32, #tpu.memory_space<hbm>> -> memref<1024xf32, #tpu.memory_space<hbm>>
        tpu.enqueue_dma source(%dma_start3A_206 : memref<1024xf32, #tpu.memory_space<hbm>>) target(%dma_start3A_204 : memref<1024xf32, #tpu.memory_space<vmem>>) target_semaphore(%arg11 : memref<!tpu.dma_semaphore, #tpu.memory_space<semaphore_mem>>)
        %dma_start3A_207 = arith.constant 16 : i32
        %dma_start3A_208 = arith.constant 16384 : i32
        %dma_start3A_209 = tpu.memref_slice %arg7[%dma_start3A_208] : memref<32768xf32, #tpu.memory_space<vmem>> -> memref<1024xf32, #tpu.memory_space<vmem>>
        %dma_start3A_210 = tpu.memref_slice %arg2[%select_n3A, %dma_start3A_207, %mul3A_63] : memref<26x32x100001xf32, #tpu.memory_space<hbm>> -> memref<1x1x1024xf32, #tpu.memory_space<hbm>>
        %dma_start3A_211 = tpu.memref_squeeze %dma_start3A_210 : memref<1x1x1024xf32, #tpu.memory_space<hbm>> -> memref<1024xf32, #tpu.memory_space<hbm>>
        %dma_start3A_212 = arith.constant 16384 : i32
        %dma_start3A_213 = tpu.memref_slice %arg7[%dma_start3A_212] : memref<32768xf32, #tpu.memory_space<vmem>> -> memref<1024xf32, #tpu.memory_space<vmem>>
        %dma_start3A_214 = tpu.memref_slice %arg2[%select_n3A, %dma_start3A_207, %mul3A_63] : memref<26x32x100001xf32, #tpu.memory_space<hbm>> -> memref<1x1x1024xf32, #tpu.memory_space<hbm>>
        %dma_start3A_215 = tpu.memref_squeeze %dma_start3A_214 : memref<1x1x1024xf32, #tpu.memory_space<hbm>> -> memref<1024xf32, #tpu.memory_space<hbm>>
        tpu.enqueue_dma source(%dma_start3A_215 : memref<1024xf32, #tpu.memory_space<hbm>>) target(%dma_start3A_213 : memref<1024xf32, #tpu.memory_space<vmem>>) target_semaphore(%arg11 : memref<!tpu.dma_semaphore, #tpu.memory_space<semaphore_mem>>)
        %dma_start3A_216 = arith.constant 17 : i32
        %dma_start3A_217 = arith.constant 17408 : i32
        %dma_start3A_218 = tpu.memref_slice %arg7[%dma_start3A_217] : memref<32768xf32, #tpu.memory_space<vmem>> -> memref<1024xf32, #tpu.memory_space<vmem>>
        %dma_start3A_219 = tpu.memref_slice %arg2[%select_n3A, %dma_start3A_216, %mul3A_63] : memref<26x32x100001xf32, #tpu.memory_space<hbm>> -> memref<1x1x1024xf32, #tpu.memory_space<hbm>>
        %dma_start3A_220 = tpu.memref_squeeze %dma_start3A_219 : memref<1x1x1024xf32, #tpu.memory_space<hbm>> -> memref<1024xf32, #tpu.memory_space<hbm>>
        %dma_start3A_221 = arith.constant 17408 : i32
        %dma_start3A_222 = tpu.memref_slice %arg7[%dma_start3A_221] : memref<32768xf32, #tpu.memory_space<vmem>> -> memref<1024xf32, #tpu.memory_space<vmem>>
        %dma_start3A_223 = tpu.memref_slice %arg2[%select_n3A, %dma_start3A_216, %mul3A_63] : memref<26x32x100001xf32, #tpu.memory_space<hbm>> -> memref<1x1x1024xf32, #tpu.memory_space<hbm>>
        %dma_start3A_224 = tpu.memref_squeeze %dma_start3A_223 : memref<1x1x1024xf32, #tpu.memory_space<hbm>> -> memref<1024xf32, #tpu.memory_space<hbm>>
        tpu.enqueue_dma source(%dma_start3A_224 : memref<1024xf32, #tpu.memory_space<hbm>>) target(%dma_start3A_222 : memref<1024xf32, #tpu.memory_space<vmem>>) target_semaphore(%arg11 : memref<!tpu.dma_semaphore, #tpu.memory_space<semaphore_mem>>)
        %dma_start3A_225 = arith.constant 18 : i32
        %dma_start3A_226 = arith.constant 18432 : i32
        %dma_start3A_227 = tpu.memref_slice %arg7[%dma_start3A_226] : memref<32768xf32, #tpu.memory_space<vmem>> -> memref<1024xf32, #tpu.memory_space<vmem>>
        %dma_start3A_228 = tpu.memref_slice %arg2[%select_n3A, %dma_start3A_225, %mul3A_63] : memref<26x32x100001xf32, #tpu.memory_space<hbm>> -> memref<1x1x1024xf32, #tpu.memory_space<hbm>>
        %dma_start3A_229 = tpu.memref_squeeze %dma_start3A_228 : memref<1x1x1024xf32, #tpu.memory_space<hbm>> -> memref<1024xf32, #tpu.memory_space<hbm>>
        %dma_start3A_230 = arith.constant 18432 : i32
        %dma_start3A_231 = tpu.memref_slice %arg7[%dma_start3A_230] : memref<32768xf32, #tpu.memory_space<vmem>> -> memref<1024xf32, #tpu.memory_space<vmem>>
        %dma_start3A_232 = tpu.memref_slice %arg2[%select_n3A, %dma_start3A_225, %mul3A_63] : memref<26x32x100001xf32, #tpu.memory_space<hbm>> -> memref<1x1x1024xf32, #tpu.memory_space<hbm>>
        %dma_start3A_233 = tpu.memref_squeeze %dma_start3A_232 : memref<1x1x1024xf32, #tpu.memory_space<hbm>> -> memref<1024xf32, #tpu.memory_space<hbm>>
        tpu.enqueue_dma source(%dma_start3A_233 : memref<1024xf32, #tpu.memory_space<hbm>>) target(%dma_start3A_231 : memref<1024xf32, #tpu.memory_space<vmem>>) target_semaphore(%arg11 : memref<!tpu.dma_semaphore, #tpu.memory_space<semaphore_mem>>)
        %dma_start3A_234 = arith.constant 19 : i32
        %dma_start3A_235 = arith.constant 19456 : i32
        %dma_start3A_236 = tpu.memref_slice %arg7[%dma_start3A_235] : memref<32768xf32, #tpu.memory_space<vmem>> -> memref<1024xf32, #tpu.memory_space<vmem>>
        %dma_start3A_237 = tpu.memref_slice %arg2[%select_n3A, %dma_start3A_234, %mul3A_63] : memref<26x32x100001xf32, #tpu.memory_space<hbm>> -> memref<1x1x1024xf32, #tpu.memory_space<hbm>>
        %dma_start3A_238 = tpu.memref_squeeze %dma_start3A_237 : memref<1x1x1024xf32, #tpu.memory_space<hbm>> -> memref<1024xf32, #tpu.memory_space<hbm>>
        %dma_start3A_239 = arith.constant 19456 : i32
        %dma_start3A_240 = tpu.memref_slice %arg7[%dma_start3A_239] : memref<32768xf32, #tpu.memory_space<vmem>> -> memref<1024xf32, #tpu.memory_space<vmem>>
        %dma_start3A_241 = tpu.memref_slice %arg2[%select_n3A, %dma_start3A_234, %mul3A_63] : memref<26x32x100001xf32, #tpu.memory_space<hbm>> -> memref<1x1x1024xf32, #tpu.memory_space<hbm>>
        %dma_start3A_242 = tpu.memref_squeeze %dma_start3A_241 : memref<1x1x1024xf32, #tpu.memory_space<hbm>> -> memref<1024xf32, #tpu.memory_space<hbm>>
        tpu.enqueue_dma source(%dma_start3A_242 : memref<1024xf32, #tpu.memory_space<hbm>>) target(%dma_start3A_240 : memref<1024xf32, #tpu.memory_space<vmem>>) target_semaphore(%arg11 : memref<!tpu.dma_semaphore, #tpu.memory_space<semaphore_mem>>)
        %dma_start3A_243 = arith.constant 20 : i32
        %dma_start3A_244 = arith.constant 20480 : i32
        %dma_start3A_245 = tpu.memref_slice %arg7[%dma_start3A_244] : memref<32768xf32, #tpu.memory_space<vmem>> -> memref<1024xf32, #tpu.memory_space<vmem>>
        %dma_start3A_246 = tpu.memref_slice %arg2[%select_n3A, %dma_start3A_243, %mul3A_63] : memref<26x32x100001xf32, #tpu.memory_space<hbm>> -> memref<1x1x1024xf32, #tpu.memory_space<hbm>>
        %dma_start3A_247 = tpu.memref_squeeze %dma_start3A_246 : memref<1x1x1024xf32, #tpu.memory_space<hbm>> -> memref<1024xf32, #tpu.memory_space<hbm>>
        %dma_start3A_248 = arith.constant 20480 : i32
        %dma_start3A_249 = tpu.memref_slice %arg7[%dma_start3A_248] : memref<32768xf32, #tpu.memory_space<vmem>> -> memref<1024xf32, #tpu.memory_space<vmem>>
        %dma_start3A_250 = tpu.memref_slice %arg2[%select_n3A, %dma_start3A_243, %mul3A_63] : memref<26x32x100001xf32, #tpu.memory_space<hbm>> -> memref<1x1x1024xf32, #tpu.memory_space<hbm>>
        %dma_start3A_251 = tpu.memref_squeeze %dma_start3A_250 : memref<1x1x1024xf32, #tpu.memory_space<hbm>> -> memref<1024xf32, #tpu.memory_space<hbm>>
        tpu.enqueue_dma source(%dma_start3A_251 : memref<1024xf32, #tpu.memory_space<hbm>>) target(%dma_start3A_249 : memref<1024xf32, #tpu.memory_space<vmem>>) target_semaphore(%arg11 : memref<!tpu.dma_semaphore, #tpu.memory_space<semaphore_mem>>)
        %dma_start3A_252 = arith.constant 21 : i32
        %dma_start3A_253 = arith.constant 21504 : i32
        %dma_start3A_254 = tpu.memref_slice %arg7[%dma_start3A_253] : memref<32768xf32, #tpu.memory_space<vmem>> -> memref<1024xf32, #tpu.memory_space<vmem>>
        %dma_start3A_255 = tpu.memref_slice %arg2[%select_n3A, %dma_start3A_252, %mul3A_63] : memref<26x32x100001xf32, #tpu.memory_space<hbm>> -> memref<1x1x1024xf32, #tpu.memory_space<hbm>>
        %dma_start3A_256 = tpu.memref_squeeze %dma_start3A_255 : memref<1x1x1024xf32, #tpu.memory_space<hbm>> -> memref<1024xf32, #tpu.memory_space<hbm>>
        %dma_start3A_257 = arith.constant 21504 : i32
        %dma_start3A_258 = tpu.memref_slice %arg7[%dma_start3A_257] : memref<32768xf32, #tpu.memory_space<vmem>> -> memref<1024xf32, #tpu.memory_space<vmem>>
        %dma_start3A_259 = tpu.memref_slice %arg2[%select_n3A, %dma_start3A_252, %mul3A_63] : memref<26x32x100001xf32, #tpu.memory_space<hbm>> -> memref<1x1x1024xf32, #tpu.memory_space<hbm>>
        %dma_start3A_260 = tpu.memref_squeeze %dma_start3A_259 : memref<1x1x1024xf32, #tpu.memory_space<hbm>> -> memref<1024xf32, #tpu.memory_space<hbm>>
        tpu.enqueue_dma source(%dma_start3A_260 : memref<1024xf32, #tpu.memory_space<hbm>>) target(%dma_start3A_258 : memref<1024xf32, #tpu.memory_space<vmem>>) target_semaphore(%arg11 : memref<!tpu.dma_semaphore, #tpu.memory_space<semaphore_mem>>)
        %dma_start3A_261 = arith.constant 22 : i32
        %dma_start3A_262 = arith.constant 22528 : i32
        %dma_start3A_263 = tpu.memref_slice %arg7[%dma_start3A_262] : memref<32768xf32, #tpu.memory_space<vmem>> -> memref<1024xf32, #tpu.memory_space<vmem>>
        %dma_start3A_264 = tpu.memref_slice %arg2[%select_n3A, %dma_start3A_261, %mul3A_63] : memref<26x32x100001xf32, #tpu.memory_space<hbm>> -> memref<1x1x1024xf32, #tpu.memory_space<hbm>>
        %dma_start3A_265 = tpu.memref_squeeze %dma_start3A_264 : memref<1x1x1024xf32, #tpu.memory_space<hbm>> -> memref<1024xf32, #tpu.memory_space<hbm>>
        %dma_start3A_266 = arith.constant 22528 : i32
        %dma_start3A_267 = tpu.memref_slice %arg7[%dma_start3A_266] : memref<32768xf32, #tpu.memory_space<vmem>> -> memref<1024xf32, #tpu.memory_space<vmem>>
        %dma_start3A_268 = tpu.memref_slice %arg2[%select_n3A, %dma_start3A_261, %mul3A_63] : memref<26x32x100001xf32, #tpu.memory_space<hbm>> -> memref<1x1x1024xf32, #tpu.memory_space<hbm>>
        %dma_start3A_269 = tpu.memref_squeeze %dma_start3A_268 : memref<1x1x1024xf32, #tpu.memory_space<hbm>> -> memref<1024xf32, #tpu.memory_space<hbm>>
        tpu.enqueue_dma source(%dma_start3A_269 : memref<1024xf32, #tpu.memory_space<hbm>>) target(%dma_start3A_267 : memref<1024xf32, #tpu.memory_space<vmem>>) target_semaphore(%arg11 : memref<!tpu.dma_semaphore, #tpu.memory_space<semaphore_mem>>)
        %dma_start3A_270 = arith.constant 23 : i32
        %dma_start3A_271 = arith.constant 23552 : i32
        %dma_start3A_272 = tpu.memref_slice %arg7[%dma_start3A_271] : memref<32768xf32, #tpu.memory_space<vmem>> -> memref<1024xf32, #tpu.memory_space<vmem>>
        %dma_start3A_273 = tpu.memref_slice %arg2[%select_n3A, %dma_start3A_270, %mul3A_63] : memref<26x32x100001xf32, #tpu.memory_space<hbm>> -> memref<1x1x1024xf32, #tpu.memory_space<hbm>>
        %dma_start3A_274 = tpu.memref_squeeze %dma_start3A_273 : memref<1x1x1024xf32, #tpu.memory_space<hbm>> -> memref<1024xf32, #tpu.memory_space<hbm>>
        %dma_start3A_275 = arith.constant 23552 : i32
        %dma_start3A_276 = tpu.memref_slice %arg7[%dma_start3A_275] : memref<32768xf32, #tpu.memory_space<vmem>> -> memref<1024xf32, #tpu.memory_space<vmem>>
        %dma_start3A_277 = tpu.memref_slice %arg2[%select_n3A, %dma_start3A_270, %mul3A_63] : memref<26x32x100001xf32, #tpu.memory_space<hbm>> -> memref<1x1x1024xf32, #tpu.memory_space<hbm>>
        %dma_start3A_278 = tpu.memref_squeeze %dma_start3A_277 : memref<1x1x1024xf32, #tpu.memory_space<hbm>> -> memref<1024xf32, #tpu.memory_space<hbm>>
        tpu.enqueue_dma source(%dma_start3A_278 : memref<1024xf32, #tpu.memory_space<hbm>>) target(%dma_start3A_276 : memref<1024xf32, #tpu.memory_space<vmem>>) target_semaphore(%arg11 : memref<!tpu.dma_semaphore, #tpu.memory_space<semaphore_mem>>)
        %dma_start3A_279 = arith.constant 24 : i32
        %dma_start3A_280 = arith.constant 24576 : i32
        %dma_start3A_281 = tpu.memref_slice %arg7[%dma_start3A_280] : memref<32768xf32, #tpu.memory_space<vmem>> -> memref<1024xf32, #tpu.memory_space<vmem>>
        %dma_start3A_282 = tpu.memref_slice %arg2[%select_n3A, %dma_start3A_279, %mul3A_63] : memref<26x32x100001xf32, #tpu.memory_space<hbm>> -> memref<1x1x1024xf32, #tpu.memory_space<hbm>>
        %dma_start3A_283 = tpu.memref_squeeze %dma_start3A_282 : memref<1x1x1024xf32, #tpu.memory_space<hbm>> -> memref<1024xf32, #tpu.memory_space<hbm>>
        %dma_start3A_284 = arith.constant 24576 : i32
        %dma_start3A_285 = tpu.memref_slice %arg7[%dma_start3A_284] : memref<32768xf32, #tpu.memory_space<vmem>> -> memref<1024xf32, #tpu.memory_space<vmem>>
        %dma_start3A_286 = tpu.memref_slice %arg2[%select_n3A, %dma_start3A_279, %mul3A_63] : memref<26x32x100001xf32, #tpu.memory_space<hbm>> -> memref<1x1x1024xf32, #tpu.memory_space<hbm>>
        %dma_start3A_287 = tpu.memref_squeeze %dma_start3A_286 : memref<1x1x1024xf32, #tpu.memory_space<hbm>> -> memref<1024xf32, #tpu.memory_space<hbm>>
        tpu.enqueue_dma source(%dma_start3A_287 : memref<1024xf32, #tpu.memory_space<hbm>>) target(%dma_start3A_285 : memref<1024xf32, #tpu.memory_space<vmem>>) target_semaphore(%arg11 : memref<!tpu.dma_semaphore, #tpu.memory_space<semaphore_mem>>)
        %dma_start3A_288 = arith.constant 25 : i32
        %dma_start3A_289 = arith.constant 25600 : i32
        %dma_start3A_290 = tpu.memref_slice %arg7[%dma_start3A_289] : memref<32768xf32, #tpu.memory_space<vmem>> -> memref<1024xf32, #tpu.memory_space<vmem>>
        %dma_start3A_291 = tpu.memref_slice %arg2[%select_n3A, %dma_start3A_288, %mul3A_63] : memref<26x32x100001xf32, #tpu.memory_space<hbm>> -> memref<1x1x1024xf32, #tpu.memory_space<hbm>>
        %dma_start3A_292 = tpu.memref_squeeze %dma_start3A_291 : memref<1x1x1024xf32, #tpu.memory_space<hbm>> -> memref<1024xf32, #tpu.memory_space<hbm>>
        %dma_start3A_293 = arith.constant 25600 : i32
        %dma_start3A_294 = tpu.memref_slice %arg7[%dma_start3A_293] : memref<32768xf32, #tpu.memory_space<vmem>> -> memref<1024xf32, #tpu.memory_space<vmem>>
        %dma_start3A_295 = tpu.memref_slice %arg2[%select_n3A, %dma_start3A_288, %mul3A_63] : memref<26x32x100001xf32, #tpu.memory_space<hbm>> -> memref<1x1x1024xf32, #tpu.memory_space<hbm>>
        %dma_start3A_296 = tpu.memref_squeeze %dma_start3A_295 : memref<1x1x1024xf32, #tpu.memory_space<hbm>> -> memref<1024xf32, #tpu.memory_space<hbm>>
        tpu.enqueue_dma source(%dma_start3A_296 : memref<1024xf32, #tpu.memory_space<hbm>>) target(%dma_start3A_294 : memref<1024xf32, #tpu.memory_space<vmem>>) target_semaphore(%arg11 : memref<!tpu.dma_semaphore, #tpu.memory_space<semaphore_mem>>)
        %dma_start3A_297 = arith.constant 26 : i32
        %dma_start3A_298 = arith.constant 26624 : i32
        %dma_start3A_299 = tpu.memref_slice %arg7[%dma_start3A_298] : memref<32768xf32, #tpu.memory_space<vmem>> -> memref<1024xf32, #tpu.memory_space<vmem>>
        %dma_start3A_300 = tpu.memref_slice %arg2[%select_n3A, %dma_start3A_297, %mul3A_63] : memref<26x32x100001xf32, #tpu.memory_space<hbm>> -> memref<1x1x1024xf32, #tpu.memory_space<hbm>>
        %dma_start3A_301 = tpu.memref_squeeze %dma_start3A_300 : memref<1x1x1024xf32, #tpu.memory_space<hbm>> -> memref<1024xf32, #tpu.memory_space<hbm>>
        %dma_start3A_302 = arith.constant 26624 : i32
        %dma_start3A_303 = tpu.memref_slice %arg7[%dma_start3A_302] : memref<32768xf32, #tpu.memory_space<vmem>> -> memref<1024xf32, #tpu.memory_space<vmem>>
        %dma_start3A_304 = tpu.memref_slice %arg2[%select_n3A, %dma_start3A_297, %mul3A_63] : memref<26x32x100001xf32, #tpu.memory_space<hbm>> -> memref<1x1x1024xf32, #tpu.memory_space<hbm>>
        %dma_start3A_305 = tpu.memref_squeeze %dma_start3A_304 : memref<1x1x1024xf32, #tpu.memory_space<hbm>> -> memref<1024xf32, #tpu.memory_space<hbm>>
        tpu.enqueue_dma source(%dma_start3A_305 : memref<1024xf32, #tpu.memory_space<hbm>>) target(%dma_start3A_303 : memref<1024xf32, #tpu.memory_space<vmem>>) target_semaphore(%arg11 : memref<!tpu.dma_semaphore, #tpu.memory_space<semaphore_mem>>)
        %dma_start3A_306 = arith.constant 27 : i32
        %dma_start3A_307 = arith.constant 27648 : i32
        %dma_start3A_308 = tpu.memref_slice %arg7[%dma_start3A_307] : memref<32768xf32, #tpu.memory_space<vmem>> -> memref<1024xf32, #tpu.memory_space<vmem>>
        %dma_start3A_309 = tpu.memref_slice %arg2[%select_n3A, %dma_start3A_306, %mul3A_63] : memref<26x32x100001xf32, #tpu.memory_space<hbm>> -> memref<1x1x1024xf32, #tpu.memory_space<hbm>>
        %dma_start3A_310 = tpu.memref_squeeze %dma_start3A_309 : memref<1x1x1024xf32, #tpu.memory_space<hbm>> -> memref<1024xf32, #tpu.memory_space<hbm>>
        %dma_start3A_311 = arith.constant 27648 : i32
        %dma_start3A_312 = tpu.memref_slice %arg7[%dma_start3A_311] : memref<32768xf32, #tpu.memory_space<vmem>> -> memref<1024xf32, #tpu.memory_space<vmem>>
        %dma_start3A_313 = tpu.memref_slice %arg2[%select_n3A, %dma_start3A_306, %mul3A_63] : memref<26x32x100001xf32, #tpu.memory_space<hbm>> -> memref<1x1x1024xf32, #tpu.memory_space<hbm>>
        %dma_start3A_314 = tpu.memref_squeeze %dma_start3A_313 : memref<1x1x1024xf32, #tpu.memory_space<hbm>> -> memref<1024xf32, #tpu.memory_space<hbm>>
        tpu.enqueue_dma source(%dma_start3A_314 : memref<1024xf32, #tpu.memory_space<hbm>>) target(%dma_start3A_312 : memref<1024xf32, #tpu.memory_space<vmem>>) target_semaphore(%arg11 : memref<!tpu.dma_semaphore, #tpu.memory_space<semaphore_mem>>)
        %dma_start3A_315 = arith.constant 28 : i32
        %dma_start3A_316 = arith.constant 28672 : i32
        %dma_start3A_317 = tpu.memref_slice %arg7[%dma_start3A_316] : memref<32768xf32, #tpu.memory_space<vmem>> -> memref<1024xf32, #tpu.memory_space<vmem>>
        %dma_start3A_318 = tpu.memref_slice %arg2[%select_n3A, %dma_start3A_315, %mul3A_63] : memref<26x32x100001xf32, #tpu.memory_space<hbm>> -> memref<1x1x1024xf32, #tpu.memory_space<hbm>>
        %dma_start3A_319 = tpu.memref_squeeze %dma_start3A_318 : memref<1x1x1024xf32, #tpu.memory_space<hbm>> -> memref<1024xf32, #tpu.memory_space<hbm>>
        %dma_start3A_320 = arith.constant 28672 : i32
        %dma_start3A_321 = tpu.memref_slice %arg7[%dma_start3A_320] : memref<32768xf32, #tpu.memory_space<vmem>> -> memref<1024xf32, #tpu.memory_space<vmem>>
        %dma_start3A_322 = tpu.memref_slice %arg2[%select_n3A, %dma_start3A_315, %mul3A_63] : memref<26x32x100001xf32, #tpu.memory_space<hbm>> -> memref<1x1x1024xf32, #tpu.memory_space<hbm>>
        %dma_start3A_323 = tpu.memref_squeeze %dma_start3A_322 : memref<1x1x1024xf32, #tpu.memory_space<hbm>> -> memref<1024xf32, #tpu.memory_space<hbm>>
        tpu.enqueue_dma source(%dma_start3A_323 : memref<1024xf32, #tpu.memory_space<hbm>>) target(%dma_start3A_321 : memref<1024xf32, #tpu.memory_space<vmem>>) target_semaphore(%arg11 : memref<!tpu.dma_semaphore, #tpu.memory_space<semaphore_mem>>)
        %dma_start3A_324 = arith.constant 29 : i32
        %dma_start3A_325 = arith.constant 29696 : i32
        %dma_start3A_326 = tpu.memref_slice %arg7[%dma_start3A_325] : memref<32768xf32, #tpu.memory_space<vmem>> -> memref<1024xf32, #tpu.memory_space<vmem>>
        %dma_start3A_327 = tpu.memref_slice %arg2[%select_n3A, %dma_start3A_324, %mul3A_63] : memref<26x32x100001xf32, #tpu.memory_space<hbm>> -> memref<1x1x1024xf32, #tpu.memory_space<hbm>>
        %dma_start3A_328 = tpu.memref_squeeze %dma_start3A_327 : memref<1x1x1024xf32, #tpu.memory_space<hbm>> -> memref<1024xf32, #tpu.memory_space<hbm>>
        %dma_start3A_329 = arith.constant 29696 : i32
        %dma_start3A_330 = tpu.memref_slice %arg7[%dma_start3A_329] : memref<32768xf32, #tpu.memory_space<vmem>> -> memref<1024xf32, #tpu.memory_space<vmem>>
        %dma_start3A_331 = tpu.memref_slice %arg2[%select_n3A, %dma_start3A_324, %mul3A_63] : memref<26x32x100001xf32, #tpu.memory_space<hbm>> -> memref<1x1x1024xf32, #tpu.memory_space<hbm>>
        %dma_start3A_332 = tpu.memref_squeeze %dma_start3A_331 : memref<1x1x1024xf32, #tpu.memory_space<hbm>> -> memref<1024xf32, #tpu.memory_space<hbm>>
        tpu.enqueue_dma source(%dma_start3A_332 : memref<1024xf32, #tpu.memory_space<hbm>>) target(%dma_start3A_330 : memref<1024xf32, #tpu.memory_space<vmem>>) target_semaphore(%arg11 : memref<!tpu.dma_semaphore, #tpu.memory_space<semaphore_mem>>)
        %dma_start3A_333 = arith.constant 30 : i32
        %dma_start3A_334 = arith.constant 30720 : i32
        %dma_start3A_335 = tpu.memref_slice %arg7[%dma_start3A_334] : memref<32768xf32, #tpu.memory_space<vmem>> -> memref<1024xf32, #tpu.memory_space<vmem>>
        %dma_start3A_336 = tpu.memref_slice %arg2[%select_n3A, %dma_start3A_333, %mul3A_63] : memref<26x32x100001xf32, #tpu.memory_space<hbm>> -> memref<1x1x1024xf32, #tpu.memory_space<hbm>>
        %dma_start3A_337 = tpu.memref_squeeze %dma_start3A_336 : memref<1x1x1024xf32, #tpu.memory_space<hbm>> -> memref<1024xf32, #tpu.memory_space<hbm>>
        %dma_start3A_338 = arith.constant 30720 : i32
        %dma_start3A_339 = tpu.memref_slice %arg7[%dma_start3A_338] : memref<32768xf32, #tpu.memory_space<vmem>> -> memref<1024xf32, #tpu.memory_space<vmem>>
        %dma_start3A_340 = tpu.memref_slice %arg2[%select_n3A, %dma_start3A_333, %mul3A_63] : memref<26x32x100001xf32, #tpu.memory_space<hbm>> -> memref<1x1x1024xf32, #tpu.memory_space<hbm>>
        %dma_start3A_341 = tpu.memref_squeeze %dma_start3A_340 : memref<1x1x1024xf32, #tpu.memory_space<hbm>> -> memref<1024xf32, #tpu.memory_space<hbm>>
        tpu.enqueue_dma source(%dma_start3A_341 : memref<1024xf32, #tpu.memory_space<hbm>>) target(%dma_start3A_339 : memref<1024xf32, #tpu.memory_space<vmem>>) target_semaphore(%arg11 : memref<!tpu.dma_semaphore, #tpu.memory_space<semaphore_mem>>)
        %dma_start3A_342 = arith.constant 31 : i32
        %dma_start3A_343 = arith.constant 31744 : i32
        %dma_start3A_344 = tpu.memref_slice %arg7[%dma_start3A_343] : memref<32768xf32, #tpu.memory_space<vmem>> -> memref<1024xf32, #tpu.memory_space<vmem>>
        %dma_start3A_345 = tpu.memref_slice %arg2[%select_n3A, %dma_start3A_342, %mul3A_63] : memref<26x32x100001xf32, #tpu.memory_space<hbm>> -> memref<1x1x1024xf32, #tpu.memory_space<hbm>>
        %dma_start3A_346 = tpu.memref_squeeze %dma_start3A_345 : memref<1x1x1024xf32, #tpu.memory_space<hbm>> -> memref<1024xf32, #tpu.memory_space<hbm>>
        %dma_start3A_347 = arith.constant 31744 : i32
        %dma_start3A_348 = tpu.memref_slice %arg7[%dma_start3A_347] : memref<32768xf32, #tpu.memory_space<vmem>> -> memref<1024xf32, #tpu.memory_space<vmem>>
        %dma_start3A_349 = tpu.memref_slice %arg2[%select_n3A, %dma_start3A_342, %mul3A_63] : memref<26x32x100001xf32, #tpu.memory_space<hbm>> -> memref<1x1x1024xf32, #tpu.memory_space<hbm>>
        %dma_start3A_350 = tpu.memref_squeeze %dma_start3A_349 : memref<1x1x1024xf32, #tpu.memory_space<hbm>> -> memref<1024xf32, #tpu.memory_space<hbm>>
        tpu.enqueue_dma source(%dma_start3A_350 : memref<1024xf32, #tpu.memory_space<hbm>>) target(%dma_start3A_348 : memref<1024xf32, #tpu.memory_space<vmem>>) target_semaphore(%arg11 : memref<!tpu.dma_semaphore, #tpu.memory_space<semaphore_mem>>)
        %dma_wait3A = arith.constant 0 : i32
        %dma_wait3A_351 = arith.constant 0 : i32
        %dma_wait3A_352 = tpu.memref_slice %arg7[%dma_wait3A_351] : memref<32768xf32, #tpu.memory_space<vmem>> -> memref<1024xf32, #tpu.memory_space<vmem>>
        %dma_wait3A_353 = tpu.memref_slice %arg2[%select_n3A, %dma_wait3A, %mul3A_63] : memref<26x32x100001xf32, #tpu.memory_space<hbm>> -> memref<1x1x1024xf32, #tpu.memory_space<hbm>>
        %dma_wait3A_354 = tpu.memref_squeeze %dma_wait3A_353 : memref<1x1x1024xf32, #tpu.memory_space<hbm>> -> memref<1024xf32, #tpu.memory_space<hbm>>
        %dma_wait3A_355 = arith.constant 0 : i32
        %dma_wait3A_356 = tpu.memref_slice %arg7[%dma_wait3A_355] : memref<32768xf32, #tpu.memory_space<vmem>> -> memref<1024xf32, #tpu.memory_space<vmem>>
        %dma_wait3A_357 = tpu.memref_slice %arg2[%select_n3A, %dma_wait3A, %mul3A_63] : memref<26x32x100001xf32, #tpu.memory_space<hbm>> -> memref<1x1x1024xf32, #tpu.memory_space<hbm>>
        %dma_wait3A_358 = tpu.memref_squeeze %dma_wait3A_357 : memref<1x1x1024xf32, #tpu.memory_space<hbm>> -> memref<1024xf32, #tpu.memory_space<hbm>>
        tpu.wait_dma2 semaphore(%arg11 : memref<!tpu.dma_semaphore, #tpu.memory_space<semaphore_mem>>) src(%dma_wait3A_358 : memref<1024xf32, #tpu.memory_space<hbm>>) dst(%dma_wait3A_356 : memref<1024xf32, #tpu.memory_space<vmem>>)
        %dma_wait3A_359 = arith.constant 1 : i32
        %dma_wait3A_360 = arith.constant 1024 : i32
        %dma_wait3A_361 = tpu.memref_slice %arg7[%dma_wait3A_360] : memref<32768xf32, #tpu.memory_space<vmem>> -> memref<1024xf32, #tpu.memory_space<vmem>>
        %dma_wait3A_362 = tpu.memref_slice %arg2[%select_n3A, %dma_wait3A_359, %mul3A_63] : memref<26x32x100001xf32, #tpu.memory_space<hbm>> -> memref<1x1x1024xf32, #tpu.memory_space<hbm>>
        %dma_wait3A_363 = tpu.memref_squeeze %dma_wait3A_362 : memref<1x1x1024xf32, #tpu.memory_space<hbm>> -> memref<1024xf32, #tpu.memory_space<hbm>>
        %dma_wait3A_364 = arith.constant 1024 : i32
        %dma_wait3A_365 = tpu.memref_slice %arg7[%dma_wait3A_364] : memref<32768xf32, #tpu.memory_space<vmem>> -> memref<1024xf32, #tpu.memory_space<vmem>>
        %dma_wait3A_366 = tpu.memref_slice %arg2[%select_n3A, %dma_wait3A_359, %mul3A_63] : memref<26x32x100001xf32, #tpu.memory_space<hbm>> -> memref<1x1x1024xf32, #tpu.memory_space<hbm>>
        %dma_wait3A_367 = tpu.memref_squeeze %dma_wait3A_366 : memref<1x1x1024xf32, #tpu.memory_space<hbm>> -> memref<1024xf32, #tpu.memory_space<hbm>>
        tpu.wait_dma2 semaphore(%arg11 : memref<!tpu.dma_semaphore, #tpu.memory_space<semaphore_mem>>) src(%dma_wait3A_367 : memref<1024xf32, #tpu.memory_space<hbm>>) dst(%dma_wait3A_365 : memref<1024xf32, #tpu.memory_space<vmem>>)
        %dma_wait3A_368 = arith.constant 2 : i32
        %dma_wait3A_369 = arith.constant 2048 : i32
        %dma_wait3A_370 = tpu.memref_slice %arg7[%dma_wait3A_369] : memref<32768xf32, #tpu.memory_space<vmem>> -> memref<1024xf32, #tpu.memory_space<vmem>>
        %dma_wait3A_371 = tpu.memref_slice %arg2[%select_n3A, %dma_wait3A_368, %mul3A_63] : memref<26x32x100001xf32, #tpu.memory_space<hbm>> -> memref<1x1x1024xf32, #tpu.memory_space<hbm>>
        %dma_wait3A_372 = tpu.memref_squeeze %dma_wait3A_371 : memref<1x1x1024xf32, #tpu.memory_space<hbm>> -> memref<1024xf32, #tpu.memory_space<hbm>>
        %dma_wait3A_373 = arith.constant 2048 : i32
        %dma_wait3A_374 = tpu.memref_slice %arg7[%dma_wait3A_373] : memref<32768xf32, #tpu.memory_space<vmem>> -> memref<1024xf32, #tpu.memory_space<vmem>>
        %dma_wait3A_375 = tpu.memref_slice %arg2[%select_n3A, %dma_wait3A_368, %mul3A_63] : memref<26x32x100001xf32, #tpu.memory_space<hbm>> -> memref<1x1x1024xf32, #tpu.memory_space<hbm>>
        %dma_wait3A_376 = tpu.memref_squeeze %dma_wait3A_375 : memref<1x1x1024xf32, #tpu.memory_space<hbm>> -> memref<1024xf32, #tpu.memory_space<hbm>>
        tpu.wait_dma2 semaphore(%arg11 : memref<!tpu.dma_semaphore, #tpu.memory_space<semaphore_mem>>) src(%dma_wait3A_376 : memref<1024xf32, #tpu.memory_space<hbm>>) dst(%dma_wait3A_374 : memref<1024xf32, #tpu.memory_space<vmem>>)
        %dma_wait3A_377 = arith.constant 3 : i32
        %dma_wait3A_378 = arith.constant 3072 : i32
        %dma_wait3A_379 = tpu.memref_slice %arg7[%dma_wait3A_378] : memref<32768xf32, #tpu.memory_space<vmem>> -> memref<1024xf32, #tpu.memory_space<vmem>>
        %dma_wait3A_380 = tpu.memref_slice %arg2[%select_n3A, %dma_wait3A_377, %mul3A_63] : memref<26x32x100001xf32, #tpu.memory_space<hbm>> -> memref<1x1x1024xf32, #tpu.memory_space<hbm>>
        %dma_wait3A_381 = tpu.memref_squeeze %dma_wait3A_380 : memref<1x1x1024xf32, #tpu.memory_space<hbm>> -> memref<1024xf32, #tpu.memory_space<hbm>>
        %dma_wait3A_382 = arith.constant 3072 : i32
        %dma_wait3A_383 = tpu.memref_slice %arg7[%dma_wait3A_382] : memref<32768xf32, #tpu.memory_space<vmem>> -> memref<1024xf32, #tpu.memory_space<vmem>>
        %dma_wait3A_384 = tpu.memref_slice %arg2[%select_n3A, %dma_wait3A_377, %mul3A_63] : memref<26x32x100001xf32, #tpu.memory_space<hbm>> -> memref<1x1x1024xf32, #tpu.memory_space<hbm>>
        %dma_wait3A_385 = tpu.memref_squeeze %dma_wait3A_384 : memref<1x1x1024xf32, #tpu.memory_space<hbm>> -> memref<1024xf32, #tpu.memory_space<hbm>>
        tpu.wait_dma2 semaphore(%arg11 : memref<!tpu.dma_semaphore, #tpu.memory_space<semaphore_mem>>) src(%dma_wait3A_385 : memref<1024xf32, #tpu.memory_space<hbm>>) dst(%dma_wait3A_383 : memref<1024xf32, #tpu.memory_space<vmem>>)
        %dma_wait3A_386 = arith.constant 4 : i32
        %dma_wait3A_387 = arith.constant 4096 : i32
        %dma_wait3A_388 = tpu.memref_slice %arg7[%dma_wait3A_387] : memref<32768xf32, #tpu.memory_space<vmem>> -> memref<1024xf32, #tpu.memory_space<vmem>>
        %dma_wait3A_389 = tpu.memref_slice %arg2[%select_n3A, %dma_wait3A_386, %mul3A_63] : memref<26x32x100001xf32, #tpu.memory_space<hbm>> -> memref<1x1x1024xf32, #tpu.memory_space<hbm>>
        %dma_wait3A_390 = tpu.memref_squeeze %dma_wait3A_389 : memref<1x1x1024xf32, #tpu.memory_space<hbm>> -> memref<1024xf32, #tpu.memory_space<hbm>>
        %dma_wait3A_391 = arith.constant 4096 : i32
        %dma_wait3A_392 = tpu.memref_slice %arg7[%dma_wait3A_391] : memref<32768xf32, #tpu.memory_space<vmem>> -> memref<1024xf32, #tpu.memory_space<vmem>>
        %dma_wait3A_393 = tpu.memref_slice %arg2[%select_n3A, %dma_wait3A_386, %mul3A_63] : memref<26x32x100001xf32, #tpu.memory_space<hbm>> -> memref<1x1x1024xf32, #tpu.memory_space<hbm>>
        %dma_wait3A_394 = tpu.memref_squeeze %dma_wait3A_393 : memref<1x1x1024xf32, #tpu.memory_space<hbm>> -> memref<1024xf32, #tpu.memory_space<hbm>>
        tpu.wait_dma2 semaphore(%arg11 : memref<!tpu.dma_semaphore, #tpu.memory_space<semaphore_mem>>) src(%dma_wait3A_394 : memref<1024xf32, #tpu.memory_space<hbm>>) dst(%dma_wait3A_392 : memref<1024xf32, #tpu.memory_space<vmem>>)
        %dma_wait3A_395 = arith.constant 5 : i32
        %dma_wait3A_396 = arith.constant 5120 : i32
        %dma_wait3A_397 = tpu.memref_slice %arg7[%dma_wait3A_396] : memref<32768xf32, #tpu.memory_space<vmem>> -> memref<1024xf32, #tpu.memory_space<vmem>>
        %dma_wait3A_398 = tpu.memref_slice %arg2[%select_n3A, %dma_wait3A_395, %mul3A_63] : memref<26x32x100001xf32, #tpu.memory_space<hbm>> -> memref<1x1x1024xf32, #tpu.memory_space<hbm>>
        %dma_wait3A_399 = tpu.memref_squeeze %dma_wait3A_398 : memref<1x1x1024xf32, #tpu.memory_space<hbm>> -> memref<1024xf32, #tpu.memory_space<hbm>>
        %dma_wait3A_400 = arith.constant 5120 : i32
        %dma_wait3A_401 = tpu.memref_slice %arg7[%dma_wait3A_400] : memref<32768xf32, #tpu.memory_space<vmem>> -> memref<1024xf32, #tpu.memory_space<vmem>>
        %dma_wait3A_402 = tpu.memref_slice %arg2[%select_n3A, %dma_wait3A_395, %mul3A_63] : memref<26x32x100001xf32, #tpu.memory_space<hbm>> -> memref<1x1x1024xf32, #tpu.memory_space<hbm>>
        %dma_wait3A_403 = tpu.memref_squeeze %dma_wait3A_402 : memref<1x1x1024xf32, #tpu.memory_space<hbm>> -> memref<1024xf32, #tpu.memory_space<hbm>>
        tpu.wait_dma2 semaphore(%arg11 : memref<!tpu.dma_semaphore, #tpu.memory_space<semaphore_mem>>) src(%dma_wait3A_403 : memref<1024xf32, #tpu.memory_space<hbm>>) dst(%dma_wait3A_401 : memref<1024xf32, #tpu.memory_space<vmem>>)
        %dma_wait3A_404 = arith.constant 6 : i32
        %dma_wait3A_405 = arith.constant 6144 : i32
        %dma_wait3A_406 = tpu.memref_slice %arg7[%dma_wait3A_405] : memref<32768xf32, #tpu.memory_space<vmem>> -> memref<1024xf32, #tpu.memory_space<vmem>>
        %dma_wait3A_407 = tpu.memref_slice %arg2[%select_n3A, %dma_wait3A_404, %mul3A_63] : memref<26x32x100001xf32, #tpu.memory_space<hbm>> -> memref<1x1x1024xf32, #tpu.memory_space<hbm>>
        %dma_wait3A_408 = tpu.memref_squeeze %dma_wait3A_407 : memref<1x1x1024xf32, #tpu.memory_space<hbm>> -> memref<1024xf32, #tpu.memory_space<hbm>>
        %dma_wait3A_409 = arith.constant 6144 : i32
        %dma_wait3A_410 = tpu.memref_slice %arg7[%dma_wait3A_409] : memref<32768xf32, #tpu.memory_space<vmem>> -> memref<1024xf32, #tpu.memory_space<vmem>>
        %dma_wait3A_411 = tpu.memref_slice %arg2[%select_n3A, %dma_wait3A_404, %mul3A_63] : memref<26x32x100001xf32, #tpu.memory_space<hbm>> -> memref<1x1x1024xf32, #tpu.memory_space<hbm>>
        %dma_wait3A_412 = tpu.memref_squeeze %dma_wait3A_411 : memref<1x1x1024xf32, #tpu.memory_space<hbm>> -> memref<1024xf32, #tpu.memory_space<hbm>>
        tpu.wait_dma2 semaphore(%arg11 : memref<!tpu.dma_semaphore, #tpu.memory_space<semaphore_mem>>) src(%dma_wait3A_412 : memref<1024xf32, #tpu.memory_space<hbm>>) dst(%dma_wait3A_410 : memref<1024xf32, #tpu.memory_space<vmem>>)
        %dma_wait3A_413 = arith.constant 7 : i32
        %dma_wait3A_414 = arith.constant 7168 : i32
        %dma_wait3A_415 = tpu.memref_slice %arg7[%dma_wait3A_414] : memref<32768xf32, #tpu.memory_space<vmem>> -> memref<1024xf32, #tpu.memory_space<vmem>>
        %dma_wait3A_416 = tpu.memref_slice %arg2[%select_n3A, %dma_wait3A_413, %mul3A_63] : memref<26x32x100001xf32, #tpu.memory_space<hbm>> -> memref<1x1x1024xf32, #tpu.memory_space<hbm>>
        %dma_wait3A_417 = tpu.memref_squeeze %dma_wait3A_416 : memref<1x1x1024xf32, #tpu.memory_space<hbm>> -> memref<1024xf32, #tpu.memory_space<hbm>>
        %dma_wait3A_418 = arith.constant 7168 : i32
        %dma_wait3A_419 = tpu.memref_slice %arg7[%dma_wait3A_418] : memref<32768xf32, #tpu.memory_space<vmem>> -> memref<1024xf32, #tpu.memory_space<vmem>>
        %dma_wait3A_420 = tpu.memref_slice %arg2[%select_n3A, %dma_wait3A_413, %mul3A_63] : memref<26x32x100001xf32, #tpu.memory_space<hbm>> -> memref<1x1x1024xf32, #tpu.memory_space<hbm>>
        %dma_wait3A_421 = tpu.memref_squeeze %dma_wait3A_420 : memref<1x1x1024xf32, #tpu.memory_space<hbm>> -> memref<1024xf32, #tpu.memory_space<hbm>>
        tpu.wait_dma2 semaphore(%arg11 : memref<!tpu.dma_semaphore, #tpu.memory_space<semaphore_mem>>) src(%dma_wait3A_421 : memref<1024xf32, #tpu.memory_space<hbm>>) dst(%dma_wait3A_419 : memref<1024xf32, #tpu.memory_space<vmem>>)
        %dma_wait3A_422 = arith.constant 8 : i32
        %dma_wait3A_423 = arith.constant 8192 : i32
        %dma_wait3A_424 = tpu.memref_slice %arg7[%dma_wait3A_423] : memref<32768xf32, #tpu.memory_space<vmem>> -> memref<1024xf32, #tpu.memory_space<vmem>>
        %dma_wait3A_425 = tpu.memref_slice %arg2[%select_n3A, %dma_wait3A_422, %mul3A_63] : memref<26x32x100001xf32, #tpu.memory_space<hbm>> -> memref<1x1x1024xf32, #tpu.memory_space<hbm>>
        %dma_wait3A_426 = tpu.memref_squeeze %dma_wait3A_425 : memref<1x1x1024xf32, #tpu.memory_space<hbm>> -> memref<1024xf32, #tpu.memory_space<hbm>>
        %dma_wait3A_427 = arith.constant 8192 : i32
        %dma_wait3A_428 = tpu.memref_slice %arg7[%dma_wait3A_427] : memref<32768xf32, #tpu.memory_space<vmem>> -> memref<1024xf32, #tpu.memory_space<vmem>>
        %dma_wait3A_429 = tpu.memref_slice %arg2[%select_n3A, %dma_wait3A_422, %mul3A_63] : memref<26x32x100001xf32, #tpu.memory_space<hbm>> -> memref<1x1x1024xf32, #tpu.memory_space<hbm>>
        %dma_wait3A_430 = tpu.memref_squeeze %dma_wait3A_429 : memref<1x1x1024xf32, #tpu.memory_space<hbm>> -> memref<1024xf32, #tpu.memory_space<hbm>>
        tpu.wait_dma2 semaphore(%arg11 : memref<!tpu.dma_semaphore, #tpu.memory_space<semaphore_mem>>) src(%dma_wait3A_430 : memref<1024xf32, #tpu.memory_space<hbm>>) dst(%dma_wait3A_428 : memref<1024xf32, #tpu.memory_space<vmem>>)
        %dma_wait3A_431 = arith.constant 9 : i32
        %dma_wait3A_432 = arith.constant 9216 : i32
        %dma_wait3A_433 = tpu.memref_slice %arg7[%dma_wait3A_432] : memref<32768xf32, #tpu.memory_space<vmem>> -> memref<1024xf32, #tpu.memory_space<vmem>>
        %dma_wait3A_434 = tpu.memref_slice %arg2[%select_n3A, %dma_wait3A_431, %mul3A_63] : memref<26x32x100001xf32, #tpu.memory_space<hbm>> -> memref<1x1x1024xf32, #tpu.memory_space<hbm>>
        %dma_wait3A_435 = tpu.memref_squeeze %dma_wait3A_434 : memref<1x1x1024xf32, #tpu.memory_space<hbm>> -> memref<1024xf32, #tpu.memory_space<hbm>>
        %dma_wait3A_436 = arith.constant 9216 : i32
        %dma_wait3A_437 = tpu.memref_slice %arg7[%dma_wait3A_436] : memref<32768xf32, #tpu.memory_space<vmem>> -> memref<1024xf32, #tpu.memory_space<vmem>>
        %dma_wait3A_438 = tpu.memref_slice %arg2[%select_n3A, %dma_wait3A_431, %mul3A_63] : memref<26x32x100001xf32, #tpu.memory_space<hbm>> -> memref<1x1x1024xf32, #tpu.memory_space<hbm>>
        %dma_wait3A_439 = tpu.memref_squeeze %dma_wait3A_438 : memref<1x1x1024xf32, #tpu.memory_space<hbm>> -> memref<1024xf32, #tpu.memory_space<hbm>>
        tpu.wait_dma2 semaphore(%arg11 : memref<!tpu.dma_semaphore, #tpu.memory_space<semaphore_mem>>) src(%dma_wait3A_439 : memref<1024xf32, #tpu.memory_space<hbm>>) dst(%dma_wait3A_437 : memref<1024xf32, #tpu.memory_space<vmem>>)
        %dma_wait3A_440 = arith.constant 10 : i32
        %dma_wait3A_441 = arith.constant 10240 : i32
        %dma_wait3A_442 = tpu.memref_slice %arg7[%dma_wait3A_441] : memref<32768xf32, #tpu.memory_space<vmem>> -> memref<1024xf32, #tpu.memory_space<vmem>>
        %dma_wait3A_443 = tpu.memref_slice %arg2[%select_n3A, %dma_wait3A_440, %mul3A_63] : memref<26x32x100001xf32, #tpu.memory_space<hbm>> -> memref<1x1x1024xf32, #tpu.memory_space<hbm>>
        %dma_wait3A_444 = tpu.memref_squeeze %dma_wait3A_443 : memref<1x1x1024xf32, #tpu.memory_space<hbm>> -> memref<1024xf32, #tpu.memory_space<hbm>>
        %dma_wait3A_445 = arith.constant 10240 : i32
        %dma_wait3A_446 = tpu.memref_slice %arg7[%dma_wait3A_445] : memref<32768xf32, #tpu.memory_space<vmem>> -> memref<1024xf32, #tpu.memory_space<vmem>>
        %dma_wait3A_447 = tpu.memref_slice %arg2[%select_n3A, %dma_wait3A_440, %mul3A_63] : memref<26x32x100001xf32, #tpu.memory_space<hbm>> -> memref<1x1x1024xf32, #tpu.memory_space<hbm>>
        %dma_wait3A_448 = tpu.memref_squeeze %dma_wait3A_447 : memref<1x1x1024xf32, #tpu.memory_space<hbm>> -> memref<1024xf32, #tpu.memory_space<hbm>>
        tpu.wait_dma2 semaphore(%arg11 : memref<!tpu.dma_semaphore, #tpu.memory_space<semaphore_mem>>) src(%dma_wait3A_448 : memref<1024xf32, #tpu.memory_space<hbm>>) dst(%dma_wait3A_446 : memref<1024xf32, #tpu.memory_space<vmem>>)
        %dma_wait3A_449 = arith.constant 11 : i32
        %dma_wait3A_450 = arith.constant 11264 : i32
        %dma_wait3A_451 = tpu.memref_slice %arg7[%dma_wait3A_450] : memref<32768xf32, #tpu.memory_space<vmem>> -> memref<1024xf32, #tpu.memory_space<vmem>>
        %dma_wait3A_452 = tpu.memref_slice %arg2[%select_n3A, %dma_wait3A_449, %mul3A_63] : memref<26x32x100001xf32, #tpu.memory_space<hbm>> -> memref<1x1x1024xf32, #tpu.memory_space<hbm>>
        %dma_wait3A_453 = tpu.memref_squeeze %dma_wait3A_452 : memref<1x1x1024xf32, #tpu.memory_space<hbm>> -> memref<1024xf32, #tpu.memory_space<hbm>>
        %dma_wait3A_454 = arith.constant 11264 : i32
        %dma_wait3A_455 = tpu.memref_slice %arg7[%dma_wait3A_454] : memref<32768xf32, #tpu.memory_space<vmem>> -> memref<1024xf32, #tpu.memory_space<vmem>>
        %dma_wait3A_456 = tpu.memref_slice %arg2[%select_n3A, %dma_wait3A_449, %mul3A_63] : memref<26x32x100001xf32, #tpu.memory_space<hbm>> -> memref<1x1x1024xf32, #tpu.memory_space<hbm>>
        %dma_wait3A_457 = tpu.memref_squeeze %dma_wait3A_456 : memref<1x1x1024xf32, #tpu.memory_space<hbm>> -> memref<1024xf32, #tpu.memory_space<hbm>>
        tpu.wait_dma2 semaphore(%arg11 : memref<!tpu.dma_semaphore, #tpu.memory_space<semaphore_mem>>) src(%dma_wait3A_457 : memref<1024xf32, #tpu.memory_space<hbm>>) dst(%dma_wait3A_455 : memref<1024xf32, #tpu.memory_space<vmem>>)
        %dma_wait3A_458 = arith.constant 12 : i32
        %dma_wait3A_459 = arith.constant 12288 : i32
        %dma_wait3A_460 = tpu.memref_slice %arg7[%dma_wait3A_459] : memref<32768xf32, #tpu.memory_space<vmem>> -> memref<1024xf32, #tpu.memory_space<vmem>>
        %dma_wait3A_461 = tpu.memref_slice %arg2[%select_n3A, %dma_wait3A_458, %mul3A_63] : memref<26x32x100001xf32, #tpu.memory_space<hbm>> -> memref<1x1x1024xf32, #tpu.memory_space<hbm>>
        %dma_wait3A_462 = tpu.memref_squeeze %dma_wait3A_461 : memref<1x1x1024xf32, #tpu.memory_space<hbm>> -> memref<1024xf32, #tpu.memory_space<hbm>>
        %dma_wait3A_463 = arith.constant 12288 : i32
        %dma_wait3A_464 = tpu.memref_slice %arg7[%dma_wait3A_463] : memref<32768xf32, #tpu.memory_space<vmem>> -> memref<1024xf32, #tpu.memory_space<vmem>>
        %dma_wait3A_465 = tpu.memref_slice %arg2[%select_n3A, %dma_wait3A_458, %mul3A_63] : memref<26x32x100001xf32, #tpu.memory_space<hbm>> -> memref<1x1x1024xf32, #tpu.memory_space<hbm>>
        %dma_wait3A_466 = tpu.memref_squeeze %dma_wait3A_465 : memref<1x1x1024xf32, #tpu.memory_space<hbm>> -> memref<1024xf32, #tpu.memory_space<hbm>>
        tpu.wait_dma2 semaphore(%arg11 : memref<!tpu.dma_semaphore, #tpu.memory_space<semaphore_mem>>) src(%dma_wait3A_466 : memref<1024xf32, #tpu.memory_space<hbm>>) dst(%dma_wait3A_464 : memref<1024xf32, #tpu.memory_space<vmem>>)
        %dma_wait3A_467 = arith.constant 13 : i32
        %dma_wait3A_468 = arith.constant 13312 : i32
        %dma_wait3A_469 = tpu.memref_slice %arg7[%dma_wait3A_468] : memref<32768xf32, #tpu.memory_space<vmem>> -> memref<1024xf32, #tpu.memory_space<vmem>>
        %dma_wait3A_470 = tpu.memref_slice %arg2[%select_n3A, %dma_wait3A_467, %mul3A_63] : memref<26x32x100001xf32, #tpu.memory_space<hbm>> -> memref<1x1x1024xf32, #tpu.memory_space<hbm>>
        %dma_wait3A_471 = tpu.memref_squeeze %dma_wait3A_470 : memref<1x1x1024xf32, #tpu.memory_space<hbm>> -> memref<1024xf32, #tpu.memory_space<hbm>>
        %dma_wait3A_472 = arith.constant 13312 : i32
        %dma_wait3A_473 = tpu.memref_slice %arg7[%dma_wait3A_472] : memref<32768xf32, #tpu.memory_space<vmem>> -> memref<1024xf32, #tpu.memory_space<vmem>>
        %dma_wait3A_474 = tpu.memref_slice %arg2[%select_n3A, %dma_wait3A_467, %mul3A_63] : memref<26x32x100001xf32, #tpu.memory_space<hbm>> -> memref<1x1x1024xf32, #tpu.memory_space<hbm>>
        %dma_wait3A_475 = tpu.memref_squeeze %dma_wait3A_474 : memref<1x1x1024xf32, #tpu.memory_space<hbm>> -> memref<1024xf32, #tpu.memory_space<hbm>>
        tpu.wait_dma2 semaphore(%arg11 : memref<!tpu.dma_semaphore, #tpu.memory_space<semaphore_mem>>) src(%dma_wait3A_475 : memref<1024xf32, #tpu.memory_space<hbm>>) dst(%dma_wait3A_473 : memref<1024xf32, #tpu.memory_space<vmem>>)
        %dma_wait3A_476 = arith.constant 14 : i32
        %dma_wait3A_477 = arith.constant 14336 : i32
        %dma_wait3A_478 = tpu.memref_slice %arg7[%dma_wait3A_477] : memref<32768xf32, #tpu.memory_space<vmem>> -> memref<1024xf32, #tpu.memory_space<vmem>>
        %dma_wait3A_479 = tpu.memref_slice %arg2[%select_n3A, %dma_wait3A_476, %mul3A_63] : memref<26x32x100001xf32, #tpu.memory_space<hbm>> -> memref<1x1x1024xf32, #tpu.memory_space<hbm>>
        %dma_wait3A_480 = tpu.memref_squeeze %dma_wait3A_479 : memref<1x1x1024xf32, #tpu.memory_space<hbm>> -> memref<1024xf32, #tpu.memory_space<hbm>>
        %dma_wait3A_481 = arith.constant 14336 : i32
        %dma_wait3A_482 = tpu.memref_slice %arg7[%dma_wait3A_481] : memref<32768xf32, #tpu.memory_space<vmem>> -> memref<1024xf32, #tpu.memory_space<vmem>>
        %dma_wait3A_483 = tpu.memref_slice %arg2[%select_n3A, %dma_wait3A_476, %mul3A_63] : memref<26x32x100001xf32, #tpu.memory_space<hbm>> -> memref<1x1x1024xf32, #tpu.memory_space<hbm>>
        %dma_wait3A_484 = tpu.memref_squeeze %dma_wait3A_483 : memref<1x1x1024xf32, #tpu.memory_space<hbm>> -> memref<1024xf32, #tpu.memory_space<hbm>>
        tpu.wait_dma2 semaphore(%arg11 : memref<!tpu.dma_semaphore, #tpu.memory_space<semaphore_mem>>) src(%dma_wait3A_484 : memref<1024xf32, #tpu.memory_space<hbm>>) dst(%dma_wait3A_482 : memref<1024xf32, #tpu.memory_space<vmem>>)
        %dma_wait3A_485 = arith.constant 15 : i32
        %dma_wait3A_486 = arith.constant 15360 : i32
        %dma_wait3A_487 = tpu.memref_slice %arg7[%dma_wait3A_486] : memref<32768xf32, #tpu.memory_space<vmem>> -> memref<1024xf32, #tpu.memory_space<vmem>>
        %dma_wait3A_488 = tpu.memref_slice %arg2[%select_n3A, %dma_wait3A_485, %mul3A_63] : memref<26x32x100001xf32, #tpu.memory_space<hbm>> -> memref<1x1x1024xf32, #tpu.memory_space<hbm>>
        %dma_wait3A_489 = tpu.memref_squeeze %dma_wait3A_488 : memref<1x1x1024xf32, #tpu.memory_space<hbm>> -> memref<1024xf32, #tpu.memory_space<hbm>>
        %dma_wait3A_490 = arith.constant 15360 : i32
        %dma_wait3A_491 = tpu.memref_slice %arg7[%dma_wait3A_490] : memref<32768xf32, #tpu.memory_space<vmem>> -> memref<1024xf32, #tpu.memory_space<vmem>>
        %dma_wait3A_492 = tpu.memref_slice %arg2[%select_n3A, %dma_wait3A_485, %mul3A_63] : memref<26x32x100001xf32, #tpu.memory_space<hbm>> -> memref<1x1x1024xf32, #tpu.memory_space<hbm>>
        %dma_wait3A_493 = tpu.memref_squeeze %dma_wait3A_492 : memref<1x1x1024xf32, #tpu.memory_space<hbm>> -> memref<1024xf32, #tpu.memory_space<hbm>>
        tpu.wait_dma2 semaphore(%arg11 : memref<!tpu.dma_semaphore, #tpu.memory_space<semaphore_mem>>) src(%dma_wait3A_493 : memref<1024xf32, #tpu.memory_space<hbm>>) dst(%dma_wait3A_491 : memref<1024xf32, #tpu.memory_space<vmem>>)
        %dma_wait3A_494 = arith.constant 16 : i32
        %dma_wait3A_495 = arith.constant 16384 : i32
        %dma_wait3A_496 = tpu.memref_slice %arg7[%dma_wait3A_495] : memref<32768xf32, #tpu.memory_space<vmem>> -> memref<1024xf32, #tpu.memory_space<vmem>>
        %dma_wait3A_497 = tpu.memref_slice %arg2[%select_n3A, %dma_wait3A_494, %mul3A_63] : memref<26x32x100001xf32, #tpu.memory_space<hbm>> -> memref<1x1x1024xf32, #tpu.memory_space<hbm>>
        %dma_wait3A_498 = tpu.memref_squeeze %dma_wait3A_497 : memref<1x1x1024xf32, #tpu.memory_space<hbm>> -> memref<1024xf32, #tpu.memory_space<hbm>>
        %dma_wait3A_499 = arith.constant 16384 : i32
        %dma_wait3A_500 = tpu.memref_slice %arg7[%dma_wait3A_499] : memref<32768xf32, #tpu.memory_space<vmem>> -> memref<1024xf32, #tpu.memory_space<vmem>>
        %dma_wait3A_501 = tpu.memref_slice %arg2[%select_n3A, %dma_wait3A_494, %mul3A_63] : memref<26x32x100001xf32, #tpu.memory_space<hbm>> -> memref<1x1x1024xf32, #tpu.memory_space<hbm>>
        %dma_wait3A_502 = tpu.memref_squeeze %dma_wait3A_501 : memref<1x1x1024xf32, #tpu.memory_space<hbm>> -> memref<1024xf32, #tpu.memory_space<hbm>>
        tpu.wait_dma2 semaphore(%arg11 : memref<!tpu.dma_semaphore, #tpu.memory_space<semaphore_mem>>) src(%dma_wait3A_502 : memref<1024xf32, #tpu.memory_space<hbm>>) dst(%dma_wait3A_500 : memref<1024xf32, #tpu.memory_space<vmem>>)
        %dma_wait3A_503 = arith.constant 17 : i32
        %dma_wait3A_504 = arith.constant 17408 : i32
        %dma_wait3A_505 = tpu.memref_slice %arg7[%dma_wait3A_504] : memref<32768xf32, #tpu.memory_space<vmem>> -> memref<1024xf32, #tpu.memory_space<vmem>>
        %dma_wait3A_506 = tpu.memref_slice %arg2[%select_n3A, %dma_wait3A_503, %mul3A_63] : memref<26x32x100001xf32, #tpu.memory_space<hbm>> -> memref<1x1x1024xf32, #tpu.memory_space<hbm>>
        %dma_wait3A_507 = tpu.memref_squeeze %dma_wait3A_506 : memref<1x1x1024xf32, #tpu.memory_space<hbm>> -> memref<1024xf32, #tpu.memory_space<hbm>>
        %dma_wait3A_508 = arith.constant 17408 : i32
        %dma_wait3A_509 = tpu.memref_slice %arg7[%dma_wait3A_508] : memref<32768xf32, #tpu.memory_space<vmem>> -> memref<1024xf32, #tpu.memory_space<vmem>>
        %dma_wait3A_510 = tpu.memref_slice %arg2[%select_n3A, %dma_wait3A_503, %mul3A_63] : memref<26x32x100001xf32, #tpu.memory_space<hbm>> -> memref<1x1x1024xf32, #tpu.memory_space<hbm>>
        %dma_wait3A_511 = tpu.memref_squeeze %dma_wait3A_510 : memref<1x1x1024xf32, #tpu.memory_space<hbm>> -> memref<1024xf32, #tpu.memory_space<hbm>>
        tpu.wait_dma2 semaphore(%arg11 : memref<!tpu.dma_semaphore, #tpu.memory_space<semaphore_mem>>) src(%dma_wait3A_511 : memref<1024xf32, #tpu.memory_space<hbm>>) dst(%dma_wait3A_509 : memref<1024xf32, #tpu.memory_space<vmem>>)
        %dma_wait3A_512 = arith.constant 18 : i32
        %dma_wait3A_513 = arith.constant 18432 : i32
        %dma_wait3A_514 = tpu.memref_slice %arg7[%dma_wait3A_513] : memref<32768xf32, #tpu.memory_space<vmem>> -> memref<1024xf32, #tpu.memory_space<vmem>>
        %dma_wait3A_515 = tpu.memref_slice %arg2[%select_n3A, %dma_wait3A_512, %mul3A_63] : memref<26x32x100001xf32, #tpu.memory_space<hbm>> -> memref<1x1x1024xf32, #tpu.memory_space<hbm>>
        %dma_wait3A_516 = tpu.memref_squeeze %dma_wait3A_515 : memref<1x1x1024xf32, #tpu.memory_space<hbm>> -> memref<1024xf32, #tpu.memory_space<hbm>>
        %dma_wait3A_517 = arith.constant 18432 : i32
        %dma_wait3A_518 = tpu.memref_slice %arg7[%dma_wait3A_517] : memref<32768xf32, #tpu.memory_space<vmem>> -> memref<1024xf32, #tpu.memory_space<vmem>>
        %dma_wait3A_519 = tpu.memref_slice %arg2[%select_n3A, %dma_wait3A_512, %mul3A_63] : memref<26x32x100001xf32, #tpu.memory_space<hbm>> -> memref<1x1x1024xf32, #tpu.memory_space<hbm>>
        %dma_wait3A_520 = tpu.memref_squeeze %dma_wait3A_519 : memref<1x1x1024xf32, #tpu.memory_space<hbm>> -> memref<1024xf32, #tpu.memory_space<hbm>>
        tpu.wait_dma2 semaphore(%arg11 : memref<!tpu.dma_semaphore, #tpu.memory_space<semaphore_mem>>) src(%dma_wait3A_520 : memref<1024xf32, #tpu.memory_space<hbm>>) dst(%dma_wait3A_518 : memref<1024xf32, #tpu.memory_space<vmem>>)
        %dma_wait3A_521 = arith.constant 19 : i32
        %dma_wait3A_522 = arith.constant 19456 : i32
        %dma_wait3A_523 = tpu.memref_slice %arg7[%dma_wait3A_522] : memref<32768xf32, #tpu.memory_space<vmem>> -> memref<1024xf32, #tpu.memory_space<vmem>>
        %dma_wait3A_524 = tpu.memref_slice %arg2[%select_n3A, %dma_wait3A_521, %mul3A_63] : memref<26x32x100001xf32, #tpu.memory_space<hbm>> -> memref<1x1x1024xf32, #tpu.memory_space<hbm>>
        %dma_wait3A_525 = tpu.memref_squeeze %dma_wait3A_524 : memref<1x1x1024xf32, #tpu.memory_space<hbm>> -> memref<1024xf32, #tpu.memory_space<hbm>>
        %dma_wait3A_526 = arith.constant 19456 : i32
        %dma_wait3A_527 = tpu.memref_slice %arg7[%dma_wait3A_526] : memref<32768xf32, #tpu.memory_space<vmem>> -> memref<1024xf32, #tpu.memory_space<vmem>>
        %dma_wait3A_528 = tpu.memref_slice %arg2[%select_n3A, %dma_wait3A_521, %mul3A_63] : memref<26x32x100001xf32, #tpu.memory_space<hbm>> -> memref<1x1x1024xf32, #tpu.memory_space<hbm>>
        %dma_wait3A_529 = tpu.memref_squeeze %dma_wait3A_528 : memref<1x1x1024xf32, #tpu.memory_space<hbm>> -> memref<1024xf32, #tpu.memory_space<hbm>>
        tpu.wait_dma2 semaphore(%arg11 : memref<!tpu.dma_semaphore, #tpu.memory_space<semaphore_mem>>) src(%dma_wait3A_529 : memref<1024xf32, #tpu.memory_space<hbm>>) dst(%dma_wait3A_527 : memref<1024xf32, #tpu.memory_space<vmem>>)
        %dma_wait3A_530 = arith.constant 20 : i32
        %dma_wait3A_531 = arith.constant 20480 : i32
        %dma_wait3A_532 = tpu.memref_slice %arg7[%dma_wait3A_531] : memref<32768xf32, #tpu.memory_space<vmem>> -> memref<1024xf32, #tpu.memory_space<vmem>>
        %dma_wait3A_533 = tpu.memref_slice %arg2[%select_n3A, %dma_wait3A_530, %mul3A_63] : memref<26x32x100001xf32, #tpu.memory_space<hbm>> -> memref<1x1x1024xf32, #tpu.memory_space<hbm>>
        %dma_wait3A_534 = tpu.memref_squeeze %dma_wait3A_533 : memref<1x1x1024xf32, #tpu.memory_space<hbm>> -> memref<1024xf32, #tpu.memory_space<hbm>>
        %dma_wait3A_535 = arith.constant 20480 : i32
        %dma_wait3A_536 = tpu.memref_slice %arg7[%dma_wait3A_535] : memref<32768xf32, #tpu.memory_space<vmem>> -> memref<1024xf32, #tpu.memory_space<vmem>>
        %dma_wait3A_537 = tpu.memref_slice %arg2[%select_n3A, %dma_wait3A_530, %mul3A_63] : memref<26x32x100001xf32, #tpu.memory_space<hbm>> -> memref<1x1x1024xf32, #tpu.memory_space<hbm>>
        %dma_wait3A_538 = tpu.memref_squeeze %dma_wait3A_537 : memref<1x1x1024xf32, #tpu.memory_space<hbm>> -> memref<1024xf32, #tpu.memory_space<hbm>>
        tpu.wait_dma2 semaphore(%arg11 : memref<!tpu.dma_semaphore, #tpu.memory_space<semaphore_mem>>) src(%dma_wait3A_538 : memref<1024xf32, #tpu.memory_space<hbm>>) dst(%dma_wait3A_536 : memref<1024xf32, #tpu.memory_space<vmem>>)
        %dma_wait3A_539 = arith.constant 21 : i32
        %dma_wait3A_540 = arith.constant 21504 : i32
        %dma_wait3A_541 = tpu.memref_slice %arg7[%dma_wait3A_540] : memref<32768xf32, #tpu.memory_space<vmem>> -> memref<1024xf32, #tpu.memory_space<vmem>>
        %dma_wait3A_542 = tpu.memref_slice %arg2[%select_n3A, %dma_wait3A_539, %mul3A_63] : memref<26x32x100001xf32, #tpu.memory_space<hbm>> -> memref<1x1x1024xf32, #tpu.memory_space<hbm>>
        %dma_wait3A_543 = tpu.memref_squeeze %dma_wait3A_542 : memref<1x1x1024xf32, #tpu.memory_space<hbm>> -> memref<1024xf32, #tpu.memory_space<hbm>>
        %dma_wait3A_544 = arith.constant 21504 : i32
        %dma_wait3A_545 = tpu.memref_slice %arg7[%dma_wait3A_544] : memref<32768xf32, #tpu.memory_space<vmem>> -> memref<1024xf32, #tpu.memory_space<vmem>>
        %dma_wait3A_546 = tpu.memref_slice %arg2[%select_n3A, %dma_wait3A_539, %mul3A_63] : memref<26x32x100001xf32, #tpu.memory_space<hbm>> -> memref<1x1x1024xf32, #tpu.memory_space<hbm>>
        %dma_wait3A_547 = tpu.memref_squeeze %dma_wait3A_546 : memref<1x1x1024xf32, #tpu.memory_space<hbm>> -> memref<1024xf32, #tpu.memory_space<hbm>>
        tpu.wait_dma2 semaphore(%arg11 : memref<!tpu.dma_semaphore, #tpu.memory_space<semaphore_mem>>) src(%dma_wait3A_547 : memref<1024xf32, #tpu.memory_space<hbm>>) dst(%dma_wait3A_545 : memref<1024xf32, #tpu.memory_space<vmem>>)
        %dma_wait3A_548 = arith.constant 22 : i32
        %dma_wait3A_549 = arith.constant 22528 : i32
        %dma_wait3A_550 = tpu.memref_slice %arg7[%dma_wait3A_549] : memref<32768xf32, #tpu.memory_space<vmem>> -> memref<1024xf32, #tpu.memory_space<vmem>>
        %dma_wait3A_551 = tpu.memref_slice %arg2[%select_n3A, %dma_wait3A_548, %mul3A_63] : memref<26x32x100001xf32, #tpu.memory_space<hbm>> -> memref<1x1x1024xf32, #tpu.memory_space<hbm>>
        %dma_wait3A_552 = tpu.memref_squeeze %dma_wait3A_551 : memref<1x1x1024xf32, #tpu.memory_space<hbm>> -> memref<1024xf32, #tpu.memory_space<hbm>>
        %dma_wait3A_553 = arith.constant 22528 : i32
        %dma_wait3A_554 = tpu.memref_slice %arg7[%dma_wait3A_553] : memref<32768xf32, #tpu.memory_space<vmem>> -> memref<1024xf32, #tpu.memory_space<vmem>>
        %dma_wait3A_555 = tpu.memref_slice %arg2[%select_n3A, %dma_wait3A_548, %mul3A_63] : memref<26x32x100001xf32, #tpu.memory_space<hbm>> -> memref<1x1x1024xf32, #tpu.memory_space<hbm>>
        %dma_wait3A_556 = tpu.memref_squeeze %dma_wait3A_555 : memref<1x1x1024xf32, #tpu.memory_space<hbm>> -> memref<1024xf32, #tpu.memory_space<hbm>>
        tpu.wait_dma2 semaphore(%arg11 : memref<!tpu.dma_semaphore, #tpu.memory_space<semaphore_mem>>) src(%dma_wait3A_556 : memref<1024xf32, #tpu.memory_space<hbm>>) dst(%dma_wait3A_554 : memref<1024xf32, #tpu.memory_space<vmem>>)
        %dma_wait3A_557 = arith.constant 23 : i32
        %dma_wait3A_558 = arith.constant 23552 : i32
        %dma_wait3A_559 = tpu.memref_slice %arg7[%dma_wait3A_558] : memref<32768xf32, #tpu.memory_space<vmem>> -> memref<1024xf32, #tpu.memory_space<vmem>>
        %dma_wait3A_560 = tpu.memref_slice %arg2[%select_n3A, %dma_wait3A_557, %mul3A_63] : memref<26x32x100001xf32, #tpu.memory_space<hbm>> -> memref<1x1x1024xf32, #tpu.memory_space<hbm>>
        %dma_wait3A_561 = tpu.memref_squeeze %dma_wait3A_560 : memref<1x1x1024xf32, #tpu.memory_space<hbm>> -> memref<1024xf32, #tpu.memory_space<hbm>>
        %dma_wait3A_562 = arith.constant 23552 : i32
        %dma_wait3A_563 = tpu.memref_slice %arg7[%dma_wait3A_562] : memref<32768xf32, #tpu.memory_space<vmem>> -> memref<1024xf32, #tpu.memory_space<vmem>>
        %dma_wait3A_564 = tpu.memref_slice %arg2[%select_n3A, %dma_wait3A_557, %mul3A_63] : memref<26x32x100001xf32, #tpu.memory_space<hbm>> -> memref<1x1x1024xf32, #tpu.memory_space<hbm>>
        %dma_wait3A_565 = tpu.memref_squeeze %dma_wait3A_564 : memref<1x1x1024xf32, #tpu.memory_space<hbm>> -> memref<1024xf32, #tpu.memory_space<hbm>>
        tpu.wait_dma2 semaphore(%arg11 : memref<!tpu.dma_semaphore, #tpu.memory_space<semaphore_mem>>) src(%dma_wait3A_565 : memref<1024xf32, #tpu.memory_space<hbm>>) dst(%dma_wait3A_563 : memref<1024xf32, #tpu.memory_space<vmem>>)
        %dma_wait3A_566 = arith.constant 24 : i32
        %dma_wait3A_567 = arith.constant 24576 : i32
        %dma_wait3A_568 = tpu.memref_slice %arg7[%dma_wait3A_567] : memref<32768xf32, #tpu.memory_space<vmem>> -> memref<1024xf32, #tpu.memory_space<vmem>>
        %dma_wait3A_569 = tpu.memref_slice %arg2[%select_n3A, %dma_wait3A_566, %mul3A_63] : memref<26x32x100001xf32, #tpu.memory_space<hbm>> -> memref<1x1x1024xf32, #tpu.memory_space<hbm>>
        %dma_wait3A_570 = tpu.memref_squeeze %dma_wait3A_569 : memref<1x1x1024xf32, #tpu.memory_space<hbm>> -> memref<1024xf32, #tpu.memory_space<hbm>>
        %dma_wait3A_571 = arith.constant 24576 : i32
        %dma_wait3A_572 = tpu.memref_slice %arg7[%dma_wait3A_571] : memref<32768xf32, #tpu.memory_space<vmem>> -> memref<1024xf32, #tpu.memory_space<vmem>>
        %dma_wait3A_573 = tpu.memref_slice %arg2[%select_n3A, %dma_wait3A_566, %mul3A_63] : memref<26x32x100001xf32, #tpu.memory_space<hbm>> -> memref<1x1x1024xf32, #tpu.memory_space<hbm>>
        %dma_wait3A_574 = tpu.memref_squeeze %dma_wait3A_573 : memref<1x1x1024xf32, #tpu.memory_space<hbm>> -> memref<1024xf32, #tpu.memory_space<hbm>>
        tpu.wait_dma2 semaphore(%arg11 : memref<!tpu.dma_semaphore, #tpu.memory_space<semaphore_mem>>) src(%dma_wait3A_574 : memref<1024xf32, #tpu.memory_space<hbm>>) dst(%dma_wait3A_572 : memref<1024xf32, #tpu.memory_space<vmem>>)
        %dma_wait3A_575 = arith.constant 25 : i32
        %dma_wait3A_576 = arith.constant 25600 : i32
        %dma_wait3A_577 = tpu.memref_slice %arg7[%dma_wait3A_576] : memref<32768xf32, #tpu.memory_space<vmem>> -> memref<1024xf32, #tpu.memory_space<vmem>>
        %dma_wait3A_578 = tpu.memref_slice %arg2[%select_n3A, %dma_wait3A_575, %mul3A_63] : memref<26x32x100001xf32, #tpu.memory_space<hbm>> -> memref<1x1x1024xf32, #tpu.memory_space<hbm>>
        %dma_wait3A_579 = tpu.memref_squeeze %dma_wait3A_578 : memref<1x1x1024xf32, #tpu.memory_space<hbm>> -> memref<1024xf32, #tpu.memory_space<hbm>>
        %dma_wait3A_580 = arith.constant 25600 : i32
        %dma_wait3A_581 = tpu.memref_slice %arg7[%dma_wait3A_580] : memref<32768xf32, #tpu.memory_space<vmem>> -> memref<1024xf32, #tpu.memory_space<vmem>>
        %dma_wait3A_582 = tpu.memref_slice %arg2[%select_n3A, %dma_wait3A_575, %mul3A_63] : memref<26x32x100001xf32, #tpu.memory_space<hbm>> -> memref<1x1x1024xf32, #tpu.memory_space<hbm>>
        %dma_wait3A_583 = tpu.memref_squeeze %dma_wait3A_582 : memref<1x1x1024xf32, #tpu.memory_space<hbm>> -> memref<1024xf32, #tpu.memory_space<hbm>>
        tpu.wait_dma2 semaphore(%arg11 : memref<!tpu.dma_semaphore, #tpu.memory_space<semaphore_mem>>) src(%dma_wait3A_583 : memref<1024xf32, #tpu.memory_space<hbm>>) dst(%dma_wait3A_581 : memref<1024xf32, #tpu.memory_space<vmem>>)
        %dma_wait3A_584 = arith.constant 26 : i32
        %dma_wait3A_585 = arith.constant 26624 : i32
        %dma_wait3A_586 = tpu.memref_slice %arg7[%dma_wait3A_585] : memref<32768xf32, #tpu.memory_space<vmem>> -> memref<1024xf32, #tpu.memory_space<vmem>>
        %dma_wait3A_587 = tpu.memref_slice %arg2[%select_n3A, %dma_wait3A_584, %mul3A_63] : memref<26x32x100001xf32, #tpu.memory_space<hbm>> -> memref<1x1x1024xf32, #tpu.memory_space<hbm>>
        %dma_wait3A_588 = tpu.memref_squeeze %dma_wait3A_587 : memref<1x1x1024xf32, #tpu.memory_space<hbm>> -> memref<1024xf32, #tpu.memory_space<hbm>>
        %dma_wait3A_589 = arith.constant 26624 : i32
        %dma_wait3A_590 = tpu.memref_slice %arg7[%dma_wait3A_589] : memref<32768xf32, #tpu.memory_space<vmem>> -> memref<1024xf32, #tpu.memory_space<vmem>>
        %dma_wait3A_591 = tpu.memref_slice %arg2[%select_n3A, %dma_wait3A_584, %mul3A_63] : memref<26x32x100001xf32, #tpu.memory_space<hbm>> -> memref<1x1x1024xf32, #tpu.memory_space<hbm>>
        %dma_wait3A_592 = tpu.memref_squeeze %dma_wait3A_591 : memref<1x1x1024xf32, #tpu.memory_space<hbm>> -> memref<1024xf32, #tpu.memory_space<hbm>>
        tpu.wait_dma2 semaphore(%arg11 : memref<!tpu.dma_semaphore, #tpu.memory_space<semaphore_mem>>) src(%dma_wait3A_592 : memref<1024xf32, #tpu.memory_space<hbm>>) dst(%dma_wait3A_590 : memref<1024xf32, #tpu.memory_space<vmem>>)
        %dma_wait3A_593 = arith.constant 27 : i32
        %dma_wait3A_594 = arith.constant 27648 : i32
        %dma_wait3A_595 = tpu.memref_slice %arg7[%dma_wait3A_594] : memref<32768xf32, #tpu.memory_space<vmem>> -> memref<1024xf32, #tpu.memory_space<vmem>>
        %dma_wait3A_596 = tpu.memref_slice %arg2[%select_n3A, %dma_wait3A_593, %mul3A_63] : memref<26x32x100001xf32, #tpu.memory_space<hbm>> -> memref<1x1x1024xf32, #tpu.memory_space<hbm>>
        %dma_wait3A_597 = tpu.memref_squeeze %dma_wait3A_596 : memref<1x1x1024xf32, #tpu.memory_space<hbm>> -> memref<1024xf32, #tpu.memory_space<hbm>>
        %dma_wait3A_598 = arith.constant 27648 : i32
        %dma_wait3A_599 = tpu.memref_slice %arg7[%dma_wait3A_598] : memref<32768xf32, #tpu.memory_space<vmem>> -> memref<1024xf32, #tpu.memory_space<vmem>>
        %dma_wait3A_600 = tpu.memref_slice %arg2[%select_n3A, %dma_wait3A_593, %mul3A_63] : memref<26x32x100001xf32, #tpu.memory_space<hbm>> -> memref<1x1x1024xf32, #tpu.memory_space<hbm>>
        %dma_wait3A_601 = tpu.memref_squeeze %dma_wait3A_600 : memref<1x1x1024xf32, #tpu.memory_space<hbm>> -> memref<1024xf32, #tpu.memory_space<hbm>>
        tpu.wait_dma2 semaphore(%arg11 : memref<!tpu.dma_semaphore, #tpu.memory_space<semaphore_mem>>) src(%dma_wait3A_601 : memref<1024xf32, #tpu.memory_space<hbm>>) dst(%dma_wait3A_599 : memref<1024xf32, #tpu.memory_space<vmem>>)
        %dma_wait3A_602 = arith.constant 28 : i32
        %dma_wait3A_603 = arith.constant 28672 : i32
        %dma_wait3A_604 = tpu.memref_slice %arg7[%dma_wait3A_603] : memref<32768xf32, #tpu.memory_space<vmem>> -> memref<1024xf32, #tpu.memory_space<vmem>>
        %dma_wait3A_605 = tpu.memref_slice %arg2[%select_n3A, %dma_wait3A_602, %mul3A_63] : memref<26x32x100001xf32, #tpu.memory_space<hbm>> -> memref<1x1x1024xf32, #tpu.memory_space<hbm>>
        %dma_wait3A_606 = tpu.memref_squeeze %dma_wait3A_605 : memref<1x1x1024xf32, #tpu.memory_space<hbm>> -> memref<1024xf32, #tpu.memory_space<hbm>>
        %dma_wait3A_607 = arith.constant 28672 : i32
        %dma_wait3A_608 = tpu.memref_slice %arg7[%dma_wait3A_607] : memref<32768xf32, #tpu.memory_space<vmem>> -> memref<1024xf32, #tpu.memory_space<vmem>>
        %dma_wait3A_609 = tpu.memref_slice %arg2[%select_n3A, %dma_wait3A_602, %mul3A_63] : memref<26x32x100001xf32, #tpu.memory_space<hbm>> -> memref<1x1x1024xf32, #tpu.memory_space<hbm>>
        %dma_wait3A_610 = tpu.memref_squeeze %dma_wait3A_609 : memref<1x1x1024xf32, #tpu.memory_space<hbm>> -> memref<1024xf32, #tpu.memory_space<hbm>>
        tpu.wait_dma2 semaphore(%arg11 : memref<!tpu.dma_semaphore, #tpu.memory_space<semaphore_mem>>) src(%dma_wait3A_610 : memref<1024xf32, #tpu.memory_space<hbm>>) dst(%dma_wait3A_608 : memref<1024xf32, #tpu.memory_space<vmem>>)
        %dma_wait3A_611 = arith.constant 29 : i32
        %dma_wait3A_612 = arith.constant 29696 : i32
        %dma_wait3A_613 = tpu.memref_slice %arg7[%dma_wait3A_612] : memref<32768xf32, #tpu.memory_space<vmem>> -> memref<1024xf32, #tpu.memory_space<vmem>>
        %dma_wait3A_614 = tpu.memref_slice %arg2[%select_n3A, %dma_wait3A_611, %mul3A_63] : memref<26x32x100001xf32, #tpu.memory_space<hbm>> -> memref<1x1x1024xf32, #tpu.memory_space<hbm>>
        %dma_wait3A_615 = tpu.memref_squeeze %dma_wait3A_614 : memref<1x1x1024xf32, #tpu.memory_space<hbm>> -> memref<1024xf32, #tpu.memory_space<hbm>>
        %dma_wait3A_616 = arith.constant 29696 : i32
        %dma_wait3A_617 = tpu.memref_slice %arg7[%dma_wait3A_616] : memref<32768xf32, #tpu.memory_space<vmem>> -> memref<1024xf32, #tpu.memory_space<vmem>>
        %dma_wait3A_618 = tpu.memref_slice %arg2[%select_n3A, %dma_wait3A_611, %mul3A_63] : memref<26x32x100001xf32, #tpu.memory_space<hbm>> -> memref<1x1x1024xf32, #tpu.memory_space<hbm>>
        %dma_wait3A_619 = tpu.memref_squeeze %dma_wait3A_618 : memref<1x1x1024xf32, #tpu.memory_space<hbm>> -> memref<1024xf32, #tpu.memory_space<hbm>>
        tpu.wait_dma2 semaphore(%arg11 : memref<!tpu.dma_semaphore, #tpu.memory_space<semaphore_mem>>) src(%dma_wait3A_619 : memref<1024xf32, #tpu.memory_space<hbm>>) dst(%dma_wait3A_617 : memref<1024xf32, #tpu.memory_space<vmem>>)
        %dma_wait3A_620 = arith.constant 30 : i32
        %dma_wait3A_621 = arith.constant 30720 : i32
        %dma_wait3A_622 = tpu.memref_slice %arg7[%dma_wait3A_621] : memref<32768xf32, #tpu.memory_space<vmem>> -> memref<1024xf32, #tpu.memory_space<vmem>>
        %dma_wait3A_623 = tpu.memref_slice %arg2[%select_n3A, %dma_wait3A_620, %mul3A_63] : memref<26x32x100001xf32, #tpu.memory_space<hbm>> -> memref<1x1x1024xf32, #tpu.memory_space<hbm>>
        %dma_wait3A_624 = tpu.memref_squeeze %dma_wait3A_623 : memref<1x1x1024xf32, #tpu.memory_space<hbm>> -> memref<1024xf32, #tpu.memory_space<hbm>>
        %dma_wait3A_625 = arith.constant 30720 : i32
        %dma_wait3A_626 = tpu.memref_slice %arg7[%dma_wait3A_625] : memref<32768xf32, #tpu.memory_space<vmem>> -> memref<1024xf32, #tpu.memory_space<vmem>>
        %dma_wait3A_627 = tpu.memref_slice %arg2[%select_n3A, %dma_wait3A_620, %mul3A_63] : memref<26x32x100001xf32, #tpu.memory_space<hbm>> -> memref<1x1x1024xf32, #tpu.memory_space<hbm>>
        %dma_wait3A_628 = tpu.memref_squeeze %dma_wait3A_627 : memref<1x1x1024xf32, #tpu.memory_space<hbm>> -> memref<1024xf32, #tpu.memory_space<hbm>>
        tpu.wait_dma2 semaphore(%arg11 : memref<!tpu.dma_semaphore, #tpu.memory_space<semaphore_mem>>) src(%dma_wait3A_628 : memref<1024xf32, #tpu.memory_space<hbm>>) dst(%dma_wait3A_626 : memref<1024xf32, #tpu.memory_space<vmem>>)
        %dma_wait3A_629 = arith.constant 31 : i32
        %dma_wait3A_630 = arith.constant 31744 : i32
        %dma_wait3A_631 = tpu.memref_slice %arg7[%dma_wait3A_630] : memref<32768xf32, #tpu.memory_space<vmem>> -> memref<1024xf32, #tpu.memory_space<vmem>>
        %dma_wait3A_632 = tpu.memref_slice %arg2[%select_n3A, %dma_wait3A_629, %mul3A_63] : memref<26x32x100001xf32, #tpu.memory_space<hbm>> -> memref<1x1x1024xf32, #tpu.memory_space<hbm>>
        %dma_wait3A_633 = tpu.memref_squeeze %dma_wait3A_632 : memref<1x1x1024xf32, #tpu.memory_space<hbm>> -> memref<1024xf32, #tpu.memory_space<hbm>>
        %dma_wait3A_634 = arith.constant 31744 : i32
        %dma_wait3A_635 = tpu.memref_slice %arg7[%dma_wait3A_634] : memref<32768xf32, #tpu.memory_space<vmem>> -> memref<1024xf32, #tpu.memory_space<vmem>>
        %dma_wait3A_636 = tpu.memref_slice %arg2[%select_n3A, %dma_wait3A_629, %mul3A_63] : memref<26x32x100001xf32, #tpu.memory_space<hbm>> -> memref<1x1x1024xf32, #tpu.memory_space<hbm>>
        %dma_wait3A_637 = tpu.memref_squeeze %dma_wait3A_636 : memref<1x1x1024xf32, #tpu.memory_space<hbm>> -> memref<1024xf32, #tpu.memory_space<hbm>>
        tpu.wait_dma2 semaphore(%arg11 : memref<!tpu.dma_semaphore, #tpu.memory_space<semaphore_mem>>) src(%dma_wait3A_637 : memref<1024xf32, #tpu.memory_space<hbm>>) dst(%dma_wait3A_635 : memref<1024xf32, #tpu.memory_space<vmem>>)
        %scan3A_638 = arith.constant 0 : i32
        %scan3A_639 = arith.constant 0 : i32
        %scan3A_640 = arith.constant 32 : i32
        %scan3A_641 = arith.addi %scan3A_639, %scan3A_640 : i32
        %scan3A_642 = arith.constant 1 : i32
        %scan3A_643 = scf.for %scan3A_650 = %scan3A_639 to %scan3A_641 step %scan3A_642 iter_args(%scan3A_651 = %scan3A_638) -> (i32)  : i32 {
          %add3A_652 = vector.broadcast %scan3A_650 : i32 to vector<16xi32>
          %add3A_653 = arith.addi %add3A_652, %iota3A : vector<16xi32>
          %rem3A_654 = arith.constant 32 : i32
          %rem3A_655 = vector.broadcast %rem3A_654 : i32 to vector<16xi32>
          %rem3A_656 = arith.remsi %add3A_653, %rem3A_655 : vector<16xi32>
          %mul3A_657 = arith.constant 1024 : i32
          %mul3A_658 = vector.broadcast %mul3A_657 : i32 to vector<16xi32>
          %mul3A_659 = arith.muli %rem3A_656, %mul3A_658 : vector<16xi32>
          %mul3A_660 = arith.constant 32 : i32
          %mul3A_661 = vector.broadcast %mul3A_660 : i32 to vector<16xi32>
          %mul3A_662 = arith.muli %iota3A, %mul3A_661 : vector<16xi32>
          %add3A_663 = arith.addi %mul3A_662, %rem3A_656 : vector<16xi32>
          %scan3A_664 = arith.constant 0 : i32
          %scan3A_665 = arith.constant 0 : i32
          %scan3A_666 = arith.constant 64 : i32
          %scan3A_667 = arith.addi %scan3A_665, %scan3A_666 : i32
          %scan3A_668 = arith.constant 4 : i32
          %scan3A_669 = scf.for %scan3A_672 = %scan3A_665 to %scan3A_667 step %scan3A_668 iter_args(%scan3A_673 = %scan3A_664) -> (i32)  : i32 {
            %mul3A_674 = arith.constant 16 : i32
            %mul3A_675 = arith.muli %scan3A_672, %mul3A_674 : i32
            %add3A_676 = vector.broadcast %mul3A_675 : i32 to vector<16xi32>
            %add3A_677 = arith.addi %mul3A_659, %add3A_676 : vector<16xi32>
            %add3A_678 = arith.addi %add3A_677, %iota3A : vector<16xi32>
            %gather3A = tpu.vector_load_idx %arg7[%add3A_678] : memref<32768xf32, #tpu.memory_space<vmem>>[vector<16xi32>], vector<16xf32>,
            %mul3A_679 = arith.constant 512 : i32
            %mul3A_680 = arith.muli %scan3A_672, %mul3A_679 : i32
            %add3A_681 = vector.broadcast %mul3A_680 : i32 to vector<16xi32>
            %add3A_682 = arith.addi %add3A_663, %add3A_681 : vector<16xi32>
            tpu.vector_store_idx %arg8[%add3A_682], %gather3A : memref<32768xf32, #tpu.memory_space<vmem>>[vector<16xi32>], vector<16xf32>,
            %scan3A_683 = arith.constant 0 : i32
            %scan3A_684 = arith.constant 1 : i32
            %scan3A_685 = arith.addi %scan3A_672, %scan3A_684 : i32
            %mul3A_686 = arith.constant 16 : i32
            %mul3A_687 = arith.muli %scan3A_685, %mul3A_686 : i32
            %add3A_688 = vector.broadcast %mul3A_687 : i32 to vector<16xi32>
            %add3A_689 = arith.addi %mul3A_659, %add3A_688 : vector<16xi32>
            %add3A_690 = arith.addi %add3A_689, %iota3A : vector<16xi32>
            %gather3A_691 = tpu.vector_load_idx %arg7[%add3A_690] : memref<32768xf32, #tpu.memory_space<vmem>>[vector<16xi32>], vector<16xf32>,
            %mul3A_692 = arith.constant 512 : i32
            %mul3A_693 = arith.muli %scan3A_685, %mul3A_692 : i32
            %add3A_694 = vector.broadcast %mul3A_693 : i32 to vector<16xi32>
            %add3A_695 = arith.addi %add3A_663, %add3A_694 : vector<16xi32>
            tpu.vector_store_idx %arg8[%add3A_695], %gather3A_691 : memref<32768xf32, #tpu.memory_space<vmem>>[vector<16xi32>], vector<16xf32>,
            %scan3A_696 = arith.constant 0 : i32
            %scan3A_697 = arith.constant 2 : i32
            %scan3A_698 = arith.addi %scan3A_672, %scan3A_697 : i32
            %mul3A_699 = arith.constant 16 : i32
            %mul3A_700 = arith.muli %scan3A_698, %mul3A_699 : i32
            %add3A_701 = vector.broadcast %mul3A_700 : i32 to vector<16xi32>
            %add3A_702 = arith.addi %mul3A_659, %add3A_701 : vector<16xi32>
            %add3A_703 = arith.addi %add3A_702, %iota3A : vector<16xi32>
            %gather3A_704 = tpu.vector_load_idx %arg7[%add3A_703] : memref<32768xf32, #tpu.memory_space<vmem>>[vector<16xi32>], vector<16xf32>,
            %mul3A_705 = arith.constant 512 : i32
            %mul3A_706 = arith.muli %scan3A_698, %mul3A_705 : i32
            %add3A_707 = vector.broadcast %mul3A_706 : i32 to vector<16xi32>
            %add3A_708 = arith.addi %add3A_663, %add3A_707 : vector<16xi32>
            tpu.vector_store_idx %arg8[%add3A_708], %gather3A_704 : memref<32768xf32, #tpu.memory_space<vmem>>[vector<16xi32>], vector<16xf32>,
            %scan3A_709 = arith.constant 0 : i32
            %scan3A_710 = arith.constant 3 : i32
            %scan3A_711 = arith.addi %scan3A_672, %scan3A_710 : i32
            %mul3A_712 = arith.constant 16 : i32
            %mul3A_713 = arith.muli %scan3A_711, %mul3A_712 : i32
            %add3A_714 = vector.broadcast %mul3A_713 : i32 to vector<16xi32>
            %add3A_715 = arith.addi %mul3A_659, %add3A_714 : vector<16xi32>
            %add3A_716 = arith.addi %add3A_715, %iota3A : vector<16xi32>
            %gather3A_717 = tpu.vector_load_idx %arg7[%add3A_716] : memref<32768xf32, #tpu.memory_space<vmem>>[vector<16xi32>], vector<16xf32>,
            %mul3A_718 = arith.constant 512 : i32
            %mul3A_719 = arith.muli %scan3A_711, %mul3A_718 : i32
            %add3A_720 = vector.broadcast %mul3A_719 : i32 to vector<16xi32>
            %add3A_721 = arith.addi %add3A_663, %add3A_720 : vector<16xi32>
            tpu.vector_store_idx %arg8[%add3A_721], %gather3A_717 : memref<32768xf32, #tpu.memory_space<vmem>>[vector<16xi32>], vector<16xf32>,
            %scan3A_722 = arith.constant 0 : i32
            scf.yield %scan3A_722 : i32
          }
          %scan3A_670 = arith.constant 64 : i32
          %scan3A_671 = arith.constant 0 : i32
          scf.yield %scan3A_671 : i32
        }
        %scan3A_644 = arith.constant 32 : i32
        %mul3A_645 = arith.constant 100001 : i32
        %mul3A_646 = arith.muli %select_n3A, %mul3A_645 : i32
        %add3A_647 = arith.addi %mul3A_646, %mul3A_63 : i32
        %mul3A_648 = arith.constant 32 : i32
        %mul3A_649 = arith.muli %add3A_647, %mul3A_648 : i32
        "tpu.region"() ({
          %run_scoped3A = tpu.sem_alloc : memref<!tpu.dma_semaphore, #tpu.memory_space<semaphore_mem>>
          %dma_start3A_650 = tpu.memref_slice %arg5[%mul3A_649] : memref<83200832xf32, #tpu.memory_space<hbm>> -> memref<32768xf32, #tpu.memory_space<hbm>>
          %dma_start3A_651 = tpu.memref_slice %arg5[%mul3A_649] : memref<83200832xf32, #tpu.memory_space<hbm>> -> memref<32768xf32, #tpu.memory_space<hbm>>
          tpu.enqueue_dma source(%arg8 : memref<32768xf32, #tpu.memory_space<vmem>>) target(%dma_start3A_651 : memref<32768xf32, #tpu.memory_space<hbm>>) target_semaphore(%run_scoped3A : memref<!tpu.dma_semaphore, #tpu.memory_space<semaphore_mem>>)
          %dma_wait3A_652 = tpu.memref_slice %arg5[%mul3A_649] : memref<83200832xf32, #tpu.memory_space<hbm>> -> memref<32768xf32, #tpu.memory_space<hbm>>
          %dma_wait3A_653 = tpu.memref_slice %arg5[%mul3A_649] : memref<83200832xf32, #tpu.memory_space<hbm>> -> memref<32768xf32, #tpu.memory_space<hbm>>
          tpu.wait_dma2 semaphore(%run_scoped3A : memref<!tpu.dma_semaphore, #tpu.memory_space<semaphore_mem>>) src(%arg8 : memref<32768xf32, #tpu.memory_space<vmem>>) dst(%dma_wait3A_653 : memref<32768xf32, #tpu.memory_space<hbm>>)
          tpu.yield
        }) : () -> ()
      } else {
      }
      %scan3A_30 = arith.constant 0 : i32
      scf.yield %scan3A_30 : i32
    }
    %scan3A_17 = arith.constant 79 : i32
    %lt3A = arith.constant 26 : i32
    %lt3A_18 = arith.cmpi slt, %add3A, %lt3A : i32
    %convert_element_type3A = arith.extui %lt3A_18 : i1 to i32
    %cond3A = arith.constant 0 : i32
    %cond3A_19 = arith.cmpi ne, %convert_element_type3A, %cond3A : i32
    scf.if %cond3A_19 {
      %mul3A_20 = arith.constant 21536 : i32
      %mul3A_21 = arith.muli %add3A, %mul3A_20 : i32
      "tpu.region"() ({
        %run_scoped3A = tpu.sem_alloc : memref<!tpu.dma_semaphore, #tpu.memory_space<semaphore_mem>>
        %dma_start3A = arith.constant 0 : i32
        %dma_start3A_28 = tpu.memref_slice %arg7[%dma_start3A] : memref<32768xf32, #tpu.memory_space<vmem>> -> memref<21536xf32, #tpu.memory_space<vmem>>
        %dma_start3A_29 = tpu.memref_slice %arg4[%mul3A_21] : memref<559936xf32, #tpu.memory_space<hbm>> -> memref<21536xf32, #tpu.memory_space<hbm>>
        %dma_start3A_30 = arith.constant 0 : i32
        %dma_start3A_31 = tpu.memref_slice %arg7[%dma_start3A_30] : memref<32768xf32, #tpu.memory_space<vmem>> -> memref<21536xf32, #tpu.memory_space<vmem>>
        %dma_start3A_32 = tpu.memref_slice %arg4[%mul3A_21] : memref<559936xf32, #tpu.memory_space<hbm>> -> memref<21536xf32, #tpu.memory_space<hbm>>
        tpu.enqueue_dma source(%dma_start3A_32 : memref<21536xf32, #tpu.memory_space<hbm>>) target(%dma_start3A_31 : memref<21536xf32, #tpu.memory_space<vmem>>) target_semaphore(%run_scoped3A : memref<!tpu.dma_semaphore, #tpu.memory_space<semaphore_mem>>)
        %dma_wait3A = arith.constant 0 : i32
        %dma_wait3A_33 = tpu.memref_slice %arg7[%dma_wait3A] : memref<32768xf32, #tpu.memory_space<vmem>> -> memref<21536xf32, #tpu.memory_space<vmem>>
        %dma_wait3A_34 = tpu.memref_slice %arg4[%mul3A_21] : memref<559936xf32, #tpu.memory_space<hbm>> -> memref<21536xf32, #tpu.memory_space<hbm>>
        %dma_wait3A_35 = arith.constant 0 : i32
        %dma_wait3A_36 = tpu.memref_slice %arg7[%dma_wait3A_35] : memref<32768xf32, #tpu.memory_space<vmem>> -> memref<21536xf32, #tpu.memory_space<vmem>>
        %dma_wait3A_37 = tpu.memref_slice %arg4[%mul3A_21] : memref<559936xf32, #tpu.memory_space<hbm>> -> memref<21536xf32, #tpu.memory_space<hbm>>
        tpu.wait_dma2 semaphore(%run_scoped3A : memref<!tpu.dma_semaphore, #tpu.memory_space<semaphore_mem>>) src(%dma_wait3A_37 : memref<21536xf32, #tpu.memory_space<hbm>>) dst(%dma_wait3A_36 : memref<21536xf32, #tpu.memory_space<vmem>>)
        tpu.yield
      }) : () -> ()
      %mul3A_22 = arith.constant 100001 : i32
      %mul3A_23 = arith.muli %add3A, %mul3A_22 : i32
      %add3A_24 = arith.constant 99328 : i32
      %add3A_25 = arith.addi %mul3A_23, %add3A_24 : i32
      %mul3A_26 = arith.constant 32 : i32
      %mul3A_27 = arith.muli %add3A_25, %mul3A_26 : i32
      "tpu.region"() ({
        %run_scoped3A = tpu.sem_alloc : memref<!tpu.dma_semaphore, #tpu.memory_space<semaphore_mem>>
        %dma_start3A = arith.constant 0 : i32
        %dma_start3A_28 = tpu.memref_slice %arg7[%dma_start3A] : memref<32768xf32, #tpu.memory_space<vmem>> -> memref<21536xf32, #tpu.memory_space<vmem>>
        %dma_start3A_29 = tpu.memref_slice %arg5[%mul3A_27] : memref<83200832xf32, #tpu.memory_space<hbm>> -> memref<21536xf32, #tpu.memory_space<hbm>>
        %dma_start3A_30 = tpu.memref_slice %arg5[%mul3A_27] : memref<83200832xf32, #tpu.memory_space<hbm>> -> memref<21536xf32, #tpu.memory_space<hbm>>
        %dma_start3A_31 = arith.constant 0 : i32
        %dma_start3A_32 = tpu.memref_slice %arg7[%dma_start3A_31] : memref<32768xf32, #tpu.memory_space<vmem>> -> memref<21536xf32, #tpu.memory_space<vmem>>
        tpu.enqueue_dma source(%dma_start3A_32 : memref<21536xf32, #tpu.memory_space<vmem>>) target(%dma_start3A_30 : memref<21536xf32, #tpu.memory_space<hbm>>) target_semaphore(%run_scoped3A : memref<!tpu.dma_semaphore, #tpu.memory_space<semaphore_mem>>)
        %dma_wait3A = arith.constant 0 : i32
        %dma_wait3A_33 = tpu.memref_slice %arg7[%dma_wait3A] : memref<32768xf32, #tpu.memory_space<vmem>> -> memref<21536xf32, #tpu.memory_space<vmem>>
        %dma_wait3A_34 = tpu.memref_slice %arg5[%mul3A_27] : memref<83200832xf32, #tpu.memory_space<hbm>> -> memref<21536xf32, #tpu.memory_space<hbm>>
        %dma_wait3A_35 = tpu.memref_slice %arg5[%mul3A_27] : memref<83200832xf32, #tpu.memory_space<hbm>> -> memref<21536xf32, #tpu.memory_space<hbm>>
        %dma_wait3A_36 = arith.constant 0 : i32
        %dma_wait3A_37 = tpu.memref_slice %arg7[%dma_wait3A_36] : memref<32768xf32, #tpu.memory_space<vmem>> -> memref<21536xf32, #tpu.memory_space<vmem>>
        tpu.wait_dma2 semaphore(%run_scoped3A : memref<!tpu.dma_semaphore, #tpu.memory_space<semaphore_mem>>) src(%dma_wait3A_37 : memref<21536xf32, #tpu.memory_space<vmem>>) dst(%dma_wait3A_35 : memref<21536xf32, #tpu.memory_space<hbm>>)
        tpu.yield
      }) : () -> ()
    } else {
    }
    return
  }
}

</mosaic_0001>

<sc_bundles>
// kernel: kernel.4.cloned.1.call-start
scs
__scs_entry_jumppad:
0x0: {  	(pc) =	sbr.rel $0x88, $3  }
0x1: {  	(tag) =	ssettag $0x0;
	lr =	simm.s32 $0x1  }
0x2: {  	[smem:$0x3F9B] =	sst lr;
	_ =	strace $0xD0000000  }
0x3: {  	_ = 	snop  }
0x4: {  	_ = 	snop  }
0x5: {  	_ = 	snop  }
0x6: {  	_ = 	snop  }
0x7: {  	_ = 	snop  }
__scs_overlays_trampoline_lowered:
0x8: {  	[smem:$0x3FAA] =	sst s0  }
0x9: {  	[smem:$0x3FAB] =	sst s1  }
0xa: {  	[smem:$0x3FAC] =	sst s2  }
0xb: {  	[smem:$0x3FAD] =	sst s3  }
0xc: {  	[smem:$0x3FAE] =	sst s4  }
0xd: {  	[smem:$0x3FAF] =	sst s5  }
0xe: {  	[smem:$0x3FB0] =	sst s6  }
0xf: {  	[smem:$0x3FB1] =	sst s7  }
0x10: {  	[smem:$0x3FB2] =	sst s8  }
0x11: {  	[smem:$0x3FB3] =	sst s9;
	s0 =	simm.s32 @!p0 $0x0  }
0x12: {  	s1 =	sld [smem:$0x3F99];
	s0 =	simm.s32 @p0 $0x1  }
0x13: {  	[smem:$0x3FB4] =	sst s0;
	s0 =	simm.s32 @!p1 $0x0  }
0x14: {  	s2 =	sld [smem:$0x3F98];
	s0 =	simm.s32 @p1 $0x1  }
0x15: {  	[smem:$0x3FB5] =	sst s0;
	s0 =	simm.s32 @!p2 $0x0  }
0x16: {  	s3 =	sld [smem:$0x3FDB];
	s0 =	simm.s32 @p2 $0x1  }
0x17: {  	s4 =	simm.s32 $0x1BF5;
	[smem:$0x3FB7] =	sst s0  }
0x18: {  	s0 =	sld [smem:$0x3F9A];
	_ =	swait.ge [sflag:s4], $0x0  }
0x19: {  	s7 =	sld [smem:$0x3F9B]  }
0x1a: {  	s8 =	sadd.s32 $0xFFFFE003, lr  }
0x1b: {  	s9 =	sadd.s32 $0xFFFFFEF7, lr;
	s5 =	simm.s32 $0xFFFFFFFF;
	p2 =	slt.u32 s8, $0xFFFFF086  }
0x1c: {  	p1 =	slt.u32 s9, $0xF7A;
	s5 =	simm.s32 @!p2 $0x0  }
0x1d: {  	s5 =	simm.s32 @p1 $0x1;
	p0 =	seq.s32 s7, s2  }
0x1e: {  	s7 =	smul.u32 @!p0 $0xF7A, s2;
	p2 =	seq.s32 @!p0 s5, $0x0  }
0x1f: {  	s9 =	smul.u32 $0xF7A, s1;
	s8 =	simm.s32 @!p0 $0x1BF5;
	p2 =	por !p2, p0  }
0x20: {  	[sflag:s8] =	ssyncset.s32 @!p0 $0xFFFFF086;
	s6 =	sadd.s32 @!p0 s3, s7;
	s7 =	simm.s32 @!p0 $0x108  }
0x21: {  	s3 =	sadd.s32 s3, s9;
	s6 =	sadd.s32 @!p0 $0x88, s6;
	s7 =	simm.s32 @p2 $0x1082  }
0x22: {  	[simem:s7], [sflag:s8] =	dma.local @!p0 [hbm:s6], $0xF7A  }
0x23: {  	s9 =	sor.u32 $0xD0000000, s2;
	s6 =	simm.s32 $0x108;
	_ =	swait.ge @!p0 [sflag:s8], $0x0  }
0x24: {  	s3 =	sadd.s32 $0x88, s3;
	s6 =	simm.s32 @!p1 $0x1082;
	[sflag:s4] =	ssyncset.s32 $0xFFFFF086  }
0x25: {  	[simem:s6], [sflag:s4] =	dma.local [hbm:s3], $0xF7A  }
0x26: {  	[smem:$0x3F9B] =	sst s1;
	(tag) =	ssettag s2;
	_ =	strace s9  }
0x27: {  	s1 =	sld [smem:$0x3FAB]  }
0x28: {  	s2 =	sld [smem:$0x3FAC]  }
0x29: {  	s4 =	sld [smem:$0x3FAE]  }
0x2a: {  	p0 =	seq.s32 s5, $0x0;
	s5 =	sld [smem:$0x3FAF]  }
0x2b: {  	s6 =	sld [smem:$0x3FB0]  }
0x2c: {  	s7 =	sld [smem:$0x3FB1]  }
0x2d: {  	s3 =	simm.s32 $0x108;
	s8 =	sld [smem:$0x3FB2]  }
0x2e: {  	s3 =	simm.s32 @!p0 $0x1082;
	s9 =	sld [smem:$0x3FB3]  }
0x2f: {  	lr =	sadd.s32 s0, s3;
	s0 =	sld [smem:$0x3FAA]  }
0x30: {  	s3 =	sld [smem:$0x3FAD]  }
0x31: {  	[smem:$0x3FB6] =	sst s10  }
0x32: {  	s10 =	sld [smem:$0x3FB4];
	_ =	sdelay $0x3  }
0x33: {  	p0 =	seq.s32 s10, $0x1;
	s10 =	sld [smem:$0x3FB6];
	_ =	sdelay $0x3  }
0x34: {  	[smem:$0x3FB6] =	sst s10  }
0x35: {  	s10 =	sld [smem:$0x3FB5];
	_ =	sdelay $0x3  }
0x36: {  	p1 =	seq.s32 s10, $0x1;
	s10 =	sld [smem:$0x3FB6];
	_ =	sdelay $0x3  }
0x37: {  	[smem:$0x3FB6] =	sst s10  }
0x38: {  	s10 =	sld [smem:$0x3FB7]  }
0x39: {  	_ = 	snop;
	(pc) =	sbr.ind lr, $3  }
0x3a: {  	_ = 	snop  }
0x3b: {  	_ = 	snop  }
0x3c: {  	p2 =	seq.s32 s10, $0x1;
	s10 =	sld [smem:$0x3FB6]  }
0x3d: {  	_ =	shalt  }
0x3e: {  	_ =	shalt  }
0x3f: {  	_ =	shalt  }
0x40: {  	_ =	shalt  }
0x41: {  	_ =	shalt  }
0x42: {  	_ =	shalt  }
0x43: {  	_ =	shalt  }
0x44: {  	_ =	shalt  }
0x45: {  	_ =	shalt  }
0x46: {  	_ =	shalt  }
0x47: {  	_ =	shalt  }
0x48: {  	_ =	shalt  }
0x49: {  	_ =	shalt  }
0x4a: {  	_ =	shalt  }
0x4b: {  	_ =	shalt  }
0x4c: {  	_ =	shalt  }
0x4d: {  	_ =	shalt  }
0x4e: {  	_ =	shalt  }
0x4f: {  	_ =	shalt  }
0x50: {  	_ =	shalt  }
0x51: {  	_ =	shalt  }
0x52: {  	_ =	shalt  }
0x53: {  	_ =	shalt  }
0x54: {  	_ =	shalt  }
0x55: {  	_ =	shalt  }
0x56: {  	_ =	shalt  }
0x57: {  	_ =	shalt  }
0x58: {  	_ =	shalt  }
0x59: {  	_ =	shalt  }
0x5a: {  	_ =	shalt  }
0x5b: {  	_ =	shalt  }
0x5c: {  	_ =	shalt  }
0x5d: {  	_ =	shalt  }
0x5e: {  	_ =	shalt  }
0x5f: {  	_ =	shalt  }
0x60: {  	_ =	shalt  }
0x61: {  	_ =	shalt  }
0x62: {  	_ =	shalt  }
0x63: {  	_ =	shalt  }
0x64: {  	_ =	shalt  }
0x65: {  	_ =	shalt  }
0x66: {  	_ =	shalt  }
0x67: {  	_ =	shalt  }
0x68: {  	_ =	shalt  }
0x69: {  	_ =	shalt  }
0x6a: {  	_ =	shalt  }
0x6b: {  	_ =	shalt  }
0x6c: {  	_ =	shalt  }
0x6d: {  	_ =	shalt  }
0x6e: {  	_ =	shalt  }
0x6f: {  	_ =	shalt  }
0x70: {  	_ =	shalt  }
0x71: {  	_ =	shalt  }
0x72: {  	_ =	shalt  }
0x73: {  	_ =	shalt  }
0x74: {  	_ =	shalt  }
0x75: {  	_ =	shalt  }
0x76: {  	_ =	shalt  }
0x77: {  	_ =	shalt  }
0x78: {  	_ =	shalt  }
0x79: {  	_ =	shalt  }
0x7a: {  	_ =	shalt  }
0x7b: {  	_ =	shalt  }
0x7c: {  	_ =	shalt  }
0x7d: {  	_ =	shalt  }
0x7e: {  	_ =	shalt  }
0x7f: {  	_ =	shalt  }
0x80: {  	_ =	shalt  }
0x81: {  	_ =	shalt  }
0x82: {  	_ =	shalt  }
0x83: {  	_ =	shalt  }
0x84: {  	_ =	shalt  }
0x85: {  	_ =	shalt  }
0x86: {  	_ =	shalt  }
0x87: {  	_ =	shalt  }
.Lfunc_end0:
.L_simem_size_0:
called_computation.1_lowered:
.L_overlay_start_0:
0x88: {  	s2 =	sld [smem:$0x3FD9]  }
0x89: {  	s3 =	sld [smem:$0x3FFE];
	_ =	sdelay $0x1  }
0x8a: {  	s1 =	srdreg.scid  }
0x8b: {  	s0 =	sand.u32 $0x1, s1  }
0x8c: {  	s17 =	sshll.u32 s0, $0xA;
	s2 =	sadd.s32 s3, s2  }
0x8d: {  	s2 =	sadd.s32 s2, s17  }
0x8e: {  	[smem:$0x3FC2] =	sst s2  }
0x8f: {  	_ = 	snop  }
0x90: {  	s2 =	sld [smem:$0x3FC9]  }
0x91: {  	s18 =	sld [smem:$0x3FC5]  }
0x92: {  	s4 =	sld [smem:$0x3FD0];
	(tm) =	ssettm $0x1  }
0x93: {  	s5 =	sld [smem:$0x3FFB];
	_ =	sdelay $0x3  }
0x94: {  	_ =	strace s5  }
0x95: {  	s5 =	sld [smem:$0x3FFC];
	_ =	sdelay $0x3  }
0x96: {  	_ =	strace s5  }
0x97: {  	s5 =	sld [smem:$0x3FFD];
	_ =	sdelay $0x3  }
0x98: {  	_ =	strace s5  }
0x99: {  	_ =	strace $0x8FFFFFFF  }
0x9a: {  	s19 =	sld [smem:$0x3FDB];
	_ =	sdelay $0x1  }
0x9b: {  	s6 =	simm.s32 $_scs_section_size  }
0x9c: {  	s7 =	simm.s32 $_size__tile_overlayer_lowered;
	s8 =	simm.s32 $_tile_overlayer_lowered  }
0x9d: {  	s22 =	simm.s32 $0x1BFF;
	s21 =	sshll.u32 s8, $0x1;
	s5 =	sadd.s32 s6, s19  }
0x9e: {  	s9 =	simm.s32 $0x0;
	s20 =	sshll.u32 s7, $0x1;
	s7 =	sadd.s32 s21, s5  }
0x9f: {  	[timem:s9], [sflag:s22] =	dma.local [hbm:s7], s20  }
0xa0: {  	_ =	swait.ge [sflag:s22], s20  }
0xa1: {  	s6 =	ssub.s32 $0x0, s20;
	[sflag:s22] =	ssyncset.done $0x0  }
0xa2: {  	[sflag:s22] =	ssyncadd.s32 s6;
	_ =	sdelay $0x1  }
0xa3: {  	s23 =	simm.s32 $0x1B8B  }
0xa4: {  	_ =	swait.ge [sflag:s23], $0x1  }
0xa5: {  	[sflag:s23] =	ssyncset.done $0x0  }
0xa6: {  	s25 =	simm.s32 $0x1B8E;
	s24 =	sld [smem:$0x3FFE];
	[sflag:s23] =	ssyncadd.s32 $0xFFFFFFFF  }
0xa7: {  	s26 =	simm.s32 $execute0_lowered;
	[smem:$0x3FD2] =	sst s25  }
0xa8: {  	s7 =	sshll.u32 s26, $0x1;
	_ =	strace $0x80000046;
	[dreg:$0x1] =	wrdreg $0xFFFFFFFF  }
0xa9: {  	s28 =	simm.s32 $_size_execute0_lowered;
	s5 =	sadd.s32 s5, s7;
	[dreg:$0x0] =	wrdreg $0x0  }
0xaa: {  	s7 =	sshll.u32 s28, $0x1;
	[dreg:$0x2] =	wrdreg s5  }
0xab: {  	[dreg:$0x3] =	wrdreg s7  }
0xac: {  	[dreg:$0x4] =	wrdreg $0xC0  }
0xad: {  	_ =	task [dreg:s9], $0x5FFFF  }
0xae: {  	[dreg:$0x1] =	wrdreg $0xFFFFFFFF  }
0xaf: {  	[dreg:$0x0] =	wrdreg $0x60  }
0xb0: {  	[dreg:$0x2] =	wrdreg s18  }
0xb1: {  	[dreg:$0x3] =	wrdreg s2  }
0xb2: {  	[dreg:$0x4] =	wrdreg s4  }
0xb3: {  	[dreg:$0x5] =	wrdreg s24  }
0xb4: {  	[dreg:$0x6] =	wrdreg $0x9  }
0xb5: {  	_ =	task.clear_ibuf [dreg:s9], $0x7FFFF;
	_ =	strace $0x90000046  }
0xb6: {  	s29 =	simm.s32 $0x9;
	_ =	strace $0x80000048  }
0xb7: {  	_ =	swait.ge [sflag:s29], $0x1  }
0xb8: {  	[sflag:s29] =	ssyncadd.s32 $0xFFFFFFFF  }
0xb9: {  	_ =	strace $0x90000048  }
0xba: {  	_ =	sfence  }
0xbb: {  	s30 =	sld [smem:$0x0];
	_ =	sdelay $0x2  }
0xbc: {  	s31 =	sshll.u32 s1, $0xD;
	s1 =	sshrl.u32 s1, $0x2  }
0xbd: {  	s3 =	sand.u32 $0x4000, s31;
	s1 =	sadd.s32 s1, s30  }
0xbe: {  	s0 =	sor.u32 s3, s0;
	s1 =	sshll.u32 s1, $0x11  }
0xbf: {  	s0 =	sor.u32 s1, s0  }
0xc0: {  	s0 =	sadd.s32 $0x8F2B, s0  }
0xc1: {  	[sflag:s0] =	ssyncadd.remote.s32 $0x1  }
0xc2: {  	_ =	sfence.sel $0xFFFF  }
0xc3: {  	[dreg:$0x0] =	wrdreg $0xFFFFFFFF;
	(pc) =	sbr.abs _section_cstart, $3  }
0xc4: {  	[dreg:$0x1] =	wrdreg $0xFFFFFFFF  }
0xc5: {  	_ =	task.clear_ibuf [dreg:s9], $0x2FFFF;
	_ =	strace $0x9FFFFFFF  }
0xc6: {  	(tm) =	ssettm $0x7FFFFFFF  }
0xc7: {  	_ =	shalt  }
tec
execute0_lowered:
.L_overlay_start_1:
0x0: {  	(tag) =	ssettag $0x1  }
0x1: {  	s1 =	rddreg [dreg:$0x0]  }
0x2: {  	s0 =	rddreg [dreg:$0x1]  }
0x3: {  	s2 =	rddreg [dreg:$0x2]  }
0x4: {  	s6 =	rddreg [dreg:$0x3];
	s4 =	srdreg.scid  }
0x5: {  	s15 =	stileid.u32;
	s3 =	simm.s32 $0x0;
	s28 =	simm.s32 $0x10000  }
0x6: {  	s17 =	simm.s32 $0x80;
	s18 =	simm.s32 $0x400;
	s19 =	simm.s32 $0x2  }
0x7: {  	s29 =	simm.s32 $0x6800;
	s30 =	simm.s32 $0x6C00;
	s31 =	simm.s32 $0x7000  }
0x8: {  	s20 =	simm.s32 $0x7C00;
	s7 =	sand.u32 $0x1, s4;
	s21 =	sshll.u32 s15, $0x1  }
0x9: {  	[smem:$0x7FF] =	sst s3;
	s5 =	sadd.s32 $0x1800, s6;
	s10 =	sadd.s32 $0x40, s1  }
0xa: {  	s11 =	sadd.s32 $0x50, s1;
	s12 =	sadd.s32 $0x60, s1;
	s13 =	sadd.s32 $0x70, s1  }
0xb: {  	p0 =	sgt.u32 s15, $0xC;
	s4 =	sor.u32 s7, s21;
	_ =	strace $0x80000047  }
0xc: {  	s7 =	ssub.s32 $0x2, s7;
	[dreg:$0x6] =	wrdreg s28;
	s8 =	smul.u32 $0x680, s4  }
0xd: {  	s21 =	simm.s32 $0x0;
	s9 =	sshll.u32 s4, $0x9;
	s24 =	smul.u32 $0x30D420, s4  }
0xe: {  	s22 =	sshrl.u32 s7, $0x1;
	s25 =	smul.u32 $0xA84, s4;
	s0 =	sadd.s32 s0, s9  }
0xf: {  	s14 =	ssub.s32 s7, s22;
	s7 =	sadd.s32 $0x10, s1;
	s9 =	sadd.s32 $0x30, s1  }
0x10: {  	s6 =	sadd.s32 s8, s6;
	[dreg:$0x5] =	wrdreg s0;
	s8 =	sadd.s32 $0x20, s1  }
.Ltmp0:
0x11: {  	s0 =	sshrl.u32 s24, $0x3;
	s2 =	sadd.s32 s2, s25;
	(pc) =	sbr.rel .LBB2_1-.Ltmp0, $4  }
0x12: {  	s26 =	smax.u32 s14, $0x1;
	s14 =	simm.s32 $0x8000;
	[dreg:$0x8] =	wrdreg s2  }
0x13: {  	s23 =	sadd.s32 $0x9ECA00, s6;
	s0 =	sadd.s32 s5, s0;
	[dreg:$0xa] =	wrdreg s26  }
0x14: {  	v0 =	vlaneseq.u32;
	s2 =	simm.s32 $0x7800;
	[dreg:$0x7] =	wrdreg s23;
	s0 =	sadd.s32 $0x61000, s0  }
0x15: {  	v1 =	vmul.u32 $0x20, v0;
	s6 =	simm.s32 $0x1;
	[dreg:$0x9] =	wrdreg s0;
	s0 =	simm.s32 $0x7400  }
.LBB2_11:
0x16: {  	s15 =	simm.s32 @!p0 $0x0;
	s16 =	rddreg [dreg:$0x8]  }
0x17: {  	[tilespmem:s15], [sflag:$0x2] =	stream.linear.gather @!p0 [hbm4b:s16+s15], $0x5420, $0x38;
	[tilespmem:$0x13600] =	vst v63  }
0x18: {  	s16 =	simm.s32 @!p0 $0x2  }
0x19: {  	_ =	swait.ge @!p0 [sflag:s16], $0x5420  }
0x1a: {  	[sflag:s16] =	ssyncset.done @!p0 $0x0  }
0x1b: {  	s21 =	rddreg [dreg:$0x9];
	[sflag:s16] =	ssyncadd.s32 @!p0 $0xFFFFABE0  }
0x1c: {  	[hbm4b:s21+s15] =	stream.linear.scatter @!p0 [tilespmem:s15], [sflag:$0x2], $0x5420, $0x38;
	[tilespmem:$0x13600] =	vst v63  }
0x1d: {  	_ =	swait.ge @!p0 [sflag:s16], $0x5420  }
0x1e: {  	s26 =	rddreg [dreg:$0xb]  }
0x1f: {  	s28 =	rddreg [dreg:$0xa];
	s21 =	sadd.s32 $0x1, s26  }
0x20: {  	p1 =	sne.s32 s21, s28  }
.Ltmp1:
0x21: {  	_ = 	snop;
	(pc) =	sbr.rel @!p1 .LBB2_12-.Ltmp1, $3  }
0x22: {  	_ =	sdelay $0x1  }
0x23: {  	[sflag:s16] =	ssyncset.done @!p0 $0x0  }
0x24: {  	[sflag:s16] =	ssyncadd.s32 @!p0 $0xFFFFABE0  }
.LBB2_1:
0x25: {  	s15 =	rddreg [dreg:$0x5];
	s16 =	sand.u32 $0xC000, s3  }
0x26: {  	[dreg:$0xb] =	wrdreg s21;
	s22 =	sand.u32 $0x70, s3;
	s15 =	sadd.s32 s16, s15  }
0x27: {  	s24 =	rddreg [dreg:$0x6];
	s15 =	sadd.s32 s22, s15  }
0x28: {  	[tilespmem:s24], [sflag:$0x2] =	stream.strided.gather [hbm4b:s15+s17], $0x200, s18, s17, $0x38;
	[tilespmem:$0x13600] =	vst v63  }
0x29: {  	_ =	swait.ge [sflag:s19], $0x200  }
0x2a: {  	[sflag:s19] =	ssyncset.done $0x0  }
0x2b: {  	[sflag:s19] =	ssyncadd.s32 $0xFFFFFE00  }
0x2c: {  	v2 =	vld [tilespmem:$0x10000];
	_ =	sdelay $0x1  }
0x2d: {  	s25 =	sand.u32 $0x60, s3  }
0x2e: {  	s26 =	sand.u32 $0x7F80, s3;
	s16 =	sor.u32 $0x10200, s25  }
0x2f: {  	s15 =	sadd.s32 s26, s16  }
0x30: {  	[tilespmem:s15+$0x0] =	vst v2  }
0x31: {  	v2 =	vld [tilespmem:$0x10010];
	_ =	sdelay $0x4  }
0x32: {  	[tilespmem:s15+$0x10] =	vst v2  }
0x33: {  	v2 =	vld [tilespmem:$0x10020];
	_ =	sdelay $0x3  }
0x34: {  	s15 =	simm.s32 $0x11F40  }
0x35: {  	[tilespmem:s15+$0xFFFFE600] =	vst v2  }
0x36: {  	v2 =	vld [tilespmem:$0x10030];
	_ =	sdelay $0x4  }
0x37: {  	[tilespmem:s15+$0xFFFFE610] =	vst v2  }
0x38: {  	v2 =	vld [tilespmem:$0x10040];
	_ =	sdelay $0x1  }
0x39: {  	s28 =	simm.s32 $0x680  }
0x3a: {  	s21 =	sand.u32 $0x7F80, s28  }
0x3b: {  	s21 =	sadd.s32 s21, s16  }
0x3c: {  	[tilespmem:s21+$0x0] =	vst v2  }
0x3d: {  	v2 =	vld [tilespmem:$0x10050];
	_ =	sdelay $0x4  }
0x3e: {  	[tilespmem:s21+$0x10] =	vst v2  }
0x3f: {  	v2 =	vld [tilespmem:$0x10060];
	_ =	sdelay $0x4  }
0x40: {  	[tilespmem:s15+$0xFFFFEC80] =	vst v2  }
0x41: {  	v2 =	vld [tilespmem:$0x10070];
	_ =	sdelay $0x4  }
0x42: {  	[tilespmem:s15+$0xFFFFEC90] =	vst v2  }
0x43: {  	v2 =	vld [tilespmem:$0x10080];
	_ =	sdelay $0x1  }
0x44: {  	s22 =	simm.s32 $0xD00  }
0x45: {  	s21 =	sand.u32 $0x7F80, s22  }
0x46: {  	s21 =	sadd.s32 s21, s16  }
0x47: {  	[tilespmem:s21+$0x0] =	vst v2  }
0x48: {  	v2 =	vld [tilespmem:$0x10090];
	_ =	sdelay $0x4  }
0x49: {  	[tilespmem:s21+$0x10] =	vst v2  }
0x4a: {  	v2 =	vld [tilespmem:$0x100A0];
	_ =	sdelay $0x4  }
0x4b: {  	[tilespmem:s15+$0xFFFFF300] =	vst v2  }
0x4c: {  	v2 =	vld [tilespmem:$0x100B0];
	_ =	sdelay $0x4  }
0x4d: {  	[tilespmem:s15+$0xFFFFF310] =	vst v2  }
0x4e: {  	v2 =	vld [tilespmem:$0x100C0];
	_ =	sdelay $0x1  }
0x4f: {  	s23 =	simm.s32 $0x1380  }
0x50: {  	s21 =	sand.u32 $0x7F80, s23  }
0x51: {  	s21 =	sadd.s32 s21, s16  }
0x52: {  	[tilespmem:s21+$0x0] =	vst v2  }
0x53: {  	v2 =	vld [tilespmem:$0x100D0];
	_ =	sdelay $0x4  }
0x54: {  	[tilespmem:s21+$0x10] =	vst v2  }
0x55: {  	v2 =	vld [tilespmem:$0x100E0];
	_ =	sdelay $0x4  }
0x56: {  	[tilespmem:s15+$0xFFFFF980] =	vst v2  }
0x57: {  	v2 =	vld [tilespmem:$0x100F0];
	_ =	sdelay $0x4  }
0x58: {  	[tilespmem:s15+$0xFFFFF990] =	vst v2  }
0x59: {  	v2 =	vld [tilespmem:$0x10100];
	_ =	sdelay $0x1  }
0x5a: {  	s24 =	simm.s32 $0x1A00  }
0x5b: {  	s21 =	sand.u32 $0x7F80, s24  }
0x5c: {  	s21 =	sadd.s32 s21, s16  }
0x5d: {  	[tilespmem:s21+$0x0] =	vst v2  }
0x5e: {  	v2 =	vld [tilespmem:$0x10110];
	_ =	sdelay $0x4  }
0x5f: {  	[tilespmem:s21+$0x10] =	vst v2  }
0x60: {  	v2 =	vld [tilespmem:$0x10120];
	_ =	sdelay $0x4  }
0x61: {  	[tilespmem:s15+$0x0] =	vst v2  }
0x62: {  	v2 =	vld [tilespmem:$0x10130];
	_ =	sdelay $0x4  }
0x63: {  	[tilespmem:s15+$0x10] =	vst v2  }
0x64: {  	v2 =	vld [tilespmem:$0x10140];
	_ =	sdelay $0x1  }
0x65: {  	s25 =	simm.s32 $0x2080  }
0x66: {  	s21 =	sand.u32 $0x7F80, s25  }
0x67: {  	s21 =	sadd.s32 s21, s16  }
0x68: {  	[tilespmem:s21+$0x0] =	vst v2  }
0x69: {  	v2 =	vld [tilespmem:$0x10150];
	_ =	sdelay $0x4  }
0x6a: {  	[tilespmem:s21+$0x10] =	vst v2  }
0x6b: {  	v2 =	vld [tilespmem:$0x10160];
	_ =	sdelay $0x4  }
0x6c: {  	[tilespmem:s15+$0x680] =	vst v2  }
0x6d: {  	v2 =	vld [tilespmem:$0x10170];
	_ =	sdelay $0x4  }
0x6e: {  	[tilespmem:s15+$0x690] =	vst v2  }
0x6f: {  	v2 =	vld [tilespmem:$0x10180];
	_ =	sdelay $0x1  }
0x70: {  	s26 =	simm.s32 $0x2700  }
0x71: {  	s21 =	sand.u32 $0x7F80, s26  }
0x72: {  	s21 =	sadd.s32 s21, s16  }
0x73: {  	[tilespmem:s21+$0x0] =	vst v2  }
0x74: {  	v2 =	vld [tilespmem:$0x10190];
	_ =	sdelay $0x4  }
0x75: {  	[tilespmem:s21+$0x10] =	vst v2  }
0x76: {  	v2 =	vld [tilespmem:$0x101A0];
	_ =	sdelay $0x4  }
0x77: {  	[tilespmem:s15+$0xD00] =	vst v2  }
0x78: {  	v2 =	vld [tilespmem:$0x101B0];
	_ =	sdelay $0x4  }
0x79: {  	[tilespmem:s15+$0xD10] =	vst v2  }
0x7a: {  	v2 =	vld [tilespmem:$0x101C0];
	_ =	sdelay $0x1  }
0x7b: {  	s28 =	simm.s32 $0x2D80  }
0x7c: {  	s21 =	sand.u32 $0x7F80, s28  }
0x7d: {  	s16 =	sadd.s32 s21, s16  }
0x7e: {  	[tilespmem:s16+$0x0] =	vst v2  }
0x7f: {  	v2 =	vld [tilespmem:$0x101D0];
	_ =	sdelay $0x4  }
0x80: {  	[tilespmem:s16+$0x10] =	vst v2  }
0x81: {  	v2 =	vld [tilespmem:$0x101E0];
	_ =	sdelay $0x3  }
0x82: {  	s22 =	simm.s32 $0x40;
	s24 =	rddreg [dreg:$0x6];
	s21 =	simm.s32 $0x800  }
0x83: {  	s23 =	simm.s32 $0x10;
	s26 =	rddreg [dreg:$0x5];
	s28 =	sand.u32 $0xC000, s21;
	[tilespmem:s15+$0x1380] =	vst v2  }
0x84: {  	s25 =	sand.u32 $0x70, s23;
	s26 =	sadd.s32 s28, s26;
	s16 =	simm.s32 $0x20;
	v2 =	vld [tilespmem:$0x101F0]  }
.LBB2_2:
0x85: {  	_ =	sdelay $0x3  }
0x86: {  	s25 =	sadd.s32 s25, s26;
	[tilespmem:s15+$0x1390] =	vst v2  }
0x87: {  	[tilespmem:s24], [sflag:$0x2] =	stream.strided.gather [hbm4b:s25+s17], $0x200, s18, s17, $0x38;
	[tilespmem:$0x13600] =	vst v63  }
0x88: {  	_ =	swait.ge [sflag:s19], $0x200  }
0x89: {  	[sflag:s19] =	ssyncset.done $0x0  }
0x8a: {  	[sflag:s19] =	ssyncadd.s32 $0xFFFFFE00  }
0x8b: {  	v2 =	vld [tilespmem:$0x10000];
	_ =	sdelay $0x1  }
0x8c: {  	s26 =	sand.u32 $0x60, s16  }
0x8d: {  	s28 =	sand.u32 $0x7F80, s16;
	s25 =	sor.u32 $0x10200, s26  }
0x8e: {  	s26 =	sadd.s32 s28, s25  }
0x8f: {  	[tilespmem:s26+$0x0] =	vst v2  }
0x90: {  	v2 =	vld [tilespmem:$0x10010];
	_ =	sdelay $0x4  }
0x91: {  	[tilespmem:s26+$0x10] =	vst v2  }
0x92: {  	v2 =	vld [tilespmem:$0x10020];
	_ =	sdelay $0x3  }
0x93: {  	s15 =	sadd.s32 $0x20, s15  }
0x94: {  	[tilespmem:s15+$0xFFFFE600] =	vst v2  }
0x95: {  	v2 =	vld [tilespmem:$0x10030];
	_ =	sdelay $0x4  }
0x96: {  	[tilespmem:s15+$0xFFFFE610] =	vst v2  }
0x97: {  	v2 =	vld [tilespmem:$0x10040];
	_ =	sdelay $0x1  }
0x98: {  	s28 =	sadd.s32 $0x680, s16  }
0x99: {  	s26 =	sand.u32 $0x7F80, s28  }
0x9a: {  	s26 =	sadd.s32 s26, s25  }
0x9b: {  	[tilespmem:s26+$0x0] =	vst v2  }
0x9c: {  	v2 =	vld [tilespmem:$0x10050];
	_ =	sdelay $0x4  }
0x9d: {  	[tilespmem:s26+$0x10] =	vst v2  }
0x9e: {  	v2 =	vld [tilespmem:$0x10060];
	_ =	sdelay $0x4  }
0x9f: {  	[tilespmem:s15+$0xFFFFEC80] =	vst v2  }
0xa0: {  	v2 =	vld [tilespmem:$0x10070];
	_ =	sdelay $0x4  }
0xa1: {  	[tilespmem:s15+$0xFFFFEC90] =	vst v2  }
0xa2: {  	v2 =	vld [tilespmem:$0x10080];
	_ =	sdelay $0x1  }
0xa3: {  	s28 =	sadd.s32 $0xD00, s16  }
0xa4: {  	s26 =	sand.u32 $0x7F80, s28  }
0xa5: {  	s26 =	sadd.s32 s26, s25  }
0xa6: {  	[tilespmem:s26+$0x0] =	vst v2  }
0xa7: {  	v2 =	vld [tilespmem:$0x10090];
	_ =	sdelay $0x4  }
0xa8: {  	[tilespmem:s26+$0x10] =	vst v2  }
0xa9: {  	v2 =	vld [tilespmem:$0x100A0];
	_ =	sdelay $0x4  }
0xaa: {  	[tilespmem:s15+$0xFFFFF300] =	vst v2  }
0xab: {  	v2 =	vld [tilespmem:$0x100B0];
	_ =	sdelay $0x4  }
0xac: {  	[tilespmem:s15+$0xFFFFF310] =	vst v2  }
0xad: {  	v2 =	vld [tilespmem:$0x100C0];
	_ =	sdelay $0x1  }
0xae: {  	s28 =	sadd.s32 $0x1380, s16  }
0xaf: {  	s26 =	sand.u32 $0x7F80, s28  }
0xb0: {  	s26 =	sadd.s32 s26, s25  }
0xb1: {  	[tilespmem:s26+$0x0] =	vst v2  }
0xb2: {  	v2 =	vld [tilespmem:$0x100D0];
	_ =	sdelay $0x4  }
0xb3: {  	[tilespmem:s26+$0x10] =	vst v2  }
0xb4: {  	v2 =	vld [tilespmem:$0x100E0];
	_ =	sdelay $0x4  }
0xb5: {  	[tilespmem:s15+$0xFFFFF980] =	vst v2  }
0xb6: {  	v2 =	vld [tilespmem:$0x100F0];
	_ =	sdelay $0x4  }
0xb7: {  	[tilespmem:s15+$0xFFFFF990] =	vst v2  }
0xb8: {  	v2 =	vld [tilespmem:$0x10100];
	_ =	sdelay $0x1  }
0xb9: {  	s28 =	sadd.s32 $0x1A00, s16  }
0xba: {  	s26 =	sand.u32 $0x7F80, s28  }
0xbb: {  	s26 =	sadd.s32 s26, s25  }
0xbc: {  	[tilespmem:s26+$0x0] =	vst v2  }
0xbd: {  	v2 =	vld [tilespmem:$0x10110];
	_ =	sdelay $0x4  }
0xbe: {  	[tilespmem:s26+$0x10] =	vst v2  }
0xbf: {  	v2 =	vld [tilespmem:$0x10120];
	_ =	sdelay $0x4  }
0xc0: {  	[tilespmem:s15+$0x0] =	vst v2  }
0xc1: {  	v2 =	vld [tilespmem:$0x10130];
	_ =	sdelay $0x4  }
0xc2: {  	[tilespmem:s15+$0x10] =	vst v2  }
0xc3: {  	v2 =	vld [tilespmem:$0x10140];
	_ =	sdelay $0x1  }
0xc4: {  	s28 =	sadd.s32 $0x2080, s16  }
0xc5: {  	s26 =	sand.u32 $0x7F80, s28  }
0xc6: {  	s26 =	sadd.s32 s26, s25  }
0xc7: {  	[tilespmem:s26+$0x0] =	vst v2  }
0xc8: {  	v2 =	vld [tilespmem:$0x10150];
	_ =	sdelay $0x4  }
0xc9: {  	[tilespmem:s26+$0x10] =	vst v2  }
0xca: {  	v2 =	vld [tilespmem:$0x10160];
	_ =	sdelay $0x4  }
0xcb: {  	[tilespmem:s15+$0x680] =	vst v2  }
0xcc: {  	v2 =	vld [tilespmem:$0x10170];
	_ =	sdelay $0x4  }
0xcd: {  	[tilespmem:s15+$0x690] =	vst v2  }
0xce: {  	v2 =	vld [tilespmem:$0x10180];
	_ =	sdelay $0x1  }
0xcf: {  	s28 =	sadd.s32 $0x2700, s16  }
0xd0: {  	s26 =	sand.u32 $0x7F80, s28  }
0xd1: {  	s26 =	sadd.s32 s26, s25  }
0xd2: {  	[tilespmem:s26+$0x0] =	vst v2  }
0xd3: {  	v2 =	vld [tilespmem:$0x10190];
	_ =	sdelay $0x4  }
0xd4: {  	[tilespmem:s26+$0x10] =	vst v2  }
0xd5: {  	v2 =	vld [tilespmem:$0x101A0];
	_ =	sdelay $0x4  }
0xd6: {  	[tilespmem:s15+$0xD00] =	vst v2  }
0xd7: {  	v2 =	vld [tilespmem:$0x101B0];
	_ =	sdelay $0x4  }
0xd8: {  	[tilespmem:s15+$0xD10] =	vst v2  }
0xd9: {  	v2 =	vld [tilespmem:$0x101C0];
	_ =	sdelay $0x1  }
0xda: {  	s28 =	sadd.s32 $0x2D80, s16  }
0xdb: {  	s24 =	smov.u32 s22;
	s28 =	sand.u32 $0x7F80, s28  }
0xdc: {  	s16 =	smov.u32 s24;
	s24 =	sadd.s32 s28, s25  }
0xdd: {  	[tilespmem:s24+$0x0] =	vst v2  }
0xde: {  	v2 =	vld [tilespmem:$0x101D0];
	_ =	sdelay $0x4  }
0xdf: {  	[tilespmem:s24+$0x10] =	vst v2  }
0xe0: {  	v2 =	vld [tilespmem:$0x101E0]  }
0xe1: {  	p1 =	sne.s32 s22, $0x320  }
.Ltmp2:
0xe2: {  	_ = 	snop;
	(pc) =	sbr.rel @p1 .LBB2_2-.Ltmp2, $4  }
0xe3: {  	_ = 	snop  }
0xe4: {  	s21 =	sadd.s32 $0x800, s21;
	s23 =	sadd.s32 $0x10, s23  }
0xe5: {  	s22 =	sadd.s32 $0x20, s22;
	s28 =	sand.u32 $0xC000, s21;
	s26 =	rddreg [dreg:$0x5];
	[tilespmem:s15+$0x1380] =	vst v2  }
0xe6: {  	s25 =	sand.u32 $0x70, s23;
	s26 =	sadd.s32 s28, s26;
	s24 =	rddreg [dreg:$0x6];
	v2 =	vld [tilespmem:$0x101F0]  }
0xe7: {  	_ =	sdelay $0x3  }
0xe8: {  	s21 =	sadd.s32 s25, s26;
	[tilespmem:s15+$0x1390] =	vst v2  }
0xe9: {  	[tilespmem:s24], [sflag:$0x2] =	stream.strided.gather [hbm4b:s21+s17], $0x200, s18, s17, $0x38;
	[tilespmem:$0x13600] =	vst v63  }
0xea: {  	_ =	swait.ge [sflag:s19], $0x200  }
0xeb: {  	[sflag:s19] =	ssyncset.done $0x0  }
0xec: {  	[sflag:s19] =	ssyncadd.s32 $0xFFFFFE00  }
0xed: {  	v2 =	vld [tilespmem:$0x10000];
	_ =	sdelay $0x1  }
0xee: {  	s25 =	sand.u32 $0x60, s16  }
0xef: {  	s22 =	sand.u32 $0x7F80, s16;
	s21 =	sor.u32 $0x10200, s25  }
0xf0: {  	s22 =	sadd.s32 s22, s21  }
0xf1: {  	[tilespmem:s22+$0x0] =	vst v2  }
0xf2: {  	v2 =	vld [tilespmem:$0x10010];
	_ =	sdelay $0x4  }
0xf3: {  	[tilespmem:s22+$0x10] =	vst v2  }
0xf4: {  	v2 =	vld [tilespmem:$0x10020];
	_ =	sdelay $0x3  }
0xf5: {  	s15 =	sadd.s32 $0x20, s15  }
0xf6: {  	[tilespmem:s15+$0xFFFFE600] =	vst v2  }
0xf7: {  	v2 =	vld [tilespmem:$0x10030];
	_ =	sdelay $0x4  }
0xf8: {  	[tilespmem:s15+$0xFFFFE610] =	vst v2  }
0xf9: {  	v2 =	vld [tilespmem:$0x10040];
	_ =	sdelay $0x1  }
0xfa: {  	s26 =	sadd.s32 $0x680, s16  }
0xfb: {  	s22 =	sand.u32 $0x7F80, s26  }
0xfc: {  	s22 =	sadd.s32 s22, s21  }
0xfd: {  	[tilespmem:s22+$0x0] =	vst v2  }
0xfe: {  	v2 =	vld [tilespmem:$0x10050];
	_ =	sdelay $0x4  }
0xff: {  	[tilespmem:s22+$0x10] =	vst v2  }
0x100: {  	v2 =	vld [tilespmem:$0x10060];
	_ =	sdelay $0x4  }
0x101: {  	[tilespmem:s15+$0xFFFFEC80] =	vst v2  }
0x102: {  	v2 =	vld [tilespmem:$0x10070];
	_ =	sdelay $0x4  }
0x103: {  	[tilespmem:s15+$0xFFFFEC90] =	vst v2  }
0x104: {  	v2 =	vld [tilespmem:$0x10080];
	_ =	sdelay $0x1  }
0x105: {  	s23 =	sadd.s32 $0xD00, s16  }
0x106: {  	s22 =	sand.u32 $0x7F80, s23  }
0x107: {  	s22 =	sadd.s32 s22, s21  }
0x108: {  	[tilespmem:s22+$0x0] =	vst v2  }
0x109: {  	v2 =	vld [tilespmem:$0x10090];
	_ =	sdelay $0x4  }
0x10a: {  	[tilespmem:s22+$0x10] =	vst v2  }
0x10b: {  	v2 =	vld [tilespmem:$0x100A0];
	_ =	sdelay $0x4  }
0x10c: {  	[tilespmem:s15+$0xFFFFF300] =	vst v2  }
0x10d: {  	v2 =	vld [tilespmem:$0x100B0];
	_ =	sdelay $0x4  }
0x10e: {  	[tilespmem:s15+$0xFFFFF310] =	vst v2  }
0x10f: {  	v2 =	vld [tilespmem:$0x100C0];
	_ =	sdelay $0x1  }
0x110: {  	s24 =	sadd.s32 $0x1380, s16  }
0x111: {  	s22 =	sand.u32 $0x7F80, s24  }
0x112: {  	s22 =	sadd.s32 s22, s21  }
0x113: {  	[tilespmem:s22+$0x0] =	vst v2  }
0x114: {  	v2 =	vld [tilespmem:$0x100D0];
	_ =	sdelay $0x4  }
0x115: {  	[tilespmem:s22+$0x10] =	vst v2  }
0x116: {  	v2 =	vld [tilespmem:$0x100E0];
	_ =	sdelay $0x4  }
0x117: {  	[tilespmem:s15+$0xFFFFF980] =	vst v2  }
0x118: {  	v2 =	vld [tilespmem:$0x100F0];
	_ =	sdelay $0x4  }
0x119: {  	[tilespmem:s15+$0xFFFFF990] =	vst v2  }
0x11a: {  	v2 =	vld [tilespmem:$0x10100];
	_ =	sdelay $0x1  }
0x11b: {  	s25 =	sadd.s32 $0x1A00, s16  }
0x11c: {  	s22 =	sand.u32 $0x7F80, s25  }
0x11d: {  	s22 =	sadd.s32 s22, s21  }
0x11e: {  	[tilespmem:s22+$0x0] =	vst v2  }
0x11f: {  	v2 =	vld [tilespmem:$0x10110];
	_ =	sdelay $0x4  }
0x120: {  	[tilespmem:s22+$0x10] =	vst v2  }
0x121: {  	v2 =	vld [tilespmem:$0x10120];
	_ =	sdelay $0x4  }
0x122: {  	[tilespmem:s15+$0x0] =	vst v2  }
0x123: {  	v2 =	vld [tilespmem:$0x10130];
	_ =	sdelay $0x4  }
0x124: {  	[tilespmem:s15+$0x10] =	vst v2  }
0x125: {  	v2 =	vld [tilespmem:$0x10140];
	_ =	sdelay $0x1  }
0x126: {  	s26 =	sadd.s32 $0x2080, s16  }
0x127: {  	s22 =	sand.u32 $0x7F80, s26  }
0x128: {  	s22 =	sadd.s32 s22, s21  }
0x129: {  	[tilespmem:s22+$0x0] =	vst v2  }
0x12a: {  	v2 =	vld [tilespmem:$0x10150];
	_ =	sdelay $0x4  }
0x12b: {  	[tilespmem:s22+$0x10] =	vst v2  }
0x12c: {  	v2 =	vld [tilespmem:$0x10160];
	_ =	sdelay $0x4  }
0x12d: {  	[tilespmem:s15+$0x680] =	vst v2  }
0x12e: {  	v2 =	vld [tilespmem:$0x10170];
	_ =	sdelay $0x4  }
0x12f: {  	[tilespmem:s15+$0x690] =	vst v2  }
0x130: {  	v2 =	vld [tilespmem:$0x10180];
	_ =	sdelay $0x1  }
0x131: {  	s23 =	sadd.s32 $0x2700, s16  }
0x132: {  	s22 =	sand.u32 $0x7F80, s23  }
0x133: {  	s22 =	sadd.s32 s22, s21  }
0x134: {  	[tilespmem:s22+$0x0] =	vst v2  }
0x135: {  	v2 =	vld [tilespmem:$0x10190];
	_ =	sdelay $0x4  }
0x136: {  	[tilespmem:s22+$0x10] =	vst v2  }
0x137: {  	v2 =	vld [tilespmem:$0x101A0];
	_ =	sdelay $0x4  }
0x138: {  	[tilespmem:s15+$0xD00] =	vst v2  }
0x139: {  	v2 =	vld [tilespmem:$0x101B0];
	_ =	sdelay $0x4  }
0x13a: {  	[tilespmem:s15+$0xD10] =	vst v2  }
0x13b: {  	v2 =	vld [tilespmem:$0x101C0];
	_ =	sdelay $0x1  }
0x13c: {  	s24 =	sadd.s32 $0x2D80, s16  }
0x13d: {  	s16 =	sand.u32 $0x7F80, s24  }
0x13e: {  	s16 =	sadd.s32 s16, s21  }
0x13f: {  	[tilespmem:s16+$0x0] =	vst v2  }
0x140: {  	v2 =	vld [tilespmem:$0x101D0];
	_ =	sdelay $0x4  }
0x141: {  	[tilespmem:s16+$0x10] =	vst v2  }
0x142: {  	v2 =	vld [tilespmem:$0x101E0];
	_ =	sdelay $0x4  }
0x143: {  	[tilespmem:s15+$0x1380] =	vst v2  }
0x144: {  	v2 =	vld [tilespmem:$0x101F0];
	_ =	sdelay $0x3  }
0x145: {  	s25 =	rddreg [dreg:$0x7]  }
.Ltmp3:
0x146: {  	s26 =	simm.s32 $0x10200;
	[tilespmem:s15+$0x1390] =	vst v2;
	s15 =	simm.s32 $0x0;
	(pc) =	sbr.rel .LBB2_4-.Ltmp3, $4  }
0x147: {  	[hbm4b:s25+s15] =	stream.linear.scatter [tilespmem:s26], [sflag:$0x2], $0x3400, $0x38;
	[tilespmem:$0x13600] =	vst v63  }
0x148: {  	_ =	swait.ge [sflag:s19], $0x3400  }
0x149: {  	[sflag:s19] =	ssyncset.done $0x0  }
0x14a: {  	s28 =	simm.s32 $0x800;
	[sflag:s19] =	ssyncadd.s32 $0xFFFFCC00  }
.LBB2_10:
0x14b: {  	s15 =	sadd.s32 $0x1, s15  }
0x14c: {  	p1 =	sne.s32 s15, $0x4F  }
.Ltmp4:
0x14d: {  	_ = 	snop;
	(pc) =	sbr.rel @!p1 .LBB2_11-.Ltmp4, $1  }
0x14e: {  	_ =	sdelay $0x3  }
.LBB2_4:
0x14f: {  	s16 =	sshll.u32 s15, $0x5  }
0x150: {  	s21 =	sor.u32 s4, s16  }
0x151: {  	p1 =	sgt.u32 s21, $0x9D9  }
.Ltmp5:
0x152: {  	_ = 	snop;
	(pc) =	sbr.rel @p1 .LBB2_10-.Ltmp5, $1  }
0x153: {  	_ =	sdelay $0x3  }
0x154: {  	s16 =	smul.u32 $0x51D1, s21;
	_ =	sdelay $0x1  }
0x155: {  	s16 =	sshrl.u32 s16, $0x10  }
0x156: {  	s22 =	ssub.s32 s21, s16  }
0x157: {  	s22 =	sand.u32 $0xFFFE, s22  }
0x158: {  	s22 =	sshrl.u32 s22, $0x1  }
0x159: {  	s16 =	sadd.s32 s16, s22  }
0x15a: {  	s16 =	sand.u32 $0xFFC0, s16  }
0x15b: {  	s16 =	sshrl.u32 s16, $0x6  }
0x15c: {  	s23 =	smul.u32 $0x61, s16;
	_ =	sdelay $0x1  }
0x15d: {  	s24 =	ssub.s32 s21, s23  }
0x15e: {  	s25 =	smul.u32 $0x30E000, s16;
	s21 =	sand.u32 $0xFFFF, s24  }
0x15f: {  	s23 =	sshll.u32 s21, $0xD  }
0x160: {  	s22 =	sadd.s32 s23, s25  }
0x161: {  	s23 =	sshrl.u32 s22, $0x3  }
0x162: {  	s22 =	simm.s32 $0x0;
	s24 =	sadd.s32 s1, s23  }
0x163: {  	[tilespmem:s22], [sflag:$0x1] =	stream.strided.gather [hbm4b:s24+s17], $0x400, s18, s17, $0x38;
	[tilespmem:$0x13600] =	vst v63  }
0x164: {  	s26 =	sadd.s32 s23, s7  }
0x165: {  	[tilespmem:s18], [sflag:$0x1] =	stream.strided.gather [hbm4b:s26+s17], $0x400, s18, s17, $0x38;
	[tilespmem:$0x13600] =	vst v63  }
0x166: {  	s25 =	sadd.s32 s23, s8  }
0x167: {  	[tilespmem:s28], [sflag:$0x1] =	stream.strided.gather [hbm4b:s25+s17], $0x400, s18, s17, $0x38;
	[tilespmem:$0x13600] =	vst v63  }
0x168: {  	s26 =	sadd.s32 s23, s9;
	s25 =	simm.s32 $0xC00  }
0x169: {  	[tilespmem:s25], [sflag:$0x1] =	stream.strided.gather [hbm4b:s26+s17], $0x400, s18, s17, $0x38;
	[tilespmem:$0x13600] =	vst v63  }
0x16a: {  	s25 =	sadd.s32 s23, s10;
	s26 =	simm.s32 $0x1000  }
0x16b: {  	[tilespmem:s26], [sflag:$0x1] =	stream.strided.gather [hbm4b:s25+s17], $0x400, s18, s17, $0x38;
	[tilespmem:$0x13600] =	vst v63  }
0x16c: {  	s25 =	sadd.s32 s23, s11;
	s26 =	simm.s32 $0x1400  }
0x16d: {  	[tilespmem:s26], [sflag:$0x1] =	stream.strided.gather [hbm4b:s25+s17], $0x400, s18, s17, $0x38;
	[tilespmem:$0x13600] =	vst v63  }
0x16e: {  	s25 =	sadd.s32 s23, s12;
	s26 =	simm.s32 $0x1800  }
0x16f: {  	[tilespmem:s26], [sflag:$0x1] =	stream.strided.gather [hbm4b:s25+s17], $0x400, s18, s17, $0x38;
	[tilespmem:$0x13600] =	vst v63  }
0x170: {  	s24 =	sadd.s32 $0x18700, s23;
	s25 =	sadd.s32 s23, s13;
	s26 =	simm.s32 $0x1C00  }
0x171: {  	[tilespmem:s26], [sflag:$0x1] =	stream.strided.gather [hbm4b:s25+s17], $0x400, s18, s17, $0x38;
	[tilespmem:$0x13600] =	vst v63  }
0x172: {  	s25 =	sadd.s32 s1, s24;
	s26 =	simm.s32 $0x2000  }
0x173: {  	[tilespmem:s26], [sflag:$0x1] =	stream.strided.gather [hbm4b:s25+s17], $0x400, s18, s17, $0x38;
	[tilespmem:$0x13600] =	vst v63  }
0x174: {  	s25 =	sadd.s32 s24, s7;
	s26 =	simm.s32 $0x2400  }
0x175: {  	[tilespmem:s26], [sflag:$0x1] =	stream.strided.gather [hbm4b:s25+s17], $0x400, s18, s17, $0x38;
	[tilespmem:$0x13600] =	vst v63  }
0x176: {  	s25 =	sadd.s32 s24, s8;
	s26 =	simm.s32 $0x2800  }
0x177: {  	[tilespmem:s26], [sflag:$0x1] =	stream.strided.gather [hbm4b:s25+s17], $0x400, s18, s17, $0x38;
	[tilespmem:$0x13600] =	vst v63  }
0x178: {  	s25 =	sadd.s32 s24, s9;
	s26 =	simm.s32 $0x2C00  }
0x179: {  	[tilespmem:s26], [sflag:$0x1] =	stream.strided.gather [hbm4b:s25+s17], $0x400, s18, s17, $0x38;
	[tilespmem:$0x13600] =	vst v63  }
0x17a: {  	s25 =	sadd.s32 s24, s10;
	s26 =	simm.s32 $0x3000  }
0x17b: {  	[tilespmem:s26], [sflag:$0x1] =	stream.strided.gather [hbm4b:s25+s17], $0x400, s18, s17, $0x38;
	[tilespmem:$0x13600] =	vst v63  }
0x17c: {  	s25 =	sadd.s32 s24, s11;
	s26 =	simm.s32 $0x3400  }
0x17d: {  	[tilespmem:s26], [sflag:$0x1] =	stream.strided.gather [hbm4b:s25+s17], $0x400, s18, s17, $0x38;
	[tilespmem:$0x13600] =	vst v63  }
0x17e: {  	s25 =	sadd.s32 s24, s12;
	s26 =	simm.s32 $0x3800  }
0x17f: {  	[tilespmem:s26], [sflag:$0x1] =	stream.strided.gather [hbm4b:s25+s17], $0x400, s18, s17, $0x38;
	[tilespmem:$0x13600] =	vst v63  }
0x180: {  	s24 =	sadd.s32 s24, s13;
	s26 =	simm.s32 $0x3C00  }
0x181: {  	[tilespmem:s26], [sflag:$0x1] =	stream.strided.gather [hbm4b:s24+s17], $0x400, s18, s17, $0x38;
	[tilespmem:$0x13600] =	vst v63  }
0x182: {  	s24 =	sadd.s32 $0x30E00, s23  }
0x183: {  	s26 =	simm.s32 $0x4000;
	s25 =	sadd.s32 s1, s24  }
0x184: {  	[tilespmem:s26], [sflag:$0x1] =	stream.strided.gather [hbm4b:s25+s17], $0x400, s18, s17, $0x38;
	[tilespmem:$0x13600] =	vst v63  }
0x185: {  	s25 =	sadd.s32 s24, s7;
	s26 =	simm.s32 $0x4400  }
0x186: {  	[tilespmem:s26], [sflag:$0x1] =	stream.strided.gather [hbm4b:s25+s17], $0x400, s18, s17, $0x38;
	[tilespmem:$0x13600] =	vst v63  }
0x187: {  	s25 =	sadd.s32 s24, s8;
	s26 =	simm.s32 $0x4800  }
0x188: {  	[tilespmem:s26], [sflag:$0x1] =	stream.strided.gather [hbm4b:s25+s17], $0x400, s18, s17, $0x38;
	[tilespmem:$0x13600] =	vst v63  }
0x189: {  	s25 =	sadd.s32 s24, s9;
	s26 =	simm.s32 $0x4C00  }
0x18a: {  	[tilespmem:s26], [sflag:$0x1] =	stream.strided.gather [hbm4b:s25+s17], $0x400, s18, s17, $0x38;
	[tilespmem:$0x13600] =	vst v63  }
0x18b: {  	s25 =	sadd.s32 s24, s10;
	s26 =	simm.s32 $0x5000  }
0x18c: {  	[tilespmem:s26], [sflag:$0x1] =	stream.strided.gather [hbm4b:s25+s17], $0x400, s18, s17, $0x38;
	[tilespmem:$0x13600] =	vst v63  }
0x18d: {  	s25 =	sadd.s32 s24, s11;
	s26 =	simm.s32 $0x5400  }
0x18e: {  	[tilespmem:s26], [sflag:$0x1] =	stream.strided.gather [hbm4b:s25+s17], $0x400, s18, s17, $0x38;
	[tilespmem:$0x13600] =	vst v63  }
0x18f: {  	s25 =	sadd.s32 s24, s12;
	s26 =	simm.s32 $0x5800  }
0x190: {  	[tilespmem:s26], [sflag:$0x1] =	stream.strided.gather [hbm4b:s25+s17], $0x400, s18, s17, $0x38;
	[tilespmem:$0x13600] =	vst v63  }
0x191: {  	s23 =	sadd.s32 $0x49500, s23;
	s24 =	sadd.s32 s24, s13;
	s26 =	simm.s32 $0x5C00  }
0x192: {  	[tilespmem:s26], [sflag:$0x1] =	stream.strided.gather [hbm4b:s24+s17], $0x400, s18, s17, $0x38;
	[tilespmem:$0x13600] =	vst v63  }
0x193: {  	s25 =	sadd.s32 s1, s23;
	s26 =	simm.s32 $0x6000  }
0x194: {  	[tilespmem:s26], [sflag:$0x1] =	stream.strided.gather [hbm4b:s25+s17], $0x400, s18, s17, $0x38;
	[tilespmem:$0x13600] =	vst v63  }
0x195: {  	s25 =	sadd.s32 s23, s7;
	s26 =	simm.s32 $0x6400  }
0x196: {  	[tilespmem:s26], [sflag:$0x1] =	stream.strided.gather [hbm4b:s25+s17], $0x400, s18, s17, $0x38;
	[tilespmem:$0x13600] =	vst v63  }
0x197: {  	s26 =	sadd.s32 s23, s8  }
0x198: {  	[tilespmem:s29], [sflag:$0x1] =	stream.strided.gather [hbm4b:s26+s17], $0x400, s18, s17, $0x38;
	[tilespmem:$0x13600] =	vst v63  }
0x199: {  	s25 =	sadd.s32 s23, s9  }
0x19a: {  	[tilespmem:s30], [sflag:$0x1] =	stream.strided.gather [hbm4b:s25+s17], $0x400, s18, s17, $0x38;
	[tilespmem:$0x13600] =	vst v63  }
0x19b: {  	s26 =	sadd.s32 s23, s10  }
0x19c: {  	[tilespmem:s31], [sflag:$0x1] =	stream.strided.gather [hbm4b:s26+s17], $0x400, s18, s17, $0x38;
	[tilespmem:$0x13600] =	vst v63  }
0x19d: {  	s25 =	sadd.s32 s23, s11  }
0x19e: {  	[tilespmem:s0], [sflag:$0x1] =	stream.strided.gather [hbm4b:s25+s17], $0x400, s18, s17, $0x38;
	[tilespmem:$0x13600] =	vst v63  }
0x19f: {  	s26 =	sadd.s32 s23, s12  }
0x1a0: {  	[tilespmem:s2], [sflag:$0x1] =	stream.strided.gather [hbm4b:s26+s17], $0x400, s18, s17, $0x38;
	[tilespmem:$0x13600] =	vst v63  }
0x1a1: {  	s23 =	sadd.s32 s23, s13  }
0x1a2: {  	[tilespmem:s20], [sflag:$0x1] =	stream.strided.gather [hbm4b:s23+s17], $0x400, s18, s17, $0x38;
	[tilespmem:$0x13600] =	vst v63  }
0x1a3: {  	_ =	swait.ge [sflag:s6], $0x400  }
0x1a4: {  	[sflag:s6] =	ssyncset.done $0x0  }
0x1a5: {  	[sflag:s6] =	ssyncadd.s32 $0xFFFFFC00  }
0x1a6: {  	_ =	swait.ge [sflag:s6], $0x400  }
0x1a7: {  	[sflag:s6] =	ssyncset.done $0x0  }
0x1a8: {  	[sflag:s6] =	ssyncadd.s32 $0xFFFFFC00  }
0x1a9: {  	_ =	swait.ge [sflag:s6], $0x400  }
0x1aa: {  	[sflag:s6] =	ssyncset.done $0x0  }
0x1ab: {  	[sflag:s6] =	ssyncadd.s32 $0xFFFFFC00  }
0x1ac: {  	_ =	swait.ge [sflag:s6], $0x400  }
0x1ad: {  	[sflag:s6] =	ssyncset.done $0x0  }
0x1ae: {  	[sflag:s6] =	ssyncadd.s32 $0xFFFFFC00  }
0x1af: {  	_ =	swait.ge [sflag:s6], $0x400  }
0x1b0: {  	[sflag:s6] =	ssyncset.done $0x0  }
0x1b1: {  	[sflag:s6] =	ssyncadd.s32 $0xFFFFFC00  }
0x1b2: {  	_ =	swait.ge [sflag:s6], $0x400  }
0x1b3: {  	[sflag:s6] =	ssyncset.done $0x0  }
0x1b4: {  	[sflag:s6] =	ssyncadd.s32 $0xFFFFFC00  }
0x1b5: {  	_ =	swait.ge [sflag:s6], $0x400  }
0x1b6: {  	[sflag:s6] =	ssyncset.done $0x0  }
0x1b7: {  	[sflag:s6] =	ssyncadd.s32 $0xFFFFFC00  }
0x1b8: {  	_ =	swait.ge [sflag:s6], $0x400  }
0x1b9: {  	[sflag:s6] =	ssyncset.done $0x0  }
0x1ba: {  	[sflag:s6] =	ssyncadd.s32 $0xFFFFFC00  }
0x1bb: {  	_ =	swait.ge [sflag:s6], $0x400  }
0x1bc: {  	[sflag:s6] =	ssyncset.done $0x0  }
0x1bd: {  	[sflag:s6] =	ssyncadd.s32 $0xFFFFFC00  }
0x1be: {  	_ =	swait.ge [sflag:s6], $0x400  }
0x1bf: {  	[sflag:s6] =	ssyncset.done $0x0  }
0x1c0: {  	[sflag:s6] =	ssyncadd.s32 $0xFFFFFC00  }
0x1c1: {  	_ =	swait.ge [sflag:s6], $0x400  }
0x1c2: {  	[sflag:s6] =	ssyncset.done $0x0  }
0x1c3: {  	[sflag:s6] =	ssyncadd.s32 $0xFFFFFC00  }
0x1c4: {  	_ =	swait.ge [sflag:s6], $0x400  }
0x1c5: {  	[sflag:s6] =	ssyncset.done $0x0  }
0x1c6: {  	[sflag:s6] =	ssyncadd.s32 $0xFFFFFC00  }
0x1c7: {  	_ =	swait.ge [sflag:s6], $0x400  }
0x1c8: {  	[sflag:s6] =	ssyncset.done $0x0  }
0x1c9: {  	[sflag:s6] =	ssyncadd.s32 $0xFFFFFC00  }
0x1ca: {  	_ =	swait.ge [sflag:s6], $0x400  }
0x1cb: {  	[sflag:s6] =	ssyncset.done $0x0  }
0x1cc: {  	[sflag:s6] =	ssyncadd.s32 $0xFFFFFC00  }
0x1cd: {  	_ =	swait.ge [sflag:s6], $0x400  }
0x1ce: {  	[sflag:s6] =	ssyncset.done $0x0  }
0x1cf: {  	[sflag:s6] =	ssyncadd.s32 $0xFFFFFC00  }
0x1d0: {  	_ =	swait.ge [sflag:s6], $0x400  }
0x1d1: {  	[sflag:s6] =	ssyncset.done $0x0  }
0x1d2: {  	[sflag:s6] =	ssyncadd.s32 $0xFFFFFC00  }
0x1d3: {  	_ =	swait.ge [sflag:s6], $0x400  }
0x1d4: {  	[sflag:s6] =	ssyncset.done $0x0  }
0x1d5: {  	[sflag:s6] =	ssyncadd.s32 $0xFFFFFC00  }
0x1d6: {  	_ =	swait.ge [sflag:s6], $0x400  }
0x1d7: {  	[sflag:s6] =	ssyncset.done $0x0  }
0x1d8: {  	[sflag:s6] =	ssyncadd.s32 $0xFFFFFC00  }
0x1d9: {  	_ =	swait.ge [sflag:s6], $0x400  }
0x1da: {  	[sflag:s6] =	ssyncset.done $0x0  }
0x1db: {  	[sflag:s6] =	ssyncadd.s32 $0xFFFFFC00  }
0x1dc: {  	_ =	swait.ge [sflag:s6], $0x400  }
0x1dd: {  	[sflag:s6] =	ssyncset.done $0x0  }
0x1de: {  	[sflag:s6] =	ssyncadd.s32 $0xFFFFFC00  }
0x1df: {  	_ =	swait.ge [sflag:s6], $0x400  }
0x1e0: {  	[sflag:s6] =	ssyncset.done $0x0  }
0x1e1: {  	[sflag:s6] =	ssyncadd.s32 $0xFFFFFC00  }
0x1e2: {  	_ =	swait.ge [sflag:s6], $0x400  }
0x1e3: {  	[sflag:s6] =	ssyncset.done $0x0  }
0x1e4: {  	[sflag:s6] =	ssyncadd.s32 $0xFFFFFC00  }
0x1e5: {  	_ =	swait.ge [sflag:s6], $0x400  }
0x1e6: {  	[sflag:s6] =	ssyncset.done $0x0  }
0x1e7: {  	[sflag:s6] =	ssyncadd.s32 $0xFFFFFC00  }
0x1e8: {  	_ =	swait.ge [sflag:s6], $0x400  }
0x1e9: {  	[sflag:s6] =	ssyncset.done $0x0  }
0x1ea: {  	[sflag:s6] =	ssyncadd.s32 $0xFFFFFC00  }
0x1eb: {  	_ =	swait.ge [sflag:s6], $0x400  }
0x1ec: {  	[sflag:s6] =	ssyncset.done $0x0  }
0x1ed: {  	[sflag:s6] =	ssyncadd.s32 $0xFFFFFC00  }
0x1ee: {  	_ =	swait.ge [sflag:s6], $0x400  }
0x1ef: {  	[sflag:s6] =	ssyncset.done $0x0  }
0x1f0: {  	[sflag:s6] =	ssyncadd.s32 $0xFFFFFC00  }
0x1f1: {  	_ =	swait.ge [sflag:s6], $0x400  }
0x1f2: {  	[sflag:s6] =	ssyncset.done $0x0  }
0x1f3: {  	[sflag:s6] =	ssyncadd.s32 $0xFFFFFC00  }
0x1f4: {  	_ =	swait.ge [sflag:s6], $0x400  }
0x1f5: {  	[sflag:s6] =	ssyncset.done $0x0  }
0x1f6: {  	[sflag:s6] =	ssyncadd.s32 $0xFFFFFC00  }
0x1f7: {  	_ =	swait.ge [sflag:s6], $0x400  }
0x1f8: {  	[sflag:s6] =	ssyncset.done $0x0  }
0x1f9: {  	[sflag:s6] =	ssyncadd.s32 $0xFFFFFC00  }
0x1fa: {  	_ =	swait.ge [sflag:s6], $0x400  }
0x1fb: {  	[sflag:s6] =	ssyncset.done $0x0  }
0x1fc: {  	[sflag:s6] =	ssyncadd.s32 $0xFFFFFC00  }
0x1fd: {  	_ =	swait.ge [sflag:s6], $0x400  }
0x1fe: {  	[sflag:s6] =	ssyncset.done $0x0  }
0x1ff: {  	[sflag:s6] =	ssyncadd.s32 $0xFFFFFC00  }
0x200: {  	_ =	swait.ge [sflag:s6], $0x400  }
0x201: {  	[sflag:s6] =	ssyncset.done $0x0  }
0x202: {  	[sflag:s6] =	ssyncadd.s32 $0xFFFFFC00  }
.LBB2_6:
0x203: {  	v2 =	vadd.s32 s22, v0  }
0x204: {  	v3 =	vand.u32 $0x1F, v2  }
0x205: {  	v2 =	vshll.u32 v3, $0xA  }
0x206: {  	s23 =	simm.s32 $0x0;
	v2 =	vor.u32 v0, v2  }
0x207: {  	v4 =	vor.u32 s23, v2;
	_ =	sdelay $0x3  }
0x208: {  	s25 =	simm.s32 $0x0;
	v3 =	vor.u32 v1, v3  }
0x209: {  	s26 =	simm.s32 $0x10;
	v5 =	vor.u32 s25, v3;
	v4 =	vld.idx.msk [tilespmem:v4+s3+$0x0], $0xffff  }
0x20a: {  	v6 =	vor.u32 s26, v2;
	_ =	sdelay $0x3  }
0x20b: {  	s24 =	simm.s32 $0x200;
	[tilespmem:v5+s14+$0x0] =	vst.idx.msk $0xffff, v4  }
0x20c: {  	s25 =	simm.s32 $0x20;
	v5 =	vor.u32 s24, v3;
	v4 =	vld.idx.msk [tilespmem:v6+s3+$0x0], $0xffff  }
0x20d: {  	v6 =	vor.u32 s25, v2;
	_ =	sdelay $0x3  }
0x20e: {  	s26 =	simm.s32 $0x400;
	[tilespmem:v5+s14+$0x0] =	vst.idx.msk $0xffff, v4  }
0x20f: {  	s24 =	simm.s32 $0x30;
	v5 =	vor.u32 s26, v3;
	v4 =	vld.idx.msk [tilespmem:v6+s3+$0x0], $0xffff  }
0x210: {  	v6 =	vor.u32 s24, v2;
	_ =	sdelay $0x3  }
0x211: {  	[tilespmem:v5+s14+$0x0] =	vst.idx.msk $0xffff, v4  }
0x212: {  	s23 =	simm.s32 $0x600;
	s25 =	simm.s32 $0x70;
	s24 =	simm.s32 $0x0;
	v4 =	vld.idx.msk [tilespmem:v6+s3+$0x0], $0xffff  }
.LBB2_7:
0x213: {  	s26 =	sadd.s32 $0xFFFFFFD0, s25;
	s24 =	sadd.s32 $0x4, s24;
	v5 =	vor.u32 s23, v3  }
0x214: {  	v6 =	vor.u32 s26, v2;
	p1 =	slt.u32 s24, $0x3C;
	_ =	sdelay $0x3  }
0x215: {  	s23 =	sadd.s32 $0x800, s23;
	[tilespmem:v5+s14+$0x0] =	vst.idx.msk $0xffff, v4  }
0x216: {  	s26 =	sadd.s32 $0xFFFFFA00, s23;
	v4 =	vld.idx.msk [tilespmem:v6+s3+$0x0], $0xffff  }
0x217: {  	v5 =	vor.u32 s26, v3;
	s26 =	sadd.s32 $0xFFFFFFE0, s25  }
0x218: {  	v6 =	vor.u32 s26, v2;
	_ =	sdelay $0x3  }
0x219: {  	[tilespmem:v5+s14+$0x0] =	vst.idx.msk $0xffff, v4  }
0x21a: {  	s26 =	sadd.s32 $0xFFFFFC00, s23;
	v4 =	vld.idx.msk [tilespmem:v6+s3+$0x0], $0xffff  }
0x21b: {  	v5 =	vor.u32 s26, v3;
	s26 =	sadd.s32 $0xFFFFFFF0, s25  }
0x21c: {  	v6 =	vor.u32 s26, v2;
	_ =	sdelay $0x3  }
0x21d: {  	[tilespmem:v5+s14+$0x0] =	vst.idx.msk $0xffff, v4  }
0x21e: {  	s26 =	sadd.s32 $0xFFFFFE00, s23;
	v4 =	vld.idx.msk [tilespmem:v6+s3+$0x0], $0xffff  }
0x21f: {  	v5 =	vor.u32 s26, v3  }
0x220: {  	v6 =	vor.u32 s25, v2  }
.Ltmp6:
0x221: {  	(pc) =	sbr.rel @p1 .LBB2_7-.Ltmp6, $3  }
0x222: {  	_ =	sdelay $0x1  }
0x223: {  	[tilespmem:v5+s14+$0x0] =	vst.idx.msk $0xffff, v4  }
0x224: {  	s25 =	sadd.s32 $0x40, s25;
	v4 =	vld.idx.msk [tilespmem:v6+s3+$0x0], $0xffff  }
0x225: {  	s22 =	sadd.s32 $0x1, s22  }
0x226: {  	v2 =	vor.u32 s23, v3;
	p1 =	sne.s32 s22, $0x20  }
.Ltmp7:
0x227: {  	_ = 	snop;
	(pc) =	sbr.rel @p1 .LBB2_6-.Ltmp7, $2  }
0x228: {  	_ =	sdelay $0x2  }
0x229: {  	[tilespmem:v2+s14+$0x0] =	vst.idx.msk $0xffff, v4  }
0x22a: {  	s16 =	smul.u32 $0x61A84, s16;
	_ =	sdelay $0x1  }
0x22b: {  	s21 =	sshll.u32 s21, $0xC;
	s16 =	sadd.s32 s5, s16  }
.Ltmp8:
0x22c: {  	s16 =	sadd.s32 s21, s16;
	(pc) =	sbr.rel .LBB2_10-.Ltmp8, $4  }
0x22d: {  	[hbm4b:s16+s3] =	stream.linear.scatter [tilespmem:s14], [sflag:$0x2], $0x8000, $0x38;
	[tilespmem:$0x13600] =	vst v63  }
0x22e: {  	_ =	swait.ge [sflag:s19], $0x8000  }
0x22f: {  	[sflag:s19] =	ssyncset.done $0x0  }
0x230: {  	[sflag:s19] =	ssyncadd.s32 $0xFFFF8000  }
.LBB2_12:
0x231: {  	_ =	sfence.sel $0x180000  }
0x232: {  	[bflag:$0x0] =	sbarrier.arrive $0xFFFF  }
0x233: {  	_ =	strace $0x90000047  }
0x234: {  	s0 =	stileid.u32;
	[bflag:$0x2] =	sbarrier.arrive $0xFFFF  }
0x235: {  	p0 =	sne.s32 s0, $0x0;
	s0 =	rddreg [dreg:$0x4]  }
0x236: {  	s0 =	sadd.s32 @!p0 $0x100000, s0  }
0x237: {  	[sflag:s0] =	ssyncadd.tile.s32 @!p0 $0x1;
	_ =	shalt  }
.Lfunc_end2:
_tile_overlayer_lowered:
.L_overlay_start_2:
0x238: {  	(tag) =	ssettag $0x2  }
0x239: {  	s0 =	rddreg [dreg:$0x0];
	s2 =	stileid.u32  }
0x23a: {  	s1 =	rddreg [dreg:$0x1];
	p0 =	sne.s32 s2, $0x0  }
0x23b: {  	s3 =	rddreg [dreg:$0x2];
	[bflag:$0x3] =	sbarrier.arrive $0xFFFF;
	s2 =	simm.s32 @!p0 $0x1C02  }
0x23c: {  	[timem:s3], [sflag:s2] =	dma.local @!p0 [hbm:s0], s1  }
0x23d: {  	s0 =	simm.s32 @!p0 $0x2  }
0x23e: {  	_ =	swait.ge @!p0 [sflag:s0], s1  }
0x23f: {  	s1 =	ssub.s32 @!p0 $0x0, s1;
	[sflag:s0] =	ssyncset.done @!p0 $0x0  }
0x240: {  	[sflag:s0] =	ssyncadd.s32 @!p0 s1  }
0x241: {  	[bflag:$0x3] =	sbarrier.arrive $0xFFFF  }
0x242: {  	_ =	shalt  }

// kernel: kernel.7.cloned.1.call-start
scs
__scs_entry_jumppad:
0x0: {  	(pc) =	sbr.rel $0x88, $3  }
0x1: {  	(tag) =	ssettag $0x0;
	lr =	simm.s32 $0x1  }
0x2: {  	[smem:$0x3F9B] =	sst lr;
	_ =	strace $0xD0000000  }
0x3: {  	_ = 	snop  }
0x4: {  	_ = 	snop  }
0x5: {  	_ = 	snop  }
0x6: {  	_ = 	snop  }
0x7: {  	_ = 	snop  }
__scs_overlays_trampoline_lowered:
0x8: {  	[smem:$0x3FAA] =	sst s0  }
0x9: {  	[smem:$0x3FAB] =	sst s1  }
0xa: {  	[smem:$0x3FAC] =	sst s2  }
0xb: {  	[smem:$0x3FAD] =	sst s3  }
0xc: {  	[smem:$0x3FAE] =	sst s4  }
0xd: {  	[smem:$0x3FAF] =	sst s5  }
0xe: {  	[smem:$0x3FB0] =	sst s6  }
0xf: {  	[smem:$0x3FB1] =	sst s7  }
0x10: {  	[smem:$0x3FB2] =	sst s8  }
0x11: {  	[smem:$0x3FB3] =	sst s9;
	s0 =	simm.s32 @!p0 $0x0  }
0x12: {  	s1 =	sld [smem:$0x3F99];
	s0 =	simm.s32 @p0 $0x1  }
0x13: {  	[smem:$0x3FB4] =	sst s0;
	s0 =	simm.s32 @!p1 $0x0  }
0x14: {  	s2 =	sld [smem:$0x3F98];
	s0 =	simm.s32 @p1 $0x1  }
0x15: {  	[smem:$0x3FB5] =	sst s0;
	s0 =	simm.s32 @!p2 $0x0  }
0x16: {  	s3 =	sld [smem:$0x3FDB];
	s0 =	simm.s32 @p2 $0x1  }
0x17: {  	s4 =	simm.s32 $0x1BF5;
	[smem:$0x3FB7] =	sst s0  }
0x18: {  	s0 =	sld [smem:$0x3F9A];
	_ =	swait.ge [sflag:s4], $0x0  }
0x19: {  	s7 =	sld [smem:$0x3F9B]  }
0x1a: {  	s8 =	sadd.s32 $0xFFFFE003, lr  }
0x1b: {  	s9 =	sadd.s32 $0xFFFFFEF7, lr;
	s5 =	simm.s32 $0xFFFFFFFF;
	p2 =	slt.u32 s8, $0xFFFFF086  }
0x1c: {  	p1 =	slt.u32 s9, $0xF7A;
	s5 =	simm.s32 @!p2 $0x0  }
0x1d: {  	s5 =	simm.s32 @p1 $0x1;
	p0 =	seq.s32 s7, s2  }
0x1e: {  	s7 =	smul.u32 @!p0 $0xF7A, s2;
	p2 =	seq.s32 @!p0 s5, $0x0  }
0x1f: {  	s9 =	smul.u32 $0xF7A, s1;
	s8 =	simm.s32 @!p0 $0x1BF5;
	p2 =	por !p2, p0  }
0x20: {  	[sflag:s8] =	ssyncset.s32 @!p0 $0xFFFFF086;
	s6 =	sadd.s32 @!p0 s3, s7;
	s7 =	simm.s32 @!p0 $0x108  }
0x21: {  	s3 =	sadd.s32 s3, s9;
	s6 =	sadd.s32 @!p0 $0x88, s6;
	s7 =	simm.s32 @p2 $0x1082  }
0x22: {  	[simem:s7], [sflag:s8] =	dma.local @!p0 [hbm:s6], $0xF7A  }
0x23: {  	s9 =	sor.u32 $0xD0000000, s2;
	s6 =	simm.s32 $0x108;
	_ =	swait.ge @!p0 [sflag:s8], $0x0  }
0x24: {  	s3 =	sadd.s32 $0x88, s3;
	s6 =	simm.s32 @!p1 $0x1082;
	[sflag:s4] =	ssyncset.s32 $0xFFFFF086  }
0x25: {  	[simem:s6], [sflag:s4] =	dma.local [hbm:s3], $0xF7A  }
0x26: {  	[smem:$0x3F9B] =	sst s1;
	(tag) =	ssettag s2;
	_ =	strace s9  }
0x27: {  	s1 =	sld [smem:$0x3FAB]  }
0x28: {  	s2 =	sld [smem:$0x3FAC]  }
0x29: {  	s4 =	sld [smem:$0x3FAE]  }
0x2a: {  	p0 =	seq.s32 s5, $0x0;
	s5 =	sld [smem:$0x3FAF]  }
0x2b: {  	s6 =	sld [smem:$0x3FB0]  }
0x2c: {  	s7 =	sld [smem:$0x3FB1]  }
0x2d: {  	s3 =	simm.s32 $0x108;
	s8 =	sld [smem:$0x3FB2]  }
0x2e: {  	s3 =	simm.s32 @!p0 $0x1082;
	s9 =	sld [smem:$0x3FB3]  }
0x2f: {  	lr =	sadd.s32 s0, s3;
	s0 =	sld [smem:$0x3FAA]  }
0x30: {  	s3 =	sld [smem:$0x3FAD]  }
0x31: {  	[smem:$0x3FB6] =	sst s10  }
0x32: {  	s10 =	sld [smem:$0x3FB4];
	_ =	sdelay $0x3  }
0x33: {  	p0 =	seq.s32 s10, $0x1;
	s10 =	sld [smem:$0x3FB6];
	_ =	sdelay $0x3  }
0x34: {  	[smem:$0x3FB6] =	sst s10  }
0x35: {  	s10 =	sld [smem:$0x3FB5];
	_ =	sdelay $0x3  }
0x36: {  	p1 =	seq.s32 s10, $0x1;
	s10 =	sld [smem:$0x3FB6];
	_ =	sdelay $0x3  }
0x37: {  	[smem:$0x3FB6] =	sst s10  }
0x38: {  	s10 =	sld [smem:$0x3FB7]  }
0x39: {  	_ = 	snop;
	(pc) =	sbr.ind lr, $3  }
0x3a: {  	_ = 	snop  }
0x3b: {  	_ = 	snop  }
0x3c: {  	p2 =	seq.s32 s10, $0x1;
	s10 =	sld [smem:$0x3FB6]  }
0x3d: {  	_ =	shalt  }
0x3e: {  	_ =	shalt  }
0x3f: {  	_ =	shalt  }
0x40: {  	_ =	shalt  }
0x41: {  	_ =	shalt  }
0x42: {  	_ =	shalt  }
0x43: {  	_ =	shalt  }
0x44: {  	_ =	shalt  }
0x45: {  	_ =	shalt  }
0x46: {  	_ =	shalt  }
0x47: {  	_ =	shalt  }
0x48: {  	_ =	shalt  }
0x49: {  	_ =	shalt  }
0x4a: {  	_ =	shalt  }
0x4b: {  	_ =	shalt  }
0x4c: {  	_ =	shalt  }
0x4d: {  	_ =	shalt  }
0x4e: {  	_ =	shalt  }
0x4f: {  	_ =	shalt  }
0x50: {  	_ =	shalt  }
0x51: {  	_ =	shalt  }
0x52: {  	_ =	shalt  }
0x53: {  	_ =	shalt  }
0x54: {  	_ =	shalt  }
0x55: {  	_ =	shalt  }
0x56: {  	_ =	shalt  }
0x57: {  	_ =	shalt  }
0x58: {  	_ =	shalt  }
0x59: {  	_ =	shalt  }
0x5a: {  	_ =	shalt  }
0x5b: {  	_ =	shalt  }
0x5c: {  	_ =	shalt  }
0x5d: {  	_ =	shalt  }
0x5e: {  	_ =	shalt  }
0x5f: {  	_ =	shalt  }
0x60: {  	_ =	shalt  }
0x61: {  	_ =	shalt  }
0x62: {  	_ =	shalt  }
0x63: {  	_ =	shalt  }
0x64: {  	_ =	shalt  }
0x65: {  	_ =	shalt  }
0x66: {  	_ =	shalt  }
0x67: {  	_ =	shalt  }
0x68: {  	_ =	shalt  }
0x69: {  	_ =	shalt  }
0x6a: {  	_ =	shalt  }
0x6b: {  	_ =	shalt  }
0x6c: {  	_ =	shalt  }
0x6d: {  	_ =	shalt  }
0x6e: {  	_ =	shalt  }
0x6f: {  	_ =	shalt  }
0x70: {  	_ =	shalt  }
0x71: {  	_ =	shalt  }
0x72: {  	_ =	shalt  }
0x73: {  	_ =	shalt  }
0x74: {  	_ =	shalt  }
0x75: {  	_ =	shalt  }
0x76: {  	_ =	shalt  }
0x77: {  	_ =	shalt  }
0x78: {  	_ =	shalt  }
0x79: {  	_ =	shalt  }
0x7a: {  	_ =	shalt  }
0x7b: {  	_ =	shalt  }
0x7c: {  	_ =	shalt  }
0x7d: {  	_ =	shalt  }
0x7e: {  	_ =	shalt  }
0x7f: {  	_ =	shalt  }
0x80: {  	_ =	shalt  }
0x81: {  	_ =	shalt  }
0x82: {  	_ =	shalt  }
0x83: {  	_ =	shalt  }
0x84: {  	_ =	shalt  }
0x85: {  	_ =	shalt  }
0x86: {  	_ =	shalt  }
0x87: {  	_ =	shalt  }
.Lfunc_end0:
.L_simem_size_0:
called_computation.2_lowered:
.L_overlay_start_0:
0x88: {  	s2 =	sld [smem:$0x3FD9]  }
0x89: {  	s3 =	sld [smem:$0x3FFE];
	_ =	sdelay $0x1  }
0x8a: {  	s1 =	srdreg.scid  }
0x8b: {  	s0 =	sand.u32 $0x1, s1  }
0x8c: {  	s17 =	sshll.u32 s0, $0xA;
	s2 =	sadd.s32 s3, s2  }
0x8d: {  	s2 =	sadd.s32 s2, s17  }
0x8e: {  	[smem:$0x3FC2] =	sst s2  }
0x8f: {  	_ = 	snop  }
0x90: {  	s2 =	sld [smem:$0x3FD0];
	(tm) =	ssettm $0x1  }
0x91: {  	s18 =	sld [smem:$0x3FFB];
	_ =	sdelay $0x3  }
0x92: {  	_ =	strace s18  }
0x93: {  	s3 =	sld [smem:$0x3FFC];
	_ =	sdelay $0x3  }
0x94: {  	_ =	strace s3  }
0x95: {  	s3 =	sld [smem:$0x3FFD];
	_ =	sdelay $0x3  }
0x96: {  	_ =	strace s3  }
0x97: {  	_ =	strace $0x8FFFFFFF  }
0x98: {  	s19 =	sld [smem:$0x3FDB];
	_ =	sdelay $0x1  }
0x99: {  	s4 =	simm.s32 $_scs_section_size  }
0x9a: {  	s5 =	simm.s32 $_size__tile_overlayer_lowered;
	s6 =	simm.s32 $_tile_overlayer_lowered  }
0x9b: {  	s22 =	simm.s32 $0x1BFF;
	s21 =	sshll.u32 s6, $0x1;
	s3 =	sadd.s32 s4, s19  }
0x9c: {  	s7 =	simm.s32 $0x0;
	s20 =	sshll.u32 s5, $0x1;
	s5 =	sadd.s32 s21, s3  }
0x9d: {  	[timem:s7], [sflag:s22] =	dma.local [hbm:s5], s20  }
0x9e: {  	_ =	swait.ge [sflag:s22], s20  }
0x9f: {  	s4 =	ssub.s32 $0x0, s20;
	[sflag:s22] =	ssyncset.done $0x0  }
0xa0: {  	[sflag:s22] =	ssyncadd.s32 s4;
	_ =	sdelay $0x1  }
0xa1: {  	s23 =	simm.s32 $0x1B8B  }
0xa2: {  	_ =	swait.ge [sflag:s23], $0x1  }
0xa3: {  	[sflag:s23] =	ssyncset.done $0x0  }
0xa4: {  	s25 =	simm.s32 $0x1B8E;
	s24 =	sld [smem:$0x3FFE];
	[sflag:s23] =	ssyncadd.s32 $0xFFFFFFFF  }
0xa5: {  	s26 =	simm.s32 $execute0_lowered;
	[smem:$0x3FD2] =	sst s25  }
0xa6: {  	s5 =	sshll.u32 s26, $0x1;
	_ =	strace $0x80000049;
	[dreg:$0x1] =	wrdreg $0xFFFFFFFF  }
0xa7: {  	s28 =	simm.s32 $_size_execute0_lowered;
	s3 =	sadd.s32 s3, s5;
	[dreg:$0x0] =	wrdreg $0x0  }
0xa8: {  	s5 =	sshll.u32 s28, $0x1;
	[dreg:$0x2] =	wrdreg s3  }
0xa9: {  	[dreg:$0x3] =	wrdreg s5  }
0xaa: {  	[dreg:$0x4] =	wrdreg $0xC0  }
0xab: {  	_ =	task [dreg:s7], $0x5FFFF  }
0xac: {  	[dreg:$0x1] =	wrdreg $0xFFFFFFFF  }
0xad: {  	[dreg:$0x0] =	wrdreg $0x60  }
0xae: {  	[dreg:$0x2] =	wrdreg s24  }
0xaf: {  	[dreg:$0x3] =	wrdreg s2  }
0xb0: {  	[dreg:$0x4] =	wrdreg $0x9  }
0xb1: {  	_ =	task.clear_ibuf [dreg:s7], $0x5FFFF;
	_ =	strace $0x90000049  }
0xb2: {  	s29 =	simm.s32 $0x9;
	_ =	strace $0x8000004B  }
0xb3: {  	_ =	swait.ge [sflag:s29], $0x1  }
0xb4: {  	[sflag:s29] =	ssyncadd.s32 $0xFFFFFFFF  }
0xb5: {  	_ =	strace $0x9000004B  }
0xb6: {  	_ =	sfence  }
0xb7: {  	s30 =	sld [smem:$0x0];
	_ =	sdelay $0x2  }
0xb8: {  	s31 =	sshll.u32 s1, $0xD;
	s1 =	sshrl.u32 s1, $0x2  }
0xb9: {  	s3 =	sand.u32 $0x4000, s31;
	s1 =	sadd.s32 s1, s30  }
0xba: {  	s0 =	sor.u32 s3, s0;
	s1 =	sshll.u32 s1, $0x11  }
0xbb: {  	s0 =	sor.u32 s1, s0  }
0xbc: {  	s0 =	sadd.s32 $0x8F2B, s0  }
0xbd: {  	[sflag:s0] =	ssyncadd.remote.s32 $0x1  }
0xbe: {  	_ =	sfence.sel $0xFFFF  }
0xbf: {  	[dreg:$0x0] =	wrdreg $0xFFFFFFFF;
	(pc) =	sbr.abs _section_cstart, $3  }
0xc0: {  	[dreg:$0x1] =	wrdreg $0xFFFFFFFF  }
0xc1: {  	_ =	task.clear_ibuf [dreg:s7], $0x2FFFF;
	_ =	strace $0x9FFFFFFF  }
0xc2: {  	(tm) =	ssettm $0x7FFFFFFF  }
0xc3: {  	_ =	shalt  }
tec
execute0_lowered:
.L_overlay_start_1:
0x0: {  	(tag) =	ssettag $0x1  }
0x1: {  	s9 =	rddreg [dreg:$0x0]  }
0x2: {  	s1 =	rddreg [dreg:$0x1]  }
0x3: {  	s2 =	simm.s32 $0x0;
	s7 =	srdreg.scid;
	s3 =	stileid.u32  }
0x4: {  	s14 =	simm.s32 $0x2;
	s15 =	simm.s32 $0x6E80;
	s16 =	simm.s32 $0x340  }
0x5: {  	s17 =	simm.s32 $0x680;
	s18 =	simm.s32 $0x1;
	s19 =	simm.s32 $0x0  }
0x6: {  	[smem:$0x7FF] =	sst s2;
	s4 =	sadd.s32 $0x1800, s9;
	s5 =	sadd.s32 $0x9ECA00, s9  }
0x7: {  	s6 =	sadd.s32 $0x9FA000, s9;
	s10 =	sand.u32 $0x1, s7;
	s7 =	sadd.s32 $0x9F9A00, s9  }
0x8: {  	v0 =	vlaneseq.u32;
	s12 =	sshll.u32 s3, $0x1;
	s8 =	sadd.s32 $0x9F9C00, s9;
	s11 =	ssub.s32 $0x2, s10  }
0x9: {  	s9 =	sadd.s32 $0x9F9E00, s9;
	v0 =	vmul.u32 $0x28, v0;
	s12 =	sor.u32 s10, s12;
	s13 =	sshrl.u32 s11, $0x1  }
0xa: {  	_ =	strace $0x8000004A;
	s10 =	sshll.u32 s12, $0x9;
	s13 =	ssub.s32 s11, s13  }
0xb: {  	v1 =	vadd.s32 $0x280, v0;
	s11 =	smul.u32 $0x3400, s12;
	s12 =	smax.u32 s13, $0x1;
	s13 =	simm.s32 $0x13180  }
.LBB2_1:
0xc: {  	[tilespmem:s13], [sflag:$0x2] =	stream.linear.gather [hbm4b:s6+s2], $0x10, $0x38;
	[tilespmem:$0x13B50] =	vst v63  }
0xd: {  	_ =	swait.ge [sflag:s14], $0x10  }
0xe: {  	[sflag:s14] =	ssyncset.done $0x0  }
0xf: {  	s20 =	simm.s32 $0x13190;
	[sflag:s14] =	ssyncadd.s32 $0xFFFFFFF0  }
0x10: {  	[tilespmem:s20], [sflag:$0x2] =	stream.linear.gather [hbm4b:s7+s2], $0x1A0, $0x38;
	[tilespmem:$0x13B50] =	vst v63  }
0x11: {  	_ =	swait.ge [sflag:s14], $0x1A0  }
0x12: {  	[sflag:s14] =	ssyncset.done $0x0  }
0x13: {  	s21 =	simm.s32 $0x13330;
	[sflag:s14] =	ssyncadd.s32 $0xFFFFFE60  }
0x14: {  	v2 =	vmov s2;
	[tilespmem:s21], [sflag:$0x2] =	stream.linear.gather [hbm4b:s8+s2], $0x1A0, $0x38;
	[tilespmem:$0x13B50] =	vst v63  }
0x15: {  	v2 =	vshra.s32 v2, $0x5;
	_ =	swait.ge [sflag:s14], $0x1A0  }
0x16: {  	v2 =	vbroadcast v2, $0x0;
	[sflag:s14] =	ssyncset.done $0x0  }
0x17: {  	s22 =	simm.s32 $0x134D0;
	[sflag:s14] =	ssyncadd.s32 $0xFFFFFE60  }
0x18: {  	[tilespmem:s22], [sflag:$0x2] =	stream.linear.gather [hbm4b:s9+s2], $0x4E0, $0x38;
	[tilespmem:$0x13B50] =	vst v63  }
0x19: {  	_ =	swait.ge [sflag:s14], $0x4E0  }
0x1a: {  	[sflag:s14] =	ssyncset.done $0x0  }
0x1b: {  	[sflag:s14] =	ssyncadd.s32 $0xFFFFFB20  }
0x1c: {  	v2 =	vld.idx.msk [tilespmem:v2+s13+$0x0], $0xffff  }
0x1d: {  	v3 =	vld [tilespmem:s20+$0x0];
	_ =	sdelay $0x1  }
0x1e: {  	v4 =	vld [tilespmem:s21+$0x0]  }
0x1f: {  	s31 =	simm.s32 $0x10  }
0x20: {  	v5 =	vmov s31;
	v6 =	vld [tilespmem:s22+$0x0]  }
0x21: {  	v5 =	vshra.s32 v5, $0x5;
	v2 =	vmul.f32 v3, v2  }
0x22: {  	v3 =	vbroadcast v5, $0x0  }
0x23: {  	v2 =	vadd.f32 v4, v2;
	_ =	sdelay $0x1  }
0x24: {  	v2 =	vadd.f32 v6, v2  }
0x25: {  	s20 =	simm.s32 $0x139B0  }
0x26: {  	[tilespmem:s20+$0x0] =	vst v2  }
0x27: {  	s21 =	simm.s32 $0x131A0;
	v2 =	vld.idx.msk [tilespmem:v3+s13+$0x0], $0xffff  }
0x28: {  	v3 =	vld [tilespmem:s21+$0x0]  }
0x29: {  	s22 =	simm.s32 $0x13340  }
0x2a: {  	v4 =	vld [tilespmem:s22+$0x0]  }
0x2b: {  	s24 =	simm.s32 $0x20;
	s23 =	simm.s32 $0x134E0  }
0x2c: {  	v6 =	vmov s24;
	s24 =	simm.s32 $0x30;
	v5 =	vld [tilespmem:s23+$0x0]  }
.LBB2_2:
0x2d: {  	p0 =	sne.s32 s24, $0x190;
	v6 =	vshra.s32 v6, $0x5;
	v2 =	vmul.f32 v3, v2  }
0x2e: {  	v3 =	vbroadcast v6, $0x0  }
0x2f: {  	v2 =	vadd.f32 v4, v2;
	_ =	sdelay $0x1  }
0x30: {  	v2 =	vadd.f32 v5, v2  }
0x31: {  	s20 =	sadd.s32 $0x10, s20  }
0x32: {  	[tilespmem:s20+$0x0] =	vst v2  }
0x33: {  	s21 =	sadd.s32 $0x10, s21;
	v2 =	vld.idx.msk [tilespmem:v3+s13+$0x0], $0xffff  }
.Ltmp0:
0x34: {  	v3 =	vld [tilespmem:s21+$0x0];
	(pc) =	sbr.rel @p0 .LBB2_2-.Ltmp0, $4  }
0x35: {  	s22 =	sadd.s32 $0x10, s22  }
0x36: {  	v4 =	vld [tilespmem:s22+$0x0]  }
0x37: {  	s23 =	sadd.s32 $0x10, s23  }
0x38: {  	v6 =	vmov s24;
	s24 =	sadd.s32 $0x10, s24;
	v5 =	vld [tilespmem:s23+$0x0]  }
0x39: {  	v6 =	vshra.s32 v6, $0x5;
	v2 =	vmul.f32 v3, v2  }
0x3a: {  	v3 =	vbroadcast v6, $0x0  }
0x3b: {  	v2 =	vadd.f32 v4, v2;
	_ =	sdelay $0x1  }
0x3c: {  	v2 =	vadd.f32 v5, v2  }
0x3d: {  	s20 =	sadd.s32 $0x10, s20  }
0x3e: {  	[tilespmem:s20+$0x0] =	vst v2  }
0x3f: {  	s21 =	sadd.s32 $0x10, s21;
	v2 =	vld.idx.msk [tilespmem:v3+s13+$0x0], $0xffff  }
0x40: {  	v3 =	vld [tilespmem:s21+$0x0]  }
0x41: {  	s30 =	sadd.s32 $0x10, s22  }
0x42: {  	v62 =	vld [tilespmem:s30+$0x0]  }
0x43: {  	s31 =	sadd.s32 $0x10, s23  }
0x44: {  	v63 =	vld [tilespmem:s31+$0x0]  }
0x45: {  	v2 =	vmul.f32 v3, v2;
	_ =	sdelay $0x1  }
0x46: {  	v2 =	vadd.f32 v62, v2;
	_ =	sdelay $0x1  }
0x47: {  	v2 =	vadd.f32 v63, v2  }
0x48: {  	s20 =	sadd.s32 $0x10, s20  }
0x49: {  	s22 =	simm.s32 $0x0;
	s21 =	simm.s32 $0x0;
	[tilespmem:s20+$0x0] =	vst v2  }
.LBB2_4:
0x4a: {  	v2 =	vmov s22  }
0x4b: {  	v2 =	vmul.u32 $0x500, v2  }
0x4c: {  	s20 =	simm.s32 $0x1;
	s23 =	simm.s32 $0x2;
	v9 =	vmov s21  }
0x4d: {  	s24 =	simm.s32 $0x3;
	p1 =	por $0x1, $0x1;
	v3 =	vmov s20;
	v6 =	vmov s23;
	v2 =	vbroadcast v2, $0x0  }
.Ltmp1:
0x4e: {  	v5 =	vmov s24;
	v10 =	vand.u32 $0x18, v9;
	v7 =	vand.u32 $0x18, v3;
	(pc) =	sbr.rel @!p1 .LBB2_5-.Ltmp1, $4  }
0x4f: {  	s31 =	sshll.u32 s22, $0x5;
	v3 =	vand.u32 $0x5, v3;
	v8 =	vand.u32 $0x18, v6;
	v4 =	vadd.s32 v0, v2  }
0x50: {  	s20 =	sand.u32 $0x3FFFFFE0, s31;
	v11 =	vand.u32 $0x6, v6;
	v6 =	vand.u32 $0x4, v9;
	v7 =	vadd.s32 v4, v7  }
0x51: {  	v8 =	vadd.s32 v4, v8;
	v9 =	vadd.s32 v4, v10;
	v7 =	vor.u32 v3, v7;
	v3 =	vld [tilespmem:s20+$0x139B0]  }
0x52: {  	p0 =	por $0x0, $0x0;
	s23 =	simm.s32 $0x4;
	v12 =	vand.u32 $0x18, v5;
	v6 =	vor.u32 v6, v9;
	v8 =	vor.u32 v11, v8  }
0x53: {  	s24 =	simm.s32 $0x5;
	s25 =	simm.s32 $0x6;
	v9 =	vand.u32 $0x7, v5;
	v10 =	vadd.s32 v4, v12  }
0x54: {  	s26 =	simm.s32 $0x7;
	v15 =	vmov s23;
	p1 =	por $0x1, $0x1;
	v11 =	vmov s24;
	v12 =	vmov s25  }
.Ltmp2:
0x55: {  	v5 =	vmov s26;
	v16 =	vand.u32 $0x18, v15;
	v9 =	vor.u32 v9, v10;
	(pc) =	sbr.rel @!p1 .LBB2_7-.Ltmp2, $4  }
0x56: {  	v13 =	vand.u32 $0x18, v11;
	v11 =	vand.u32 $0x5, v11;
	v14 =	vand.u32 $0x18, v12  }
0x57: {  	v12 =	vand.u32 $0x6, v12;
	v13 =	vadd.s32 v4, v13;
	v14 =	vadd.s32 v4, v14;
	[tilespmem:v6+s15+$0x0] =	vst.idx.msk $0xffff, v3  }
0x58: {  	v6 =	vand.u32 $0x4, v15;
	v11 =	vor.u32 v11, v13;
	v13 =	vadd.s32 v4, v16;
	[tilespmem:v7+s15+$0x0] =	vst.idx.msk $0xffff, v3  }
0x59: {  	s23 =	simm.s32 $0x8;
	p0 =	por $0x1, $0x1;
	v10 =	vor.u32 v12, v14;
	v12 =	vand.u32 $0x18, v5;
	v6 =	vor.u32 v6, v13;
	[tilespmem:v8+s15+$0x0] =	vst.idx.msk $0xffff, v3  }
.LBB2_8:
0x5a: {  	s24 =	sadd.s32 $0x1, s23;
	s25 =	sadd.s32 $0x2, s23;
	s26 =	sadd.s32 $0x3, s23;
	v7 =	vand.u32 $0x7, v5;
	v8 =	vadd.s32 v4, v12;
	v12 =	vmov v11  }
0x5b: {  	p1 =	slt.u32 s23, $0x1C;
	v11 =	vmov s24;
	v13 =	vmov s25;
	v5 =	vmov s26;
	s24 =	smov.u32 s23;
	s23 =	sadd.s32 $0x4, s23  }
.Ltmp3:
0x5c: {  	v14 =	vand.u32 $0x18, v11;
	v11 =	vand.u32 $0x5, v11;
	v15 =	vand.u32 $0x18, v13;
	(pc) =	sbr.rel @p1 .LBB2_8-.Ltmp3, $4  }
0x5d: {  	v16 =	vmov s24;
	v14 =	vadd.s32 v4, v14;
	v15 =	vadd.s32 v4, v15;
	[tilespmem:v9+s15+$0x0] =	vst.idx.msk $0xffff, v3  }
0x5e: {  	v13 =	vand.u32 $0x6, v13;
	v9 =	vand.u32 $0x18, v16;
	v11 =	vor.u32 v11, v14;
	[tilespmem:v6+s15+$0x0] =	vst.idx.msk $0xffff, v3  }
0x5f: {  	v6 =	vand.u32 $0x4, v16;
	v14 =	vadd.s32 v4, v9;
	v9 =	vor.u32 v7, v8;
	[tilespmem:v12+s15+$0x0] =	vst.idx.msk $0xffff, v3  }
0x60: {  	v6 =	vor.u32 v6, v14;
	v12 =	vand.u32 $0x18, v5;
	[tilespmem:v10+s15+$0x0] =	vst.idx.msk $0xffff, v3;
	v10 =	vor.u32 v13, v15  }
0x61: {  	v7 =	vmov v11;
	v8 =	vmov v10  }
.LBB2_10:
0x62: {  	_ =	sdelay $0x1  }
0x63: {  	v5 =	vand.u32 $0x7, v5;
	v4 =	vadd.s32 v4, v12  }
0x64: {  	s23 =	simm.s32 $0x1;
	v4 =	vor.u32 v5, v4  }
0x65: {  	[tilespmem:v9+s15+$0x0] =	vst.idx.msk @p0 $0xffff, v3;
	v2 =	vadd.s32 v1, v2;
	s24 =	simm.s32 $0x2;
	s26 =	simm.s32 $0x0;
	s31 =	simm.s32 $0x4;
	v5 =	vmov s23  }
0x66: {  	[tilespmem:v6+s15+$0x0] =	vst.idx.msk $0xffff, v3;
	v6 =	vmov s24;
	v11 =	vmov s26;
	v14 =	vmov s31  }
0x67: {  	v10 =	vand.u32 $0x18, v5;
	[tilespmem:v7+s15+$0x0] =	vst.idx.msk $0xffff, v3;
	v5 =	vand.u32 $0x5, v5;
	v7 =	vand.u32 $0x18, v6  }
0x68: {  	v6 =	vand.u32 $0x6, v6;
	[tilespmem:v8+s15+$0x0] =	vst.idx.msk $0xffff, v3;
	v8 =	vadd.s32 v2, v10;
	v10 =	vand.u32 $0x18, v11  }
0x69: {  	v5 =	vor.u32 v5, v8;
	v8 =	vadd.s32 v2, v10;
	[tilespmem:v4+s15+$0x0] =	vst.idx.msk $0xffff, v3;
	v4 =	vand.u32 $0x4, v11  }
0x6a: {  	s25 =	simm.s32 $0x3;
	v15 =	vand.u32 $0x18, v14;
	v7 =	vadd.s32 v2, v7;
	v3 =	vld [tilespmem:s20+$0x139C0];
	v10 =	vor.u32 v4, v8  }
0x6b: {  	s28 =	simm.s32 $0x5;
	v9 =	vmov s25;
	v63 =	vadd.s32 v2, v15;
	v11 =	vor.u32 v6, v7  }
0x6c: {  	s29 =	simm.s32 $0x6;
	s30 =	simm.s32 $0x7;
	v6 =	vand.u32 $0x7, v9;
	v4 =	vand.u32 $0x18, v9;
	v8 =	vmov s28  }
0x6d: {  	v9 =	vmov s29;
	v7 =	vadd.s32 v2, v4;
	v4 =	vmov s30  }
0x6e: {  	v62 =	vand.u32 $0x18, v8;
	v8 =	vand.u32 $0x5, v8;
	v13 =	vand.u32 $0x18, v9  }
0x6f: {  	v9 =	vand.u32 $0x6, v9;
	v12 =	vadd.s32 v2, v62;
	v13 =	vadd.s32 v2, v13;
	[tilespmem:v10+s15+$0x0] =	vst.idx.msk $0xffff, v3  }
0x70: {  	v7 =	vor.u32 v6, v7;
	v8 =	vor.u32 v8, v12;
	v10 =	vand.u32 $0x4, v14;
	[tilespmem:v5+s15+$0x0] =	vst.idx.msk $0xffff, v3  }
0x71: {  	s20 =	simm.s32 $0x8;
	v6 =	vor.u32 v10, v63;
	v5 =	vor.u32 v9, v13;
	v9 =	vand.u32 $0x18, v4;
	[tilespmem:v11+s15+$0x0] =	vst.idx.msk $0xffff, v3  }
.LBB2_11:
0x72: {  	s23 =	sadd.s32 $0x1, s20;
	s24 =	sadd.s32 $0x2, s20;
	s25 =	sadd.s32 $0x3, s20;
	v10 =	vand.u32 $0x7, v4;
	v9 =	vadd.s32 v2, v9;
	v11 =	vmov v8  }
0x73: {  	p0 =	slt.u32 s20, $0x1C;
	v8 =	vmov s23;
	v12 =	vmov s24;
	v4 =	vmov s25;
	s23 =	smov.u32 s20;
	s20 =	sadd.s32 $0x4, s20  }
.Ltmp4:
0x74: {  	v13 =	vand.u32 $0x18, v8;
	v8 =	vand.u32 $0x5, v8;
	v14 =	vand.u32 $0x18, v12;
	(pc) =	sbr.rel @p0 .LBB2_11-.Ltmp4, $4  }
0x75: {  	v15 =	vmov s23;
	v13 =	vadd.s32 v2, v13;
	v14 =	vadd.s32 v2, v14;
	[tilespmem:v7+s15+$0x0] =	vst.idx.msk $0xffff, v3  }
0x76: {  	v12 =	vand.u32 $0x6, v12;
	v7 =	vand.u32 $0x18, v15;
	v8 =	vor.u32 v8, v13;
	[tilespmem:v6+s15+$0x0] =	vst.idx.msk $0xffff, v3  }
0x77: {  	v6 =	vand.u32 $0x4, v15;
	v13 =	vadd.s32 v2, v7;
	v7 =	vor.u32 v10, v9;
	[tilespmem:v11+s15+$0x0] =	vst.idx.msk $0xffff, v3  }
0x78: {  	v9 =	vand.u32 $0x18, v4;
	v6 =	vor.u32 v6, v13;
	[tilespmem:v5+s15+$0x0] =	vst.idx.msk $0xffff, v3;
	v5 =	vor.u32 v12, v14  }
0x79: {  	_ =	sdelay $0x1  }
0x7a: {  	v4 =	vand.u32 $0x7, v4;
	v2 =	vadd.s32 v2, v9;
	s22 =	sadd.s32 $0x1, s22  }
0x7b: {  	v2 =	vor.u32 v4, v2;
	p0 =	sne.s32 s22, $0xD  }
.Ltmp5:
0x7c: {  	[tilespmem:v7+s15+$0x0] =	vst.idx.msk $0xffff, v3;
	(pc) =	sbr.rel @p0 .LBB2_4-.Ltmp5, $4  }
.Ltmp6:
0x7d: {  	[tilespmem:v6+s15+$0x0] =	vst.idx.msk $0xffff, v3;
	(pc) =	sbr.rel @!p0 .LBB2_13-.Ltmp6, $4  }
0x7e: {  	[tilespmem:v8+s15+$0x0] =	vst.idx.msk $0xffff, v3  }
0x7f: {  	[tilespmem:v5+s15+$0x0] =	vst.idx.msk $0xffff, v3  }
0x80: {  	s20 =	simm.s32 $0x0;
	[tilespmem:v2+s15+$0x0] =	vst.idx.msk $0xffff, v3  }
0x81: {  	_ = 	snop  }
.LBB2_5:
.Ltmp7:
0x82: {  	(pc) =	sbr.rel .LBB2_10-.Ltmp7, $2  }
0x83: {  	_ =	sdelay $0x2  }
0x84: {  	_ = 	snop  }
.LBB2_7:
.Ltmp8:
0x85: {  	(pc) =	sbr.rel .LBB2_10-.Ltmp8, $2  }
0x86: {  	_ =	sdelay $0x2  }
0x87: {  	v7 =	vmov v11;
	v8 =	vmov v10  }
.LBB2_13:
0x88: {  	s21 =	simm.s32 $0x0  }
.LBB2_14:
0x89: {  	s22 =	smul.u32 $0x340, s21;
	_ =	sdelay $0x1  }
0x8a: {  	s22 =	sadd.s32 s11, s22  }
0x8b: {  	s22 =	sshrl.u32 s22, $0x3  }
0x8c: {  	s22 =	sadd.s32 s5, s22  }
0x8d: {  	[tilespmem:s20], [sflag:$0x2] =	stream.linear.gather [hbm4b:s22+s20], $0x340, $0x38;
	[tilespmem:$0x13B50] =	vst v63  }
0x8e: {  	_ =	swait.ge [sflag:s14], $0x340  }
0x8f: {  	[sflag:s14] =	ssyncset.done $0x0  }
0x90: {  	v2 =	vmov s20;
	s22 =	simm.s32 $0x20;
	[sflag:s14] =	ssyncadd.s32 $0xFFFFFCC0  }
0x91: {  	v2 =	vshra.s32 v2, $0x5;
	v3 =	vld [tilespmem:s22+$0xFFFFFFE0]  }
0x92: {  	v2 =	vmul.u32 $0x186A1, v2;
	_ =	sdelay $0x1  }
0x93: {  	v2 =	vbroadcast v2, $0x0;
	_ =	sdelay $0x1  }
0x94: {  	s23 =	simm.s32 $0x360;
	s24 =	simm.s32 $0x10;
	v2 =	vadd.s32 v2, v3  }
0x95: {  	[tilespmem:s23+$0xFFFFFFE0] =	vst v2;
	v2 =	vmov s24  }
0x96: {  	v3 =	vld [tilespmem:s22+$0xFFFFFFF0];
	v2 =	vshra.s32 v2, $0x5  }
0x97: {  	v2 =	vmul.u32 $0x186A1, v2;
	_ =	sdelay $0x1  }
0x98: {  	v2 =	vbroadcast v2, $0x0;
	_ =	sdelay $0x1  }
0x99: {  	s30 =	simm.s32 $0x20;
	v2 =	vadd.s32 v2, v3  }
0x9a: {  	[tilespmem:s23+$0xFFFFFFF0] =	vst v2;
	v2 =	vmov s30  }
0x9b: {  	v3 =	vld [tilespmem:s22+$0x0];
	v2 =	vshra.s32 v2, $0x5  }
0x9c: {  	v2 =	vmul.u32 $0x186A1, v2;
	_ =	sdelay $0x1  }
0x9d: {  	v2 =	vbroadcast v2, $0x0;
	_ =	sdelay $0x1  }
0x9e: {  	s31 =	simm.s32 $0x30;
	v2 =	vadd.s32 v2, v3  }
0x9f: {  	[tilespmem:s23+$0x0] =	vst v2;
	v2 =	vmov s31  }
0xa0: {  	v3 =	vld [tilespmem:s22+$0x10];
	v2 =	vshra.s32 v2, $0x5  }
0xa1: {  	v2 =	vmul.u32 $0x186A1, v2;
	_ =	sdelay $0x1  }
0xa2: {  	v2 =	vbroadcast v2, $0x0;
	_ =	sdelay $0x1  }
0xa3: {  	s25 =	simm.s32 $0x40;
	s24 =	simm.s32 $0x0;
	v2 =	vadd.s32 v2, v3  }
.LBB2_15:
0xa4: {  	v3 =	vmov s25;
	s24 =	sadd.s32 $0x4, s24;
	[tilespmem:s23+$0x10] =	vst v2;
	s22 =	sadd.s32 $0x40, s22  }
0xa5: {  	v2 =	vld [tilespmem:s22+$0xFFFFFFE0];
	v3 =	vshra.s32 v3, $0x5;
	p0 =	slt.u32 s24, $0x30  }
0xa6: {  	v3 =	vmul.u32 $0x186A1, v3;
	_ =	sdelay $0x1  }
0xa7: {  	v3 =	vbroadcast v3, $0x0;
	_ =	sdelay $0x1  }
0xa8: {  	s26 =	sadd.s32 $0x10, s25;
	s23 =	sadd.s32 $0x40, s23;
	v2 =	vadd.s32 v3, v2  }
0xa9: {  	[tilespmem:s23+$0xFFFFFFE0] =	vst v2;
	v2 =	vmov s26  }
0xaa: {  	v3 =	vld [tilespmem:s22+$0xFFFFFFF0];
	v2 =	vshra.s32 v2, $0x5  }
0xab: {  	v2 =	vmul.u32 $0x186A1, v2;
	_ =	sdelay $0x1  }
0xac: {  	v2 =	vbroadcast v2, $0x0;
	_ =	sdelay $0x1  }
0xad: {  	s26 =	sadd.s32 $0x20, s25;
	v2 =	vadd.s32 v2, v3  }
0xae: {  	[tilespmem:s23+$0xFFFFFFF0] =	vst v2;
	v2 =	vmov s26  }
0xaf: {  	v3 =	vld [tilespmem:s22+$0x0];
	v2 =	vshra.s32 v2, $0x5  }
0xb0: {  	v2 =	vmul.u32 $0x186A1, v2;
	_ =	sdelay $0x1  }
0xb1: {  	v2 =	vbroadcast v2, $0x0;
	_ =	sdelay $0x1  }
0xb2: {  	s26 =	sadd.s32 $0x30, s25;
	v2 =	vadd.s32 v2, v3  }
0xb3: {  	[tilespmem:s23+$0x0] =	vst v2;
	v2 =	vmov s26  }
0xb4: {  	v3 =	vld [tilespmem:s22+$0x10];
	v2 =	vshra.s32 v2, $0x5  }
.Ltmp9:
0xb5: {  	v2 =	vmul.u32 $0x186A1, v2;
	(pc) =	sbr.rel @p0 .LBB2_15-.Ltmp9, $3  }
0xb6: {  	_ = 	snop  }
0xb7: {  	v2 =	vbroadcast v2, $0x0;
	_ =	sdelay $0x1  }
0xb8: {  	s25 =	sadd.s32 $0x40, s25;
	v2 =	vadd.s32 v2, v3  }
0xb9: {  	[tilespmem:s23+$0x10] =	vst v2  }
0xba: {  	[tilespmem:s17], [sflag:$0x1] =	stream.indirect.gather [hbm4b:s4+s16], $0x20, s16, s16, $0xb8;
	[tilespmem:$0x13B50] =	vst v63  }
0xbb: {  	_ =	swait.ge [sflag:s18], $0x6800  }
0xbc: {  	s22 =	simm.s32 $0x0;
	s23 =	simm.s32 $0x6C0;
	[sflag:s18] =	ssyncset.done $0x0  }
0xbd: {  	s24 =	simm.s32 $0x6D0;
	s25 =	simm.s32 $0x0;
	[sflag:s18] =	ssyncadd.s32 $0xFFFF9800  }
.LBB2_17:
0xbe: {  	s26 =	sadd.s32 $0xD, s25  }
0xbf: {  	v2 =	vmov s26  }
0xc0: {  	v2 =	vmul.u32 $0x500, v2;
	_ =	sdelay $0x1  }
0xc1: {  	s26 =	sshll.u32 s26, $0x5;
	v2 =	vbroadcast v2, $0x0  }
0xc2: {  	v5 =	vmov s22;
	v6 =	vld [tilespmem:s23+$0xFFFFFFC0];
	s26 =	sand.u32 $0x3FFFFFE0, s26  }
0xc3: {  	v7 =	vand.u32 $0x18, v5;
	v3 =	vld [tilespmem:s26+$0x134D0];
	v4 =	vadd.s32 v0, v2  }
0xc4: {  	v5 =	vand.u32 $0x4, v5;
	v7 =	vadd.s32 v4, v7  }
0xc5: {  	v5 =	vor.u32 v5, v7;
	_ =	sdelay $0x2  }
0xc6: {  	v6 =	vadd.f32 v6, v3  }
0xc7: {  	s28 =	simm.s32 $0x1  }
0xc8: {  	[tilespmem:v5+s15+$0x0] =	vst.idx.msk $0xffff, v6;
	v5 =	vmov s28  }
0xc9: {  	v6 =	vld [tilespmem:s23+$0xFFFFFFE0];
	v7 =	vand.u32 $0x18, v5  }
0xca: {  	v5 =	vand.u32 $0x5, v5;
	v7 =	vadd.s32 v4, v7  }
0xcb: {  	v5 =	vor.u32 v5, v7;
	_ =	sdelay $0x2  }
0xcc: {  	v6 =	vadd.f32 v6, v3  }
0xcd: {  	s28 =	simm.s32 $0x2  }
0xce: {  	[tilespmem:v5+s15+$0x0] =	vst.idx.msk $0xffff, v6;
	v5 =	vmov s28  }
0xcf: {  	v6 =	vld [tilespmem:s23+$0x0];
	v7 =	vand.u32 $0x18, v5  }
0xd0: {  	v5 =	vand.u32 $0x6, v5;
	v7 =	vadd.s32 v4, v7  }
0xd1: {  	v5 =	vor.u32 v5, v7;
	_ =	sdelay $0x2  }
0xd2: {  	v6 =	vadd.f32 v6, v3  }
0xd3: {  	s28 =	simm.s32 $0x3  }
0xd4: {  	[tilespmem:v5+s15+$0x0] =	vst.idx.msk $0xffff, v6;
	v5 =	vmov s28  }
0xd5: {  	v6 =	vld [tilespmem:s23+$0x20];
	v7 =	vand.u32 $0x18, v5  }
0xd6: {  	v5 =	vand.u32 $0x7, v5;
	v7 =	vadd.s32 v4, v7  }
0xd7: {  	v5 =	vor.u32 v5, v7;
	_ =	sdelay $0x2  }
0xd8: {  	s30 =	simm.s32 $0x8;
	s29 =	smov.u32 s23;
	s28 =	simm.s32 $0x4;
	v6 =	vadd.f32 v6, v3  }
.LBB2_18:
0xd9: {  	p0 =	slt.u32 s30, $0x1C  }
0xda: {  	v7 =	vmov s28;
	s29 =	sadd.s32 $0x80, s29;
	s31 =	smov.u32 s30;
	s30 =	sadd.s32 $0x4, s30;
	[tilespmem:v5+s15+$0x0] =	vst.idx.msk $0xffff, v6  }
0xdb: {  	v6 =	vand.u32 $0x18, v7;
	v5 =	vld [tilespmem:s29+$0xFFFFFFC0]  }
0xdc: {  	v7 =	vand.u32 $0x4, v7;
	v6 =	vadd.s32 v4, v6  }
0xdd: {  	v6 =	vor.u32 v7, v6;
	_ =	sdelay $0x2  }
0xde: {  	v5 =	vadd.f32 v5, v3  }
0xdf: {  	s0 =	sadd.s32 $0x1, s28  }
0xe0: {  	[tilespmem:v6+s15+$0x0] =	vst.idx.msk $0xffff, v5;
	v5 =	vmov s0  }
0xe1: {  	v6 =	vld [tilespmem:s29+$0xFFFFFFE0];
	v7 =	vand.u32 $0x18, v5  }
0xe2: {  	v5 =	vand.u32 $0x5, v5;
	v7 =	vadd.s32 v4, v7  }
0xe3: {  	v5 =	vor.u32 v5, v7;
	_ =	sdelay $0x2  }
0xe4: {  	v6 =	vadd.f32 v6, v3  }
0xe5: {  	s0 =	sadd.s32 $0x2, s28  }
0xe6: {  	[tilespmem:v5+s15+$0x0] =	vst.idx.msk $0xffff, v6;
	v5 =	vmov s0  }
0xe7: {  	v6 =	vld [tilespmem:s29+$0x0];
	v7 =	vand.u32 $0x18, v5  }
0xe8: {  	v5 =	vand.u32 $0x6, v5;
	v7 =	vadd.s32 v4, v7  }
0xe9: {  	v5 =	vor.u32 v5, v7;
	_ =	sdelay $0x2  }
0xea: {  	v6 =	vadd.f32 v6, v3  }
0xeb: {  	s0 =	sadd.s32 $0x3, s28;
	s28 =	smov.u32 s31  }
0xec: {  	[tilespmem:v5+s15+$0x0] =	vst.idx.msk $0xffff, v6;
	v5 =	vmov s0  }
0xed: {  	v6 =	vld [tilespmem:s29+$0x20];
	v7 =	vand.u32 $0x18, v5  }
.Ltmp10:
0xee: {  	v5 =	vand.u32 $0x7, v5;
	v7 =	vadd.s32 v4, v7;
	(pc) =	sbr.rel @p0 .LBB2_18-.Ltmp10, $2  }
0xef: {  	v5 =	vor.u32 v5, v7;
	_ =	sdelay $0x2  }
0xf0: {  	v6 =	vadd.f32 v6, v3  }
0xf1: {  	_ =	sdelay $0x3  }
0xf2: {  	v7 =	vmov s28;
	s0 =	sadd.s32 $0x80, s29;
	[tilespmem:v5+s15+$0x0] =	vst.idx.msk $0xffff, v6  }
0xf3: {  	v6 =	vand.u32 $0x18, v7;
	v5 =	vld [tilespmem:s0+$0xFFFFFFC0]  }
0xf4: {  	v7 =	vand.u32 $0x4, v7;
	v6 =	vadd.s32 v4, v6  }
0xf5: {  	v6 =	vor.u32 v7, v6;
	_ =	sdelay $0x2  }
0xf6: {  	v5 =	vadd.f32 v5, v3  }
0xf7: {  	s29 =	sadd.s32 $0x1, s28  }
0xf8: {  	[tilespmem:v6+s15+$0x0] =	vst.idx.msk $0xffff, v5;
	v5 =	vmov s29  }
0xf9: {  	v6 =	vld [tilespmem:s0+$0xFFFFFFE0];
	v7 =	vand.u32 $0x18, v5  }
0xfa: {  	v5 =	vand.u32 $0x5, v5;
	v7 =	vadd.s32 v4, v7  }
0xfb: {  	v5 =	vor.u32 v5, v7;
	_ =	sdelay $0x2  }
0xfc: {  	v6 =	vadd.f32 v6, v3  }
0xfd: {  	s29 =	sadd.s32 $0x2, s28  }
0xfe: {  	[tilespmem:v5+s15+$0x0] =	vst.idx.msk $0xffff, v6;
	v5 =	vmov s29  }
0xff: {  	v6 =	vld [tilespmem:s0+$0x0];
	v7 =	vand.u32 $0x18, v5  }
0x100: {  	v5 =	vand.u32 $0x6, v5;
	v7 =	vadd.s32 v4, v7  }
0x101: {  	v5 =	vor.u32 v5, v7;
	_ =	sdelay $0x2  }
0x102: {  	v6 =	vadd.f32 v6, v3  }
0x103: {  	s28 =	sadd.s32 $0x3, s28  }
0x104: {  	[tilespmem:v5+s15+$0x0] =	vst.idx.msk $0xffff, v6;
	v5 =	vmov s28  }
0x105: {  	v6 =	vld [tilespmem:s0+$0x20];
	v7 =	vand.u32 $0x18, v5  }
0x106: {  	v5 =	vand.u32 $0x7, v5;
	v4 =	vadd.s32 v4, v7  }
0x107: {  	v4 =	vor.u32 v5, v4;
	_ =	sdelay $0x2  }
0x108: {  	v3 =	vadd.f32 v6, v3;
	_ =	sdelay $0x1  }
0x109: {  	s31 =	simm.s32 $0x0;
	[tilespmem:v4+s15+$0x0] =	vst.idx.msk $0xffff, v3  }
0x10a: {  	v4 =	vmov s31;
	v3 =	vld [tilespmem:s26+$0x134E0]  }
0x10b: {  	v2 =	vadd.s32 v1, v2;
	v5 =	vld [tilespmem:s24+$0xFFFFFFC0];
	v6 =	vand.u32 $0x18, v4  }
0x10c: {  	v4 =	vand.u32 $0x4, v4;
	v6 =	vadd.s32 v2, v6  }
0x10d: {  	v4 =	vor.u32 v4, v6;
	_ =	sdelay $0x2  }
0x10e: {  	v5 =	vadd.f32 v5, v3  }
0x10f: {  	s26 =	simm.s32 $0x1  }
0x110: {  	[tilespmem:v4+s15+$0x0] =	vst.idx.msk $0xffff, v5;
	v4 =	vmov s26  }
0x111: {  	v5 =	vld [tilespmem:s24+$0xFFFFFFE0];
	v6 =	vand.u32 $0x18, v4  }
0x112: {  	v4 =	vand.u32 $0x5, v4;
	v6 =	vadd.s32 v2, v6  }
0x113: {  	v4 =	vor.u32 v4, v6;
	_ =	sdelay $0x2  }
0x114: {  	v5 =	vadd.f32 v5, v3  }
0x115: {  	s30 =	simm.s32 $0x2  }
0x116: {  	[tilespmem:v4+s15+$0x0] =	vst.idx.msk $0xffff, v5;
	v4 =	vmov s30  }
0x117: {  	v5 =	vld [tilespmem:s24+$0x0];
	v6 =	vand.u32 $0x18, v4  }
0x118: {  	v4 =	vand.u32 $0x6, v4;
	v6 =	vadd.s32 v2, v6  }
0x119: {  	v4 =	vor.u32 v4, v6;
	_ =	sdelay $0x2  }
0x11a: {  	v5 =	vadd.f32 v5, v3  }
0x11b: {  	s31 =	simm.s32 $0x3  }
0x11c: {  	[tilespmem:v4+s15+$0x0] =	vst.idx.msk $0xffff, v5;
	v4 =	vmov s31  }
0x11d: {  	v5 =	vld [tilespmem:s24+$0x20];
	v6 =	vand.u32 $0x18, v4  }
0x11e: {  	v4 =	vand.u32 $0x7, v4;
	v6 =	vadd.s32 v2, v6  }
0x11f: {  	v4 =	vor.u32 v4, v6;
	_ =	sdelay $0x2  }
0x120: {  	s29 =	simm.s32 $0x8;
	s28 =	smov.u32 s24;
	s26 =	simm.s32 $0x4;
	v5 =	vadd.f32 v5, v3  }
.LBB2_20:
0x121: {  	p0 =	slt.u32 s29, $0x1C  }
0x122: {  	v6 =	vmov s26;
	s28 =	sadd.s32 $0x80, s28;
	s0 =	smov.u32 s29;
	s29 =	sadd.s32 $0x4, s29;
	[tilespmem:v4+s15+$0x0] =	vst.idx.msk $0xffff, v5  }
0x123: {  	v5 =	vand.u32 $0x18, v6;
	v4 =	vld [tilespmem:s28+$0xFFFFFFC0]  }
0x124: {  	v6 =	vand.u32 $0x4, v6;
	v5 =	vadd.s32 v2, v5  }
0x125: {  	v5 =	vor.u32 v6, v5;
	_ =	sdelay $0x2  }
0x126: {  	v4 =	vadd.f32 v4, v3  }
0x127: {  	s30 =	sadd.s32 $0x1, s26  }
0x128: {  	[tilespmem:v5+s15+$0x0] =	vst.idx.msk $0xffff, v4;
	v4 =	vmov s30  }
0x129: {  	v5 =	vld [tilespmem:s28+$0xFFFFFFE0];
	v6 =	vand.u32 $0x18, v4  }
0x12a: {  	v4 =	vand.u32 $0x5, v4;
	v6 =	vadd.s32 v2, v6  }
0x12b: {  	v4 =	vor.u32 v4, v6;
	_ =	sdelay $0x2  }
0x12c: {  	v5 =	vadd.f32 v5, v3  }
0x12d: {  	s30 =	sadd.s32 $0x2, s26  }
0x12e: {  	[tilespmem:v4+s15+$0x0] =	vst.idx.msk $0xffff, v5;
	v4 =	vmov s30  }
0x12f: {  	v5 =	vld [tilespmem:s28+$0x0];
	v6 =	vand.u32 $0x18, v4  }
0x130: {  	v4 =	vand.u32 $0x6, v4;
	v6 =	vadd.s32 v2, v6  }
0x131: {  	v4 =	vor.u32 v4, v6;
	_ =	sdelay $0x2  }
0x132: {  	v5 =	vadd.f32 v5, v3  }
0x133: {  	s30 =	sadd.s32 $0x3, s26;
	s26 =	smov.u32 s0  }
0x134: {  	[tilespmem:v4+s15+$0x0] =	vst.idx.msk $0xffff, v5;
	v4 =	vmov s30  }
0x135: {  	v5 =	vld [tilespmem:s28+$0x20];
	v6 =	vand.u32 $0x18, v4  }
.Ltmp11:
0x136: {  	v4 =	vand.u32 $0x7, v4;
	v6 =	vadd.s32 v2, v6;
	(pc) =	sbr.rel @p0 .LBB2_20-.Ltmp11, $2  }
0x137: {  	v4 =	vor.u32 v4, v6;
	_ =	sdelay $0x2  }
0x138: {  	v5 =	vadd.f32 v5, v3  }
0x139: {  	_ =	sdelay $0x3  }
0x13a: {  	v6 =	vmov s26;
	s0 =	sadd.s32 $0x80, s28;
	[tilespmem:v4+s15+$0x0] =	vst.idx.msk $0xffff, v5  }
0x13b: {  	v57 =	vand.u32 $0x18, v6;
	v4 =	vld [tilespmem:s0+$0xFFFFFFC0]  }
0x13c: {  	v6 =	vand.u32 $0x4, v6;
	v5 =	vadd.s32 v2, v57  }
0x13d: {  	v5 =	vor.u32 v6, v5;
	_ =	sdelay $0x2  }
0x13e: {  	v4 =	vadd.f32 v4, v3  }
0x13f: {  	s29 =	sadd.s32 $0x1, s26  }
0x140: {  	v58 =	vmov s29;
	[tilespmem:v5+s15+$0x0] =	vst.idx.msk $0xffff, v4  }
0x141: {  	v59 =	vand.u32 $0x18, v58;
	v5 =	vld [tilespmem:s0+$0xFFFFFFE0]  }
0x142: {  	v6 =	vadd.s32 v2, v59;
	v4 =	vand.u32 $0x5, v58  }
0x143: {  	v4 =	vor.u32 v4, v6;
	_ =	sdelay $0x2  }
0x144: {  	v5 =	vadd.f32 v5, v3  }
0x145: {  	s30 =	sadd.s32 $0x2, s26  }
0x146: {  	v60 =	vmov s30;
	[tilespmem:v4+s15+$0x0] =	vst.idx.msk $0xffff, v5  }
0x147: {  	v61 =	vand.u32 $0x18, v60;
	v5 =	vld [tilespmem:s0+$0x0]  }
0x148: {  	v6 =	vadd.s32 v2, v61;
	v4 =	vand.u32 $0x6, v60  }
0x149: {  	v4 =	vor.u32 v4, v6;
	_ =	sdelay $0x2  }
0x14a: {  	v5 =	vadd.f32 v5, v3  }
0x14b: {  	s31 =	sadd.s32 $0x3, s26  }
0x14c: {  	v62 =	vmov s31;
	[tilespmem:v4+s15+$0x0] =	vst.idx.msk $0xffff, v5  }
0x14d: {  	v63 =	vand.u32 $0x18, v62;
	v5 =	vld [tilespmem:s0+$0x20]  }
0x14e: {  	s25 =	sadd.s32 $0x1, s25;
	v2 =	vadd.s32 v2, v63;
	v4 =	vand.u32 $0x7, v62  }
0x14f: {  	p0 =	sne.s32 s25, $0x1A;
	v2 =	vor.u32 v4, v2  }
.Ltmp12:
0x150: {  	_ = 	snop;
	(pc) =	sbr.rel @p0 .LBB2_17-.Ltmp12, $3  }
0x151: {  	_ = 	snop  }
0x152: {  	v3 =	vadd.f32 v5, v3;
	_ =	sdelay $0x1  }
0x153: {  	s23 =	sadd.s32 $0x400, s23;
	s24 =	sadd.s32 $0x400, s24;
	[tilespmem:v2+s15+$0x0] =	vst.idx.msk $0xffff, v3  }
0x154: {  	s0 =	sshll.u32 s21, $0x5  }
0x155: {  	s22 =	sadd.s32 s10, s0;
	s0 =	sand.u32 $0x60, s0  }
0x156: {  	p0 =	seq.s32 s22, $0x0;
	p1 =	sne.s32 s0, $0x0  }
0x157: {  	p0 =	por !p0, !p1  }
0x158: {  	s23 =	simm.s32 $0x1;
	p0 =	por !p0, !p0  }
0x159: {  	s22 =	sshrl.u32 s22, $0x7;
	s23 =	simm.s32 @!p0 $0x0  }
0x15a: {  	s22 =	ssub.s32 s22, s23  }
0x15b: {  	s22 =	sshll.u32 s22, $0xA  }
0x15c: {  	s0 =	sor.u32 s0, s22  }
0x15d: {  	s0 =	sshrl.u32 s0, $0x3  }
0x15e: {  	s26 =	simm.s32 $0x6E80;
	s0 =	sadd.s32 s1, s0  }
0x15f: {  	[hbm4b:s0+s2] =	stream.linear.scatter [tilespmem:s26], [sflag:$0x2], $0x20, $0x38;
	[tilespmem:$0x13B50] =	vst v63  }
0x160: {  	s28 =	simm.s32 $0x6EA8;
	s29 =	sadd.s32 $0x10, s0  }
0x161: {  	[hbm4b:s29+s2] =	stream.linear.scatter [tilespmem:s28], [sflag:$0x2], $0x20, $0x38;
	[tilespmem:$0x13B50] =	vst v63  }
0x162: {  	s30 =	simm.s32 $0x6ED0;
	s25 =	simm.s32 $0x6F20;
	s31 =	sadd.s32 $0x20, s0  }
0x163: {  	[hbm4b:s31+s2] =	stream.linear.scatter [tilespmem:s30], [sflag:$0x2], $0x20, $0x38;
	[tilespmem:$0x13B50] =	vst v63  }
0x164: {  	s23 =	simm.s32 $0x6EF8;
	s22 =	simm.s32 $0x140;
	s24 =	sadd.s32 $0x30, s0  }
0x165: {  	[hbm4b:s24+s2] =	stream.linear.scatter [tilespmem:s23], [sflag:$0x2], $0x20, $0x38;
	[tilespmem:$0x13B50] =	vst v63  }
0x166: {  	s26 =	sadd.s32 $0x40, s0;
	s28 =	simm.s32 $0x6F48;
	s29 =	sadd.s32 $0x50, s0  }
0x167: {  	[hbm4b:s26+s2] =	stream.linear.scatter [tilespmem:s25], [sflag:$0x2], $0x20, $0x38;
	[tilespmem:$0x13B50] =	vst v63  }
0x168: {  	s30 =	simm.s32 $0x6F70;
	s31 =	sadd.s32 $0x60, s0;
	s24 =	simm.s32 $0xA00  }
0x169: {  	[hbm4b:s29+s2] =	stream.linear.scatter [tilespmem:s28], [sflag:$0x2], $0x20, $0x38;
	[tilespmem:$0x13B50] =	vst v63  }
0x16a: {  	s23 =	sadd.s32 $0x4000, s0;
	s25 =	simm.s32 $0x6F98;
	s26 =	sadd.s32 $0x70, s0  }
0x16b: {  	[hbm4b:s31+s2] =	stream.linear.scatter [tilespmem:s30], [sflag:$0x2], $0x20, $0x38;
	[tilespmem:$0x13B50] =	vst v63  }
.LBB2_23:
0x16c: {  	[hbm4b:s26+s2] =	stream.linear.scatter [tilespmem:s25], [sflag:$0x2], $0x20, $0x38;
	[tilespmem:$0x13B50] =	vst v63  }
0x16d: {  	s0 =	smov.u32 s22;
	s22 =	smov.u32 s24  }
0x16e: {  	s28 =	sadd.s32 $0x500, s24;
	s22 =	sshra.s32 s22, $0x2;
	s25 =	sadd.s32 $0x6E80, s0  }
0x16f: {  	[hbm4b:s23+s2] =	stream.linear.scatter [tilespmem:s25], [sflag:$0x2], $0x20, $0x38;
	[tilespmem:$0x13B50] =	vst v63  }
0x170: {  	p0 =	sne.s32 s24, $0x30700;
	s24 =	sadd.s32 $0x6EA8, s0;
	s25 =	sadd.s32 $0x10, s23  }
0x171: {  	[hbm4b:s25+s2] =	stream.linear.scatter [tilespmem:s24], [sflag:$0x2], $0x20, $0x38;
	[tilespmem:$0x13B50] =	vst v63  }
0x172: {  	s24 =	sadd.s32 $0x6ED0, s0;
	s25 =	sadd.s32 $0x20, s23  }
0x173: {  	[hbm4b:s25+s2] =	stream.linear.scatter [tilespmem:s24], [sflag:$0x2], $0x20, $0x38;
	[tilespmem:$0x13B50] =	vst v63  }
0x174: {  	s24 =	sadd.s32 $0x6EF8, s0;
	s25 =	sadd.s32 $0x30, s23  }
0x175: {  	[hbm4b:s25+s2] =	stream.linear.scatter [tilespmem:s24], [sflag:$0x2], $0x20, $0x38;
	[tilespmem:$0x13B50] =	vst v63  }
0x176: {  	s24 =	sadd.s32 $0x6F20, s0;
	s25 =	sadd.s32 $0x40, s23  }
0x177: {  	[hbm4b:s25+s2] =	stream.linear.scatter [tilespmem:s24], [sflag:$0x2], $0x20, $0x38;
	[tilespmem:$0x13B50] =	vst v63  }
.Ltmp13:
0x178: {  	s24 =	sadd.s32 $0x6F48, s0;
	s25 =	sadd.s32 $0x50, s23;
	(pc) =	sbr.rel @p0 .LBB2_23-.Ltmp13, $4  }
0x179: {  	[hbm4b:s25+s2] =	stream.linear.scatter [tilespmem:s24], [sflag:$0x2], $0x20, $0x38;
	[tilespmem:$0x13B50] =	vst v63  }
0x17a: {  	s26 =	sadd.s32 $0x70, s23;
	s24 =	sadd.s32 $0x6F70, s0;
	s25 =	sadd.s32 $0x60, s23  }
0x17b: {  	[hbm4b:s25+s2] =	stream.linear.scatter [tilespmem:s24], [sflag:$0x2], $0x20, $0x38;
	[tilespmem:$0x13B50] =	vst v63  }
0x17c: {  	s23 =	sadd.s32 $0x4000, s23;
	s25 =	sadd.s32 $0x6F98, s0;
	s24 =	smov.u32 s28  }
0x17d: {  	[hbm4b:s26+s2] =	stream.linear.scatter [tilespmem:s25], [sflag:$0x2], $0x20, $0x38;
	[tilespmem:$0x13B50] =	vst v63  }
0x17e: {  	s0 =	sadd.s32 $0x6E80, s22  }
0x17f: {  	[hbm4b:s23+s2] =	stream.linear.scatter [tilespmem:s0], [sflag:$0x2], $0x20, $0x38;
	[tilespmem:$0x13B50] =	vst v63  }
0x180: {  	s31 =	sadd.s32 $0x6EA8, s22;
	s24 =	sadd.s32 $0x10, s23  }
0x181: {  	[hbm4b:s24+s2] =	stream.linear.scatter [tilespmem:s31], [sflag:$0x2], $0x20, $0x38;
	[tilespmem:$0x13B50] =	vst v63  }
0x182: {  	s25 =	sadd.s32 $0x6ED0, s22;
	s26 =	sadd.s32 $0x20, s23  }
0x183: {  	[hbm4b:s26+s2] =	stream.linear.scatter [tilespmem:s25], [sflag:$0x2], $0x20, $0x38;
	[tilespmem:$0x13B50] =	vst v63  }
0x184: {  	s28 =	sadd.s32 $0x6EF8, s22;
	s29 =	sadd.s32 $0x30, s23  }
0x185: {  	[hbm4b:s29+s2] =	stream.linear.scatter [tilespmem:s28], [sflag:$0x2], $0x20, $0x38;
	[tilespmem:$0x13B50] =	vst v63  }
0x186: {  	s30 =	sadd.s32 $0x6F20, s22;
	s31 =	sadd.s32 $0x40, s23  }
0x187: {  	[hbm4b:s31+s2] =	stream.linear.scatter [tilespmem:s30], [sflag:$0x2], $0x20, $0x38;
	[tilespmem:$0x13B50] =	vst v63  }
0x188: {  	s21 =	sadd.s32 $0x1, s21;
	s25 =	sadd.s32 $0x6F48, s22;
	s26 =	sadd.s32 $0x50, s23  }
0x189: {  	[hbm4b:s26+s2] =	stream.linear.scatter [tilespmem:s25], [sflag:$0x2], $0x20, $0x38;
	[tilespmem:$0x13B50] =	vst v63  }
0x18a: {  	p0 =	sne.s32 s21, $0x10;
	s28 =	sadd.s32 $0x6F70, s22;
	s29 =	sadd.s32 $0x60, s23  }
0x18b: {  	[hbm4b:s29+s2] =	stream.linear.scatter [tilespmem:s28], [sflag:$0x2], $0x20, $0x38;
	[tilespmem:$0x13B50] =	vst v63  }
.Ltmp14:
0x18c: {  	s30 =	sadd.s32 $0x6F98, s22;
	s31 =	sadd.s32 $0x70, s23;
	(pc) =	sbr.rel @p0 .LBB2_14-.Ltmp14, $4  }
0x18d: {  	[hbm4b:s31+s2] =	stream.linear.scatter [tilespmem:s30], [sflag:$0x2], $0x20, $0x38;
	[tilespmem:$0x13B50] =	vst v63  }
0x18e: {  	_ =	swait.ge [sflag:s14], $0x9C00  }
0x18f: {  	[sflag:s14] =	ssyncset.done $0x0  }
0x190: {  	[sflag:s14] =	ssyncadd.s32 $0xFFFF6400  }
0x191: {  	s19 =	sadd.s32 $0x1, s19  }
0x192: {  	p0 =	sne.s32 s19, s12  }
.Ltmp15:
0x193: {  	_ = 	snop;
	(pc) =	sbr.rel @p0 .LBB2_1-.Ltmp15, $1  }
0x194: {  	_ =	sdelay $0x3  }
0x195: {  	_ =	sfence.sel $0x180000  }
0x196: {  	[bflag:$0x0] =	sbarrier.arrive $0xFFFF  }
0x197: {  	_ =	strace $0x9000004A  }
0x198: {  	[bflag:$0x2] =	sbarrier.arrive $0xFFFF  }
0x199: {  	p0 =	sne.s32 s3, $0x0;
	s0 =	rddreg [dreg:$0x2]  }
0x19a: {  	s0 =	sadd.s32 @!p0 $0x100000, s0  }
0x19b: {  	[sflag:s0] =	ssyncadd.tile.s32 @!p0 $0x1;
	_ =	shalt  }
.Lfunc_end2:
_tile_overlayer_lowered:
.L_overlay_start_2:
0x19c: {  	(tag) =	ssettag $0x2  }
0x19d: {  	s0 =	rddreg [dreg:$0x0];
	s2 =	stileid.u32  }
0x19e: {  	s1 =	rddreg [dreg:$0x1];
	p0 =	sne.s32 s2, $0x0  }
0x19f: {  	s3 =	rddreg [dreg:$0x2];
	[bflag:$0x3] =	sbarrier.arrive $0xFFFF;
	s2 =	simm.s32 @!p0 $0x1C02  }
0x1a0: {  	[timem:s3], [sflag:s2] =	dma.local @!p0 [hbm:s0], s1  }
0x1a1: {  	s0 =	simm.s32 @!p0 $0x2  }
0x1a2: {  	_ =	swait.ge @!p0 [sflag:s0], s1  }
0x1a3: {  	s1 =	ssub.s32 @!p0 $0x0, s1;
	[sflag:s0] =	ssyncset.done @!p0 $0x0  }
0x1a4: {  	[sflag:s0] =	ssyncadd.s32 @!p0 s1  }
0x1a5: {  	[bflag:$0x3] =	sbarrier.arrive $0xFFFF  }
0x1a6: {  	_ =	shalt  }

// kernel: sparse-core-data-format-call.cloned.1.call-start
scs
called_computation_lowered:
.L_overlay_start_0:
0x0: {  	s1 =	sld [smem:$0x3FD9]  }
0x1: {  	s2 =	sld [smem:$0x3FFE];
	_ =	sdelay $0x1  }
0x2: {  	s3 =	srdreg.scid  }
0x3: {  	s0 =	sand.u32 $0x1, s3  }
0x4: {  	s17 =	sshll.u32 s0, $0xA;
	s1 =	sadd.s32 s2, s1  }
0x5: {  	s1 =	sadd.s32 s1, s17  }
0x6: {  	[smem:$0x3FC2] =	sst s1  }
0x7: {  	_ = 	snop  }
0x8: {  	(tm) =	ssettm $0x1  }
0x9: {  	s18 =	sld [smem:$0x3FFB];
	_ =	sdelay $0x3  }
0xa: {  	_ =	strace s18  }
0xb: {  	s1 =	sld [smem:$0x3FFC];
	_ =	sdelay $0x3  }
0xc: {  	_ =	strace s1  }
0xd: {  	s1 =	sld [smem:$0x3FFD];
	_ =	sdelay $0x3  }
0xe: {  	_ =	strace s1  }
0xf: {  	_ =	strace $0x8FFFFFFF  }
0x10: {  	s19 =	sld [smem:$0x3FDB];
	_ =	sdelay $0x1  }
0x11: {  	s20 =	simm.s32 $_scs_section_size  }
0x12: {  	s4 =	simm.s32 $_size__tile_overlayer_lowered;
	s5 =	simm.s32 $_tile_overlayer_lowered  }
0x13: {  	s23 =	simm.s32 $0x1BFF;
	s22 =	sshll.u32 s5, $0x1;
	s1 =	sadd.s32 s20, s19  }
0x14: {  	s6 =	simm.s32 $0x0;
	s21 =	sshll.u32 s4, $0x1;
	s4 =	sadd.s32 s22, s1  }
0x15: {  	[timem:s6], [sflag:s23] =	dma.local [hbm:s4], s21  }
0x16: {  	_ =	swait.ge [sflag:s23], s21  }
0x17: {  	s2 =	ssub.s32 $0x0, s21;
	[sflag:s23] =	ssyncset.done $0x0  }
0x18: {  	[sflag:s23] =	ssyncadd.s32 s2;
	_ =	sdelay $0x1  }
0x19: {  	s24 =	simm.s32 $0x1B8B  }
0x1a: {  	_ =	swait.ge [sflag:s24], $0x1  }
0x1b: {  	[sflag:s24] =	ssyncset.done $0x0  }
0x1c: {  	s26 =	simm.s32 $0x1B8E;
	s25 =	sld [smem:$0x3FFE];
	[sflag:s24] =	ssyncadd.s32 $0xFFFFFFFF  }
0x1d: {  	s27 =	simm.s32 $execute0_lowered;
	[smem:$0x3FD2] =	sst s26  }
0x1e: {  	s4 =	sshll.u32 s27, $0x1;
	_ =	strace $0x8000004C;
	[dreg:$0x1] =	wrdreg $0xFFFFFFFF  }
0x1f: {  	s28 =	simm.s32 $_size_execute0_lowered;
	s1 =	sadd.s32 s1, s4;
	[dreg:$0x0] =	wrdreg $0x0  }
0x20: {  	s4 =	sshll.u32 s28, $0x1;
	[dreg:$0x2] =	wrdreg s1  }
0x21: {  	[dreg:$0x3] =	wrdreg s4  }
0x22: {  	[dreg:$0x4] =	wrdreg $0xC0  }
0x23: {  	_ =	task [dreg:s6], $0x5FFFF  }
0x24: {  	[dreg:$0x1] =	wrdreg $0xFFFFFFFF  }
0x25: {  	[dreg:$0x0] =	wrdreg $0x60  }
0x26: {  	[dreg:$0x2] =	wrdreg s25  }
0x27: {  	[dreg:$0x3] =	wrdreg $0x9  }
0x28: {  	_ =	task.clear_ibuf [dreg:s6], $0x4FFFF;
	_ =	strace $0x9000004C  }
0x29: {  	s29 =	simm.s32 $0x9;
	_ =	strace $0x8000004E  }
0x2a: {  	_ =	swait.ge [sflag:s29], $0x1  }
0x2b: {  	[sflag:s29] =	ssyncadd.s32 $0xFFFFFFFF  }
0x2c: {  	_ =	strace $0x9000004E  }
0x2d: {  	_ =	sfence  }
0x2e: {  	s30 =	sld [smem:$0x0];
	_ =	sdelay $0x2  }
0x2f: {  	s31 =	sshll.u32 s3, $0xD;
	s3 =	sshrl.u32 s3, $0x2  }
0x30: {  	s2 =	sand.u32 $0x4000, s31;
	s1 =	sadd.s32 s3, s30  }
0x31: {  	s0 =	sor.u32 s2, s0;
	s1 =	sshll.u32 s1, $0x11  }
0x32: {  	s0 =	sor.u32 s1, s0  }
0x33: {  	s0 =	sadd.s32 $0x8F2B, s0  }
0x34: {  	[sflag:s0] =	ssyncadd.remote.s32 $0x1  }
0x35: {  	_ =	sfence.sel $0xFFFF  }
0x36: {  	[dreg:$0x0] =	wrdreg $0xFFFFFFFF;
	(pc) =	sbr.abs _section_cstart, $3  }
0x37: {  	[dreg:$0x1] =	wrdreg $0xFFFFFFFF  }
0x38: {  	_ =	task.clear_ibuf [dreg:s6], $0x2FFFF;
	_ =	strace $0x9FFFFFFF  }
0x39: {  	(tm) =	ssettm $0x7FFFFFFF  }
tec
execute0_lowered:
.L_overlay_start_1:
0x0: {  	(tag) =	ssettag $0x1  }
0x1: {  	s0 =	srdreg.scid;
	s9 =	rddreg [dreg:$0x0]  }
0x2: {  	s1 =	stileid.u32;
	s7 =	simm.s32 $0x2;
	s14 =	simm.s32 $0x0  }
0x3: {  	p0 =	por $0x0, $0x0;
	s10 =	simm.s32 $0x20;
	s11 =	simm.s32 $0x200  }
0x4: {  	s16 =	simm.s32 $0x0;
	s15 =	simm.s32 $0x0;
	s13 =	simm.s32 $0x0  }
0x5: {  	s12 =	simm.s32 $0x0;
	s3 =	sshll.u32 s0, $0x4;
	s0 =	rddreg [dreg:$0x1]  }
0x6: {  	s2 =	sand.u32 $0x7, s1;
	_ =	strace $0x8000004D;
	s3 =	sand.u32 $0x10, s3  }
.Ltmp0:
0x7: {  	s4 =	sshll.u32 s2, $0x6;
	s3 =	sor.u32 s1, s3;
	(pc) =	sbr.rel .LBB1_1-.Ltmp0, $4  }
0x8: {  	s6 =	sadd.s32 s4, s9;
	s4 =	simm.s32 $0x1;
	s3 =	sshrl.u32 s3, $0x3  }
0x9: {  	s5 =	sadd.s32 $0x9C1800, s9;
	[sflag:s4] =	ssyncpa.u1 $0x0;
	s8 =	sshll.u32 s3, $0x4  }
0xa: {  	[sflag:s7] =	ssyncpa.u1 $0x0;
	s7 =	sadd.s32 $0x9D1800, s9;
	s6 =	sadd.s32 s8, s6  }
0xb: {  	s8 =	sadd.s32 $0x9E1800, s9;
	s9 =	sadd.s32 $0x9F1800, s9;
	s6 =	sadd.s32 $0x1800, s6  }
.LBB1_7:
0xc: {  	s17 =	sadd.s32 $0x1, s13  }
0xd: {  	p1 =	slt.u32 s12, $0x2;
	s12 =	sadd.s32 $0x1, s12;
	p2 =	sgt.s32 s17, $0x26  }
0xe: {  	s17 =	simm.s32 @p2 $0x0;
	p2 =	sne.s32 s12, $0x29  }
.Ltmp1:
0xf: {  	_ = 	snop;
	(pc) =	sbr.rel @!p2 .LBB1_8-.Ltmp1, $4  }
0x10: {  	s14 =	simm.s32 @!p1 $0x2  }
0x11: {  	s15 =	smov.u32 s13;
	_ =	swait.ge @!p1 [sflag:s14], $0x4000  }
0x12: {  	p0 =	por !p0, !p0;
	s16 =	smov.u32 s2;
	[sflag:s14] =	ssyncset.done @!p1 $0x0  }
0x13: {  	s13 =	smov.u32 s17;
	[sflag:s14] =	ssyncadd.s32 @!p1 $0xFFFFC000;
	s14 =	smov.u32 s3  }
.LBB1_1:
0x14: {  	p1 =	sgt.u32 s12, $0x26  }
0x15: {  	s17 =	sxor.u32 @!p1 $0xFFFFFFFF, s12  }
0x16: {  	s18 =	sshll.u32 @!p1 s13, $0x12;
	s19 =	simm.s32 @!p1 $0x20;
	s17 =	sshll.u32 @!p1 s17, $0xE  }
0x17: {  	s20 =	simm.s32 @!p1 $0x1000;
	s18 =	sadd.s32 @!p1 s18, s6;
	s17 =	sand.u32 @!p1 $0x4000, s17  }
0x18: {  	[tilespmem:s17], [sflag:$0x1] =	stream.strided.gather @!p1 [hbm4b:s18+s19], $0x4000, s20, s19, $0x38;
	[tilespmem:$0x10000] =	vst v63  }
0x19: {  	p1 =	seq.s32 s12, $0x0  }
0x1a: {  	p2 =	seq.s32 @!p1 s12, $0x28  }
0x1b: {  	p1 =	por p1, p2  }
.Ltmp2:
0x1c: {  	_ = 	snop;
	(pc) =	sbr.rel @p1 .LBB1_7-.Ltmp2, $1  }
0x1d: {  	_ =	sdelay $0x3  }
0x1e: {  	s17 =	simm.s32 $0x1;
	_ =	swait.ge [sflag:s4], $0x4000  }
0x1f: {  	s31 =	sshll.u32 s12, $0xE;
	s21 =	simm.s32 $0x0;
	s17 =	simm.s32 @!p0 $0x0  }
0x20: {  	[sflag:s4] =	ssyncset.done $0x0;
	s19 =	sshll.u32 s17, $0xE;
	s17 =	sand.u32 $0x4000, s31  }
0x21: {  	[sflag:s4] =	ssyncadd.s32 $0xFFFFC000;
	s20 =	sor.u32 $0x8000, s19;
	s18 =	sor.u32 $0x8000, s17  }
.LBB1_3:
0x22: {  	v1 =	vmov s19;
	_ =	sdelay $0x3  }
0x23: {  	s22 =	simm.s32 $0x0  }
0x24: {  	v2 =	vld.idx.msk [tilespmem:v1+s22+$0x10 ss:$0x1], $0xffff  }
0x25: {  	v0 =	vmov s20;
	s23 =	simm.s32 $0x80;
	v3 =	vld.idx.msk [tilespmem:v1+s22+$0x0 ss:$0x1], $0xffff  }
.LBB1_4:
0x26: {  	p1 =	sne.s32 s23, $0x3F80  }
.Ltmp3:
0x27: {  	_ = 	snop;
	(pc) =	sbr.rel @p1 .LBB1_4-.Ltmp3, $4  }
0x28: {  	_ = 	snop  }
0x29: {  	s24 =	sshra.s32 s23, $0x2;
	s23 =	sadd.s32 $0x80, s23  }
0x2a: {  	[tilespmem:v0+s22+$0x10 ss:$0x1] =	vst.idx.msk $0xffff, v2;
	v2 =	vld.idx.msk [tilespmem:v1+s24+$0x10 ss:$0x1], $0xffff  }
0x2b: {  	[tilespmem:v0+s22+$0x0 ss:$0x1] =	vst.idx.msk $0xffff, v3;
	v3 =	vld.idx.msk [tilespmem:v1+s24+$0x0 ss:$0x1], $0xffff;
	s22 =	smov.u32 s24  }
0x2c: {  	s21 =	sadd.s32 $0x1, s21  }
0x2d: {  	p1 =	sne.s32 s21, $0x4  }
.Ltmp4:
0x2e: {  	_ = 	snop;
	(pc) =	sbr.rel @p1 .LBB1_3-.Ltmp4, $3  }
0x2f: {  	_ =	sdelay $0x1  }
0x30: {  	[tilespmem:v0+s22+$0x10 ss:$0x1] =	vst.idx.msk $0xffff, v2  }
0x31: {  	s19 =	sadd.s32 $0x1000, s19;
	s20 =	sadd.s32 $0x1000, s20;
	[tilespmem:v0+s22+$0x0 ss:$0x1] =	vst.idx.msk $0xffff, v3  }
0x32: {  	s15 =	sshll.u32 s15, $0x12;
	s16 =	sshll.u32 s16, $0xD  }
0x33: {  	s14 =	sshll.u32 s14, $0x4;
	s19 =	sor.u32 s16, s15  }
0x34: {  	s14 =	sand.u32 $0x30, s14;
	s19 =	sadd.s32 s5, s19  }
0x35: {  	s27 =	sadd.s32 s15, s7;
	s19 =	sadd.s32 s14, s19  }
0x36: {  	[hbm4b:s19+s10] =	stream.strided.scatter [tilespmem:s18], [sflag:$0x2], $0x1000, s11, s10, $0x38;
	[tilespmem:$0x10000] =	vst v63  }
0x37: {  	s18 =	sadd.s32 s16, s27  }
0x38: {  	s28 =	sadd.s32 $0x9000, s17;
	s29 =	sadd.s32 s15, s8;
	s18 =	sadd.s32 s14, s18  }
0x39: {  	[hbm4b:s18+s10] =	stream.strided.scatter [tilespmem:s28], [sflag:$0x2], $0x1000, s11, s10, $0x38;
	[tilespmem:$0x10000] =	vst v63  }
.Ltmp5:
0x3a: {  	s15 =	sadd.s32 s15, s9;
	s18 =	sadd.s32 s16, s29;
	(pc) =	sbr.rel .LBB1_7-.Ltmp5, $4  }
0x3b: {  	s30 =	sadd.s32 $0xA000, s17;
	s15 =	sadd.s32 s16, s15;
	s18 =	sadd.s32 s14, s18  }
0x3c: {  	[hbm4b:s18+s10] =	stream.strided.scatter [tilespmem:s30], [sflag:$0x2], $0x1000, s11, s10, $0x38;
	[tilespmem:$0x10000] =	vst v63  }
0x3d: {  	s31 =	sadd.s32 $0xB000, s17;
	s14 =	sadd.s32 s14, s15  }
0x3e: {  	[hbm4b:s14+s10] =	stream.strided.scatter [tilespmem:s31], [sflag:$0x2], $0x1000, s11, s10, $0x38;
	[tilespmem:$0x10000] =	vst v63  }
.LBB1_8:
0x3f: {  	_ =	sfence.sel $0x180000  }
0x40: {  	s2 =	simm.s32 $0x1;
	[bflag:$0x0] =	sbarrier.arrive $0xFFFF  }
0x41: {  	s31 =	simm.s32 $0x2;
	[sflag:s2] =	ssyncpa.u1 $0x1  }
0x42: {  	[sflag:s31] =	ssyncpa.u1 $0x1  }
0x43: {  	p0 =	sne.s32 s1, $0x0;
	_ =	strace $0x9000004D  }
0x44: {  	s0 =	sadd.s32 @!p0 $0x100000, s0;
	[bflag:$0x2] =	sbarrier.arrive $0xFFFF  }
0x45: {  	[sflag:s0] =	ssyncadd.tile.s32 @!p0 $0x1;
	_ =	shalt  }
.Lfunc_end1:
_tile_overlayer_lowered:
.L_overlay_start_2:
0x46: {  	(tag) =	ssettag $0x2  }
0x47: {  	s0 =	rddreg [dreg:$0x0];
	s2 =	stileid.u32  }
0x48: {  	s1 =	rddreg [dreg:$0x1];
	p0 =	sne.s32 s2, $0x0  }
0x49: {  	s3 =	rddreg [dreg:$0x2];
	[bflag:$0x3] =	sbarrier.arrive $0xFFFF;
	s2 =	simm.s32 @!p0 $0x1C01  }
0x4a: {  	[timem:s3], [sflag:s2] =	dma.local @!p0 [hbm:s0], s1  }
0x4b: {  	s0 =	simm.s32 @!p0 $0x1  }
0x4c: {  	_ =	swait.ge @!p0 [sflag:s0], s1  }
0x4d: {  	s1 =	ssub.s32 @!p0 $0x0, s1;
	[sflag:s0] =	ssyncset.done @!p0 $0x0  }
0x4e: {  	[sflag:s0] =	ssyncadd.s32 @!p0 s1  }
0x4f: {  	[bflag:$0x3] =	sbarrier.arrive $0xFFFF  }
0x50: {  	_ =	shalt  }

</sc_bundles>
